<compile_context>
chip_gen: v7x
topology: tpu7x:2x2x1
jax: 0.10.2.dev20260603
libtpu: 0.0.44.dev20260713+nightly
codegen_flags: <defaults>
</compile_context>

<pallas_src>
import functools
import jax
import jax.numpy as jnp
from jax import lax
from jax.experimental import pallas as pl
from jax.experimental.pallas import tpu as pltpu
from jax.experimental.pallas import tpu_sc as plsc

N = 10000
E = 320000
D = 128
G = 64

NC = 2
NS = 16
NW = NC * NS

NPAD = 10240
ROWS_PER_TILE = NPAD // NS
CH = 128
APT = 158
GB = 16
APAD = ((APT + GB - 1) // GB) * GB

_mesh = plsc.VectorSubcoreMesh(
    core_axis_name="c", subcore_axis_name="s", num_cores=NC, num_subcores=NS)


@functools.partial(
    pl.kernel,
    out_type=jax.ShapeDtypeStruct((NPAD,), jnp.float32),
    mesh=_mesh,
    scratch_types=[
        pltpu.VMEM((APAD, CH), jnp.int32),
        pltpu.VMEM((CH,), jnp.float32),
        pltpu.VMEM_SHARED((NPAD,), jnp.float32),
    ],
)
def _deg(dst_hbm, deg_out, dst_v, ones_v, deg_sh):
    cid = lax.axis_index("c")
    sid = lax.axis_index("s")

    @pl.when(cid == 1)
    def _():
        z16 = jnp.zeros((16,), jnp.float32)
        for i in range(CH // 16):
            ones_v[pl.ds(i * 16, 16)] = z16
        for i in range(ROWS_PER_TILE // CH):
            pltpu.sync_copy(
                ones_v, deg_sh.at[pl.ds(sid * ROWS_PER_TILE + i * CH, CH)])
        o16 = jnp.full((16,), 1.0, jnp.float32)
        for i in range(CH // 16):
            ones_v[pl.ds(i * 16, 16)] = o16
        pltpu.sync_copy(dst_hbm.at[sid], dst_v)
        plsc.subcore_barrier()

        def body(j, carry):
            pltpu.sync_copy(ones_v, deg_sh.at[dst_v.at[j]], add=True)
            return carry

        lax.fori_loop(0, APT, body, 0)
        plsc.subcore_barrier()
        pltpu.sync_copy(deg_sh.at[pl.ds(sid * ROWS_PER_TILE, ROWS_PER_TILE)],
                        deg_out.at[pl.ds(sid * ROWS_PER_TILE, ROWS_PER_TILE)])


@functools.partial(
    pl.kernel,
    out_type=jax.ShapeDtypeStruct((NPAD, D), jnp.float32),
    mesh=_mesh,
    scratch_types=[
        pltpu.VMEM((GB, CH), jnp.int32),
        pltpu.VMEM((GB, CH), jnp.int32),
        pltpu.VMEM((2, CH, D), jnp.float32),
        pltpu.VMEM_SHARED((NPAD, D), jnp.float32),
        pltpu.SemaphoreType.DMA,
        pltpu.SemaphoreType.DMA,
    ],
)
def _scatter(hs_hbm, src_hbm, dst_hbm, out_hbm, srcb, dstb, rows, acc_sh,
             gsem0, gsem1):
    cid = lax.axis_index("c")
    sid = lax.axis_index("s")

    @pl.when(cid == 1)
    def _():
        z16 = jnp.zeros((16,), jnp.float32)

        def zero_rows(r, carry):
            for c in range(D // 16):
                rows[0, r, pl.ds(c * 16, 16)] = z16
            return carry

        lax.fori_loop(0, CH, zero_rows, 0)

        def zinit(i, carry):
            pltpu.sync_copy(rows.at[0],
                            acc_sh.at[pl.ds(sid * ROWS_PER_TILE + i * CH, CH)])
            return carry

        lax.fori_loop(0, ROWS_PER_TILE // CH, zinit, 0)
        plsc.subcore_barrier()

        def group(g, carry):
            gc = jnp.minimum(APT - g * GB, GB)
            pltpu.sync_copy(src_hbm.at[sid, pl.ds(g * GB, GB)], srcb)
            pltpu.sync_copy(dst_hbm.at[sid, pl.ds(g * GB, GB)], dstb)
            pltpu.async_copy(hs_hbm.at[srcb.at[0]], rows.at[0], gsem0)
            pltpu.async_copy(hs_hbm.at[srcb.at[1]], rows.at[1], gsem1)

            def body(jj, carry2):
                j0 = 2 * jj
                j1 = j0 + 1
                pltpu.make_async_copy(hs_hbm.at[srcb.at[j0]], rows.at[0],
                                      gsem0).wait()
                pltpu.sync_copy(rows.at[0], acc_sh.at[dstb.at[j0]], add=True)
                pltpu.async_copy(hs_hbm.at[srcb.at[lax.rem(j0 + 2, gc)]],
                                 rows.at[0], gsem0)
                pltpu.make_async_copy(hs_hbm.at[srcb.at[j1]], rows.at[1],
                                      gsem1).wait()
                pltpu.sync_copy(rows.at[1], acc_sh.at[dstb.at[j1]], add=True)
                pltpu.async_copy(hs_hbm.at[srcb.at[lax.rem(j1 + 2, gc)]],
                                 rows.at[1], gsem1)
                return carry2

            lax.fori_loop(0, gc // 2, body, 0)
            pltpu.make_async_copy(hs_hbm.at[srcb.at[0]], rows.at[0],
                                  gsem0).wait()
            pltpu.make_async_copy(hs_hbm.at[srcb.at[1]], rows.at[1],
                                  gsem1).wait()
            return carry

        lax.fori_loop(0, (APT + GB - 1) // GB, group, 0)
        plsc.subcore_barrier()
        pltpu.sync_copy(acc_sh.at[pl.ds(sid * ROWS_PER_TILE, ROWS_PER_TILE)],
                        out_hbm.at[pl.ds(sid * ROWS_PER_TILE, ROWS_PER_TILE)])


BM = 256
NB = NPAD // BM


def _mm1_body(d_ref, x_ref, w_ref, o_ref):
    dinv = lax.rsqrt(d_ref[...] + 1.0)
    o_ref[...] = jnp.dot(x_ref[...], w_ref[...],
                         preferred_element_type=jnp.float32) * dinv


def _mm1(d, xp, w1):
    return pl.pallas_call(
        _mm1_body,
        grid=(NB,),
        in_specs=[
            pl.BlockSpec((BM, 1), lambda i: (i, 0)),
            pl.BlockSpec((BM, D), lambda i: (i, 0)),
            pl.BlockSpec((D, D), lambda i: (0, 0)),
        ],
        out_specs=pl.BlockSpec((BM, D), lambda i: (i, 0)),
        out_shape=jax.ShapeDtypeStruct((NPAD, D), jnp.float32),
    )(d, xp, w1)


def _mm2_body(d_ref, p_ref, hs_ref, w_ref, o_ref):
    dinv = lax.rsqrt(d_ref[...] + 1.0)
    h = jnp.maximum((p_ref[...] + hs_ref[...]) * dinv, 0.0)
    o_ref[...] = jnp.dot(h, w_ref[...],
                         preferred_element_type=jnp.float32) * dinv


def _mm2(d, p, hs1, w2):
    return pl.pallas_call(
        _mm2_body,
        grid=(NB,),
        in_specs=[
            pl.BlockSpec((BM, 1), lambda i: (i, 0)),
            pl.BlockSpec((BM, D), lambda i: (i, 0)),
            pl.BlockSpec((BM, D), lambda i: (i, 0)),
            pl.BlockSpec((D, D), lambda i: (0, 0)),
        ],
        out_specs=pl.BlockSpec((BM, D), lambda i: (i, 0)),
        out_shape=jax.ShapeDtypeStruct((NPAD, D), jnp.float32),
    )(d, p, hs1, w2)


def _pool_body(d_ref, p_ref, hs_ref, b_ref, wm1_ref,
               bm1_ref, wm2_ref, bm2_ref, o_ref, pooled_acc, cnt_acc):
    i = pl.program_id(0)

    @pl.when(i == 0)
    def _():
        pooled_acc[...] = jnp.zeros((G, D), jnp.float32)
        cnt_acc[...] = jnp.zeros((G, D), jnp.float32)

    dinv = lax.rsqrt(d_ref[...] + 1.0)
    h2 = (p_ref[...] + hs_ref[...]) * dinv
    ids = jnp.broadcast_to(b_ref[...], (G, BM))
    oht = (lax.broadcasted_iota(jnp.int32, (G, BM), 0) == ids)
    oht = oht.astype(jnp.float32)
    pooled_acc[...] += jnp.dot(oht, h2, preferred_element_type=jnp.float32)
    cnt_acc[...] += jnp.dot(oht, jnp.ones((BM, D), jnp.float32),
                            preferred_element_type=jnp.float32)

    @pl.when(i == NB - 1)
    def _():
        mean = pooled_acc[...] / jnp.maximum(cnt_acc[...], 1.0)
        z = jnp.maximum(
            jnp.dot(mean, wm1_ref[...], preferred_element_type=jnp.float32)
            + bm1_ref[...], 0.0)
        o_ref[...] = jnp.dot(z, wm2_ref[...],
                             preferred_element_type=jnp.float32) + bm2_ref[...]


def _pool(d, p, hs2, batchr, wm1, bm1, wm2, bm2):
    return pl.pallas_call(
        _pool_body,
        grid=(NB,),
        in_specs=[
            pl.BlockSpec((BM, 1), lambda i: (i, 0)),
            pl.BlockSpec((BM, D), lambda i: (i, 0)),
            pl.BlockSpec((BM, D), lambda i: (i, 0)),
            pl.BlockSpec((1, BM), lambda i: (0, i)),
            pl.BlockSpec((D, D), lambda i: (0, 0)),
            pl.BlockSpec((1, D), lambda i: (0, 0)),
            pl.BlockSpec((D, D), lambda i: (0, 0)),
            pl.BlockSpec((1, D), lambda i: (0, 0)),
        ],
        out_specs=pl.BlockSpec((G, D), lambda i: (0, 0)),
        out_shape=jax.ShapeDtypeStruct((G, D), jnp.float32),
        scratch_shapes=[
            pltpu.VMEM((G, D), jnp.float32),
            pltpu.VMEM((G, D), jnp.float32),
        ],
    )(d, p, hs2, batchr, wm1, bm1, wm2, bm2)


def kernel(x, edge_index, batch, W1, W2, Wm1, bm1, Wm2, bm2):
    xp = jnp.pad(x, ((0, NPAD - N), (0, 0)))
    def _split(idx):
        a = jnp.pad(idx.astype(jnp.int32), (0, NS * APT * CH - E),
                    constant_values=N).reshape(NS, APT, CH)
        return jnp.pad(a, ((0, 0), (0, APAD - APT), (0, 0)),
                       constant_values=N)

    src = _split(edge_index[0])
    dst = _split(edge_index[1])
    batchr = jnp.pad(batch.astype(jnp.int32), (0, NPAD - N),
                     constant_values=G).reshape(1, NPAD)

    deg = _deg(dst)
    d = deg.reshape(NPAD, 1)

    hs1 = _mm1(d, xp, W1)
    p = _scatter(hs1, src, dst)
    hs2 = _mm2(d, p, hs1, W2)
    q = _scatter(hs2, src, dst)
    return _pool(d, q, hs2, batchr,
                 Wm1, bm1.reshape(1, D), Wm2, bm2.reshape(1, D))

# --- scband reference (transcript-rebuilt; emitter-appended) ---
"""Pipeline reference for scband-gcn-17970143166990 (READ-ONLY COPY).

The authoritative reference and input builder live on the scoring server;
editing this copy changes nothing except your own understanding.
"""

import jax, jax.numpy as jnp
import numpy as np

N = 10000
E = 320000
D = 128
H = 128
O = 128
G = 64


def setup_inputs(seed: int = 0) -> dict:
    key = jax.random.key(seed)
    ks = jax.random.split(key, 9)
    x = jax.random.normal(ks[0], (N, D), dtype=jnp.float32)
    edge_index = jax.random.randint(ks[1], (2, E), 0, N)
    batch = jnp.sort(jax.random.randint(ks[2], (N,), 0, G))
    W1 = jax.random.normal(ks[3], (D, H), dtype=jnp.float32) * 0.05
    W2 = jax.random.normal(ks[4], (H, H), dtype=jnp.float32) * 0.05
    Wm1 = jax.random.normal(ks[5], (H, H), dtype=jnp.float32) * 0.05
    bm1 = jax.random.normal(ks[6], (H,), dtype=jnp.float32) * 0.05
    Wm2 = jax.random.normal(ks[7], (H, O), dtype=jnp.float32) * 0.05
    bm2 = jax.random.normal(ks[8], (O,), dtype=jnp.float32) * 0.05
    return {"x": x, "edge_index": edge_index, "batch": batch,
            "W1": W1, "W2": W2, "Wm1": Wm1, "bm1": bm1, "Wm2": Wm2, "bm2": bm2}


def _gcn_conv(x, edge_index, W):
    # GCNConv (bias=False) with default add_self_loops=True and symmetric normalization
    n = x.shape[0]
    loop = jnp.arange(n, dtype=edge_index.dtype)
    src = jnp.concatenate([edge_index[0], loop])
    dst = jnp.concatenate([edge_index[1], loop])
    deg = jnp.zeros((n,), x.dtype).at[dst].add(1.0)
    dinv = jnp.where(deg > 0, jax.lax.rsqrt(deg), 0.0)
    norm = dinv[src] * dinv[dst]
    h = x @ W
    msg = h[src] * norm[:, None]
    return jnp.zeros((n, W.shape[1]), x.dtype).at[dst].add(msg)


def reference(x, edge_index, batch, W1, W2, Wm1, bm1, Wm2, bm2):
    h = _gcn_conv(x, edge_index, W1)
    h = _gcn_conv(jax.nn.relu(h), edge_index, W2)
    # global_mean_pool over batch ids
    sums = jax.ops.segment_sum(h, batch, num_segments=G)
    cnts = jax.ops.segment_sum(jnp.ones((h.shape[0], 1), h.dtype), batch, num_segments=G)
    pooled = sums / jnp.maximum(cnts, 1.0)
    out = pooled @ Wm1 + bm1
    out = jax.nn.relu(out) @ Wm2 + bm2
    return out

if __name__ == "__main__":
    import jax
    _d = setup_inputs()
    print(jax.jit(kernel)(*tuple(_d.values())))

</pallas_src>

<mosaic_0001>
#map = affine_map<(d0, d1) -> (0, 0)>
#map1 = affine_map<(d0, d1) -> (0, 0, 0)>
module attributes {stable_mosaic.version = 14 : i64} {
  func.func @_scatter(%arg0: i32, %arg1: i32, %arg2: memref<10240x128xf32, #tpu.memory_space<hbm>>, %arg3: memref<16x160x128xi32, #tpu.memory_space<hbm>>, %arg4: memref<16x160x128xi32, #tpu.memory_space<hbm>>, %arg5: memref<10240x128xf32, #tpu.memory_space<hbm>>, %arg6: memref<16x128xi32, #tpu.memory_space<vmem>>, %arg7: memref<16x128xi32, #tpu.memory_space<vmem>>, %arg8: memref<2x128x128xf32, #tpu.memory_space<vmem>>, %arg9: memref<10240x128xf32, #tpu.memory_space<vmem_shared>>, %arg10: memref<!tpu.dma_semaphore, #tpu.memory_space<semaphore_mem>>, %arg11: memref<!tpu.dma_semaphore, #tpu.memory_space<semaphore_mem>>) attributes {dimension_semantics = [#tpu.dimension_semantics<core_parallel>, #tpu.dimension_semantics<subcore_parallel>], iteration_bounds = array<i64: 2, 16>, scalar_prefetch = 0 : i64, scratch_operands = 6 : i64, tpu.core_type = #tpu.core_type<sc_vector_subcore>, window_params = [{transform_indices = #map}, {transform_indices = #map1}, {transform_indices = #map1}, {transform_indices = #map}]} {
    %eq3A = arith.constant 1 : i32
    %eq3A_0 = arith.cmpi eq, %arg0, %eq3A : i32
    %convert_element_type3A = arith.extui %eq3A_0 : i1 to i32
    %cond3A = arith.constant 0 : i32
    %cond3A_1 = arith.cmpi ne, %convert_element_type3A, %cond3A : i32
    scf.if %cond3A_1 {
      %broadcast_in_dim3A = arith.constant 0.000000e+00 : f32
      %broadcast_in_dim3A_2 = vector.broadcast %broadcast_in_dim3A : f32 to vector<16xf32>
      %scan3A = arith.constant 0 : i32
      %scan3A_3 = arith.constant 0 : i32
      %scan3A_4 = arith.constant 128 : i32
      %scan3A_5 = arith.addi %scan3A_3, %scan3A_4 : i32
      %scan3A_6 = arith.constant 1 : i32
      scf.for %scan3A_24 = %scan3A_3 to %scan3A_5 step %scan3A_6  : i32 {
        %swap3A = arith.constant 0 : i32
        %swap3A_25 = arith.index_cast %swap3A : i32 to index
        %swap3A_26 = arith.index_cast %scan3A_24 : i32 to index
        %swap3A_27 = arith.constant 0 : index
        %swap3A_28 = tpu.vector_load %arg8[%swap3A_25, %swap3A_26, %swap3A_27] {strides = array<i32>} : memref<2x128x128xf32, #tpu.memory_space<vmem>>, vector<1x1x16xf32>,
        %swap3A_29 = vector.shape_cast %swap3A_28 : vector<1x1x16xf32> to vector<16xf32>
        %swap3A_30 = vector.shape_cast %broadcast_in_dim3A_2 : vector<16xf32> to vector<1x1x16xf32>
        tpu.vector_store %arg8[%swap3A_25, %swap3A_26, %swap3A_27], %swap3A_30 {strides = array<i32>} : memref<2x128x128xf32, #tpu.memory_space<vmem>>, vector<1x1x16xf32>,
        %swap3A_31 = arith.constant 0 : i32
        %swap3A_32 = arith.index_cast %swap3A_31 : i32 to index
        %swap3A_33 = arith.index_cast %scan3A_24 : i32 to index
        %swap3A_34 = arith.constant 16 : index
        %swap3A_35 = tpu.vector_load %arg8[%swap3A_32, %swap3A_33, %swap3A_34] {strides = array<i32>} : memref<2x128x128xf32, #tpu.memory_space<vmem>>, vector<1x1x16xf32>,
        %swap3A_36 = vector.shape_cast %swap3A_35 : vector<1x1x16xf32> to vector<16xf32>
        %swap3A_37 = vector.shape_cast %broadcast_in_dim3A_2 : vector<16xf32> to vector<1x1x16xf32>
        tpu.vector_store %arg8[%swap3A_32, %swap3A_33, %swap3A_34], %swap3A_37 {strides = array<i32>} : memref<2x128x128xf32, #tpu.memory_space<vmem>>, vector<1x1x16xf32>,
        %swap3A_38 = arith.constant 0 : i32
        %swap3A_39 = arith.index_cast %swap3A_38 : i32 to index
        %swap3A_40 = arith.index_cast %scan3A_24 : i32 to index
        %swap3A_41 = arith.constant 32 : index
        %swap3A_42 = tpu.vector_load %arg8[%swap3A_39, %swap3A_40, %swap3A_41] {strides = array<i32>} : memref<2x128x128xf32, #tpu.memory_space<vmem>>, vector<1x1x16xf32>,
        %swap3A_43 = vector.shape_cast %swap3A_42 : vector<1x1x16xf32> to vector<16xf32>
        %swap3A_44 = vector.shape_cast %broadcast_in_dim3A_2 : vector<16xf32> to vector<1x1x16xf32>
        tpu.vector_store %arg8[%swap3A_39, %swap3A_40, %swap3A_41], %swap3A_44 {strides = array<i32>} : memref<2x128x128xf32, #tpu.memory_space<vmem>>, vector<1x1x16xf32>,
        %swap3A_45 = arith.constant 0 : i32
        %swap3A_46 = arith.index_cast %swap3A_45 : i32 to index
        %swap3A_47 = arith.index_cast %scan3A_24 : i32 to index
        %swap3A_48 = arith.constant 48 : index
        %swap3A_49 = tpu.vector_load %arg8[%swap3A_46, %swap3A_47, %swap3A_48] {strides = array<i32>} : memref<2x128x128xf32, #tpu.memory_space<vmem>>, vector<1x1x16xf32>,
        %swap3A_50 = vector.shape_cast %swap3A_49 : vector<1x1x16xf32> to vector<16xf32>
        %swap3A_51 = vector.shape_cast %broadcast_in_dim3A_2 : vector<16xf32> to vector<1x1x16xf32>
        tpu.vector_store %arg8[%swap3A_46, %swap3A_47, %swap3A_48], %swap3A_51 {strides = array<i32>} : memref<2x128x128xf32, #tpu.memory_space<vmem>>, vector<1x1x16xf32>,
        %swap3A_52 = arith.constant 0 : i32
        %swap3A_53 = arith.index_cast %swap3A_52 : i32 to index
        %swap3A_54 = arith.index_cast %scan3A_24 : i32 to index
        %swap3A_55 = arith.constant 64 : index
        %swap3A_56 = tpu.vector_load %arg8[%swap3A_53, %swap3A_54, %swap3A_55] {strides = array<i32>} : memref<2x128x128xf32, #tpu.memory_space<vmem>>, vector<1x1x16xf32>,
        %swap3A_57 = vector.shape_cast %swap3A_56 : vector<1x1x16xf32> to vector<16xf32>
        %swap3A_58 = vector.shape_cast %broadcast_in_dim3A_2 : vector<16xf32> to vector<1x1x16xf32>
        tpu.vector_store %arg8[%swap3A_53, %swap3A_54, %swap3A_55], %swap3A_58 {strides = array<i32>} : memref<2x128x128xf32, #tpu.memory_space<vmem>>, vector<1x1x16xf32>,
        %swap3A_59 = arith.constant 0 : i32
        %swap3A_60 = arith.index_cast %swap3A_59 : i32 to index
        %swap3A_61 = arith.index_cast %scan3A_24 : i32 to index
        %swap3A_62 = arith.constant 80 : index
        %swap3A_63 = tpu.vector_load %arg8[%swap3A_60, %swap3A_61, %swap3A_62] {strides = array<i32>} : memref<2x128x128xf32, #tpu.memory_space<vmem>>, vector<1x1x16xf32>,
        %swap3A_64 = vector.shape_cast %swap3A_63 : vector<1x1x16xf32> to vector<16xf32>
        %swap3A_65 = vector.shape_cast %broadcast_in_dim3A_2 : vector<16xf32> to vector<1x1x16xf32>
        tpu.vector_store %arg8[%swap3A_60, %swap3A_61, %swap3A_62], %swap3A_65 {strides = array<i32>} : memref<2x128x128xf32, #tpu.memory_space<vmem>>, vector<1x1x16xf32>,
        %swap3A_66 = arith.constant 0 : i32
        %swap3A_67 = arith.index_cast %swap3A_66 : i32 to index
        %swap3A_68 = arith.index_cast %scan3A_24 : i32 to index
        %swap3A_69 = arith.constant 96 : index
        %swap3A_70 = tpu.vector_load %arg8[%swap3A_67, %swap3A_68, %swap3A_69] {strides = array<i32>} : memref<2x128x128xf32, #tpu.memory_space<vmem>>, vector<1x1x16xf32>,
        %swap3A_71 = vector.shape_cast %swap3A_70 : vector<1x1x16xf32> to vector<16xf32>
        %swap3A_72 = vector.shape_cast %broadcast_in_dim3A_2 : vector<16xf32> to vector<1x1x16xf32>
        tpu.vector_store %arg8[%swap3A_67, %swap3A_68, %swap3A_69], %swap3A_72 {strides = array<i32>} : memref<2x128x128xf32, #tpu.memory_space<vmem>>, vector<1x1x16xf32>,
        %swap3A_73 = arith.constant 0 : i32
        %swap3A_74 = arith.index_cast %swap3A_73 : i32 to index
        %swap3A_75 = arith.index_cast %scan3A_24 : i32 to index
        %swap3A_76 = arith.constant 112 : index
        %swap3A_77 = tpu.vector_load %arg8[%swap3A_74, %swap3A_75, %swap3A_76] {strides = array<i32>} : memref<2x128x128xf32, #tpu.memory_space<vmem>>, vector<1x1x16xf32>,
        %swap3A_78 = vector.shape_cast %swap3A_77 : vector<1x1x16xf32> to vector<16xf32>
        %swap3A_79 = vector.shape_cast %broadcast_in_dim3A_2 : vector<16xf32> to vector<1x1x16xf32>
        tpu.vector_store %arg8[%swap3A_74, %swap3A_75, %swap3A_76], %swap3A_79 {strides = array<i32>} : memref<2x128x128xf32, #tpu.memory_space<vmem>>, vector<1x1x16xf32>,
      }
      %scan3A_7 = arith.constant 128 : i32
      %scan3A_8 = arith.constant 0 : i32
      %scan3A_9 = arith.constant 0 : i32
      %scan3A_10 = arith.constant 5 : i32
      %scan3A_11 = arith.addi %scan3A_9, %scan3A_10 : i32
      %scan3A_12 = arith.constant 1 : i32
      scf.for %scan3A_24 = %scan3A_9 to %scan3A_11 step %scan3A_12  : i32 {
        %mul3A_25 = arith.constant 640 : i32
        %mul3A_26 = arith.muli %arg1, %mul3A_25 : i32
        %mul3A_27 = arith.constant 128 : i32
        %mul3A_28 = arith.muli %scan3A_24, %mul3A_27 : i32
        %add3A = arith.addi %mul3A_26, %mul3A_28 : i32
        %run_scoped3A = arith.constant 0 : i32
        "tpu.region"() ({
          %run_scoped3A_29 = tpu.sem_alloc : memref<!tpu.dma_semaphore, #tpu.memory_space<semaphore_mem>>
          %dma_start3A = arith.constant 0 : i32
          %dma_start3A_30 = arith.constant 0 : i32
          %dma_start3A_31 = tpu.memref_slice %arg8[%run_scoped3A, %dma_start3A, %dma_start3A_30] : memref<2x128x128xf32, #tpu.memory_space<vmem>> -> memref<1x128x128xf32, #tpu.memory_space<vmem>>
          %dma_start3A_32 = tpu.memref_squeeze %dma_start3A_31 : memref<1x128x128xf32, #tpu.memory_space<vmem>> -> memref<128x128xf32, #tpu.memory_space<vmem>>
          %dma_start3A_33 = arith.constant 0 : i32
          %dma_start3A_34 = tpu.memref_slice %arg9[%add3A, %dma_start3A_33] : memref<10240x128xf32, #tpu.memory_space<vmem_shared>> -> memref<128x128xf32, #tpu.memory_space<vmem_shared>>
          %dma_start3A_35 = arith.constant 0 : i32
          %dma_start3A_36 = tpu.memref_slice %arg9[%add3A, %dma_start3A_35] : memref<10240x128xf32, #tpu.memory_space<vmem_shared>> -> memref<128x128xf32, #tpu.memory_space<vmem_shared>>
          %dma_start3A_37 = arith.constant 0 : i32
          %dma_start3A_38 = arith.constant 0 : i32
          %dma_start3A_39 = tpu.memref_slice %arg8[%run_scoped3A, %dma_start3A_37, %dma_start3A_38] : memref<2x128x128xf32, #tpu.memory_space<vmem>> -> memref<1x128x128xf32, #tpu.memory_space<vmem>>
          %dma_start3A_40 = tpu.memref_squeeze %dma_start3A_39 : memref<1x128x128xf32, #tpu.memory_space<vmem>> -> memref<128x128xf32, #tpu.memory_space<vmem>>
          tpu.enqueue_dma source(%dma_start3A_40 : memref<128x128xf32, #tpu.memory_space<vmem>>) target(%dma_start3A_36 : memref<128x128xf32, #tpu.memory_space<vmem_shared>>) target_semaphore(%run_scoped3A_29 : memref<!tpu.dma_semaphore, #tpu.memory_space<semaphore_mem>>)
          %dma_wait3A = arith.constant 0 : i32
          %dma_wait3A_41 = arith.constant 0 : i32
          %dma_wait3A_42 = tpu.memref_slice %arg8[%run_scoped3A, %dma_wait3A, %dma_wait3A_41] : memref<2x128x128xf32, #tpu.memory_space<vmem>> -> memref<1x128x128xf32, #tpu.memory_space<vmem>>
          %dma_wait3A_43 = tpu.memref_squeeze %dma_wait3A_42 : memref<1x128x128xf32, #tpu.memory_space<vmem>> -> memref<128x128xf32, #tpu.memory_space<vmem>>
          %dma_wait3A_44 = arith.constant 0 : i32
          %dma_wait3A_45 = tpu.memref_slice %arg9[%add3A, %dma_wait3A_44] : memref<10240x128xf32, #tpu.memory_space<vmem_shared>> -> memref<128x128xf32, #tpu.memory_space<vmem_shared>>
          %dma_wait3A_46 = arith.constant 0 : i32
          %dma_wait3A_47 = tpu.memref_slice %arg9[%add3A, %dma_wait3A_46] : memref<10240x128xf32, #tpu.memory_space<vmem_shared>> -> memref<128x128xf32, #tpu.memory_space<vmem_shared>>
          %dma_wait3A_48 = arith.constant 0 : i32
          %dma_wait3A_49 = arith.constant 0 : i32
          %dma_wait3A_50 = tpu.memref_slice %arg8[%run_scoped3A, %dma_wait3A_48, %dma_wait3A_49] : memref<2x128x128xf32, #tpu.memory_space<vmem>> -> memref<1x128x128xf32, #tpu.memory_space<vmem>>
          %dma_wait3A_51 = tpu.memref_squeeze %dma_wait3A_50 : memref<1x128x128xf32, #tpu.memory_space<vmem>> -> memref<128x128xf32, #tpu.memory_space<vmem>>
          tpu.wait_dma2 semaphore(%run_scoped3A_29 : memref<!tpu.dma_semaphore, #tpu.memory_space<semaphore_mem>>) src(%dma_wait3A_51 : memref<128x128xf32, #tpu.memory_space<vmem>>) dst(%dma_wait3A_47 : memref<128x128xf32, #tpu.memory_space<vmem_shared>>)
          tpu.yield
        }) : () -> ()
      }
      %scan3A_13 = arith.constant 5 : i32
      %barrier3A = arith.constant 0 : index
      tpu.barrier barrier_id(%barrier3A)
      %scan3A_14 = arith.constant 0 : i32
      %scan3A_15 = arith.constant 0 : i32
      %scan3A_16 = arith.constant 10 : i32
      %scan3A_17 = arith.addi %scan3A_15, %scan3A_16 : i32
      %scan3A_18 = arith.constant 1 : i32
      scf.for %scan3A_24 = %scan3A_15 to %scan3A_17 step %scan3A_18  : i32 {
        %mul3A_25 = arith.constant 16 : i32
        %mul3A_26 = arith.muli %scan3A_24, %mul3A_25 : i32
        %sub3A = arith.constant 158 : i32
        %sub3A_27 = arith.subi %sub3A, %mul3A_26 : i32
        %min3A = arith.constant 16 : i32
        %min3A_28 = arith.minsi %sub3A_27, %min3A : i32
        %mul3A_29 = arith.constant 16 : i32
        %mul3A_30 = arith.muli %scan3A_24, %mul3A_29 : i32
        "tpu.region"() ({
          %run_scoped3A = tpu.sem_alloc : memref<!tpu.dma_semaphore, #tpu.memory_space<semaphore_mem>>
          %dma_start3A_105 = arith.constant 0 : i32
          %dma_start3A_106 = tpu.memref_slice %arg3[%arg1, %mul3A_30, %dma_start3A_105] : memref<16x160x128xi32, #tpu.memory_space<hbm>> -> memref<1x16x128xi32, #tpu.memory_space<hbm>>
          %dma_start3A_107 = tpu.memref_squeeze %dma_start3A_106 : memref<1x16x128xi32, #tpu.memory_space<hbm>> -> memref<16x128xi32, #tpu.memory_space<hbm>>
          %dma_start3A_108 = arith.constant 0 : i32
          %dma_start3A_109 = tpu.memref_slice %arg3[%arg1, %mul3A_30, %dma_start3A_108] : memref<16x160x128xi32, #tpu.memory_space<hbm>> -> memref<1x16x128xi32, #tpu.memory_space<hbm>>
          %dma_start3A_110 = tpu.memref_squeeze %dma_start3A_109 : memref<1x16x128xi32, #tpu.memory_space<hbm>> -> memref<16x128xi32, #tpu.memory_space<hbm>>
          tpu.enqueue_dma source(%dma_start3A_110 : memref<16x128xi32, #tpu.memory_space<hbm>>) target(%arg6 : memref<16x128xi32, #tpu.memory_space<vmem>>) target_semaphore(%run_scoped3A : memref<!tpu.dma_semaphore, #tpu.memory_space<semaphore_mem>>)
          %dma_wait3A_111 = arith.constant 0 : i32
          %dma_wait3A_112 = tpu.memref_slice %arg3[%arg1, %mul3A_30, %dma_wait3A_111] : memref<16x160x128xi32, #tpu.memory_space<hbm>> -> memref<1x16x128xi32, #tpu.memory_space<hbm>>
          %dma_wait3A_113 = tpu.memref_squeeze %dma_wait3A_112 : memref<1x16x128xi32, #tpu.memory_space<hbm>> -> memref<16x128xi32, #tpu.memory_space<hbm>>
          %dma_wait3A_114 = arith.constant 0 : i32
          %dma_wait3A_115 = tpu.memref_slice %arg3[%arg1, %mul3A_30, %dma_wait3A_114] : memref<16x160x128xi32, #tpu.memory_space<hbm>> -> memref<1x16x128xi32, #tpu.memory_space<hbm>>
          %dma_wait3A_116 = tpu.memref_squeeze %dma_wait3A_115 : memref<1x16x128xi32, #tpu.memory_space<hbm>> -> memref<16x128xi32, #tpu.memory_space<hbm>>
          tpu.wait_dma2 semaphore(%run_scoped3A : memref<!tpu.dma_semaphore, #tpu.memory_space<semaphore_mem>>) src(%dma_wait3A_116 : memref<16x128xi32, #tpu.memory_space<hbm>>) dst(%arg6 : memref<16x128xi32, #tpu.memory_space<vmem>>)
          tpu.yield
        }) : () -> ()
        %mul3A_31 = arith.constant 16 : i32
        %mul3A_32 = arith.muli %scan3A_24, %mul3A_31 : i32
        "tpu.region"() ({
          %run_scoped3A = tpu.sem_alloc : memref<!tpu.dma_semaphore, #tpu.memory_space<semaphore_mem>>
          %dma_start3A_105 = arith.constant 0 : i32
          %dma_start3A_106 = tpu.memref_slice %arg4[%arg1, %mul3A_32, %dma_start3A_105] : memref<16x160x128xi32, #tpu.memory_space<hbm>> -> memref<1x16x128xi32, #tpu.memory_space<hbm>>
          %dma_start3A_107 = tpu.memref_squeeze %dma_start3A_106 : memref<1x16x128xi32, #tpu.memory_space<hbm>> -> memref<16x128xi32, #tpu.memory_space<hbm>>
          %dma_start3A_108 = arith.constant 0 : i32
          %dma_start3A_109 = tpu.memref_slice %arg4[%arg1, %mul3A_32, %dma_start3A_108] : memref<16x160x128xi32, #tpu.memory_space<hbm>> -> memref<1x16x128xi32, #tpu.memory_space<hbm>>
          %dma_start3A_110 = tpu.memref_squeeze %dma_start3A_109 : memref<1x16x128xi32, #tpu.memory_space<hbm>> -> memref<16x128xi32, #tpu.memory_space<hbm>>
          tpu.enqueue_dma source(%dma_start3A_110 : memref<16x128xi32, #tpu.memory_space<hbm>>) target(%arg7 : memref<16x128xi32, #tpu.memory_space<vmem>>) target_semaphore(%run_scoped3A : memref<!tpu.dma_semaphore, #tpu.memory_space<semaphore_mem>>)
          %dma_wait3A_111 = arith.constant 0 : i32
          %dma_wait3A_112 = tpu.memref_slice %arg4[%arg1, %mul3A_32, %dma_wait3A_111] : memref<16x160x128xi32, #tpu.memory_space<hbm>> -> memref<1x16x128xi32, #tpu.memory_space<hbm>>
          %dma_wait3A_113 = tpu.memref_squeeze %dma_wait3A_112 : memref<1x16x128xi32, #tpu.memory_space<hbm>> -> memref<16x128xi32, #tpu.memory_space<hbm>>
          %dma_wait3A_114 = arith.constant 0 : i32
          %dma_wait3A_115 = tpu.memref_slice %arg4[%arg1, %mul3A_32, %dma_wait3A_114] : memref<16x160x128xi32, #tpu.memory_space<hbm>> -> memref<1x16x128xi32, #tpu.memory_space<hbm>>
          %dma_wait3A_116 = tpu.memref_squeeze %dma_wait3A_115 : memref<1x16x128xi32, #tpu.memory_space<hbm>> -> memref<16x128xi32, #tpu.memory_space<hbm>>
          tpu.wait_dma2 semaphore(%run_scoped3A : memref<!tpu.dma_semaphore, #tpu.memory_space<semaphore_mem>>) src(%dma_wait3A_116 : memref<16x128xi32, #tpu.memory_space<hbm>>) dst(%arg7 : memref<16x128xi32, #tpu.memory_space<vmem>>)
          tpu.yield
        }) : () -> ()
        %dma_start3A = arith.constant 0 : i32
        %dma_start3A_33 = arith.constant 0 : i32
        %dma_start3A_34 = arith.constant 0 : i32
        %dma_start3A_35 = arith.constant 0 : i32
        %dma_start3A_36 = tpu.memref_slice %arg8[%dma_start3A_33, %dma_start3A_34, %dma_start3A_35] : memref<2x128x128xf32, #tpu.memory_space<vmem>> -> memref<1x128x128xf32, #tpu.memory_space<vmem>>
        %dma_start3A_37 = tpu.memref_squeeze %dma_start3A_36 : memref<1x128x128xf32, #tpu.memory_space<vmem>> -> memref<128x128xf32, #tpu.memory_space<vmem>>
        %dma_start3A_38 = arith.constant 0 : i32
        %dma_start3A_39 = tpu.memref_slice %arg6[%dma_start3A, %dma_start3A_38] : memref<16x128xi32, #tpu.memory_space<vmem>> -> memref<1x128xi32, #tpu.memory_space<vmem>>
        %dma_start3A_40 = tpu.memref_squeeze %dma_start3A_39 : memref<1x128xi32, #tpu.memory_space<vmem>> -> memref<128xi32, #tpu.memory_space<vmem>>
        %dma_start3A_41 = arith.constant 0 : i32
        %dma_start3A_42 = arith.constant 0 : i32
        %dma_start3A_43 = tpu.memref_slice %arg2[%dma_start3A_41, %dma_start3A_42] : memref<10240x128xf32, #tpu.memory_space<hbm>> -> memref<10240x128xf32, #tpu.memory_space<hbm>>
        tpu.enqueue_indirect_dma source(%dma_start3A_43 : memref<10240x128xf32, #tpu.memory_space<hbm>>) target(%dma_start3A_37 : memref<128x128xf32, #tpu.memory_space<vmem>>) offsets(%dma_start3A_40 : memref<128xi32, #tpu.memory_space<vmem>>) semaphore(%arg10 : memref<!tpu.dma_semaphore, #tpu.memory_space<semaphore_mem>>)
        %dma_start3A_44 = arith.constant 1 : i32
        %dma_start3A_45 = arith.constant 1 : i32
        %dma_start3A_46 = arith.constant 0 : i32
        %dma_start3A_47 = arith.constant 0 : i32
        %dma_start3A_48 = tpu.memref_slice %arg8[%dma_start3A_45, %dma_start3A_46, %dma_start3A_47] : memref<2x128x128xf32, #tpu.memory_space<vmem>> -> memref<1x128x128xf32, #tpu.memory_space<vmem>>
        %dma_start3A_49 = tpu.memref_squeeze %dma_start3A_48 : memref<1x128x128xf32, #tpu.memory_space<vmem>> -> memref<128x128xf32, #tpu.memory_space<vmem>>
        %dma_start3A_50 = arith.constant 0 : i32
        %dma_start3A_51 = tpu.memref_slice %arg6[%dma_start3A_44, %dma_start3A_50] : memref<16x128xi32, #tpu.memory_space<vmem>> -> memref<1x128xi32, #tpu.memory_space<vmem>>
        %dma_start3A_52 = tpu.memref_squeeze %dma_start3A_51 : memref<1x128xi32, #tpu.memory_space<vmem>> -> memref<128xi32, #tpu.memory_space<vmem>>
        %dma_start3A_53 = arith.constant 0 : i32
        %dma_start3A_54 = arith.constant 0 : i32
        %dma_start3A_55 = tpu.memref_slice %arg2[%dma_start3A_53, %dma_start3A_54] : memref<10240x128xf32, #tpu.memory_space<hbm>> -> memref<10240x128xf32, #tpu.memory_space<hbm>>
        tpu.enqueue_indirect_dma source(%dma_start3A_55 : memref<10240x128xf32, #tpu.memory_space<hbm>>) target(%dma_start3A_49 : memref<128x128xf32, #tpu.memory_space<vmem>>) offsets(%dma_start3A_52 : memref<128xi32, #tpu.memory_space<vmem>>) semaphore(%arg11 : memref<!tpu.dma_semaphore, #tpu.memory_space<semaphore_mem>>)
        %jit3A = arith.constant 2 : i32
        %div3A = arith.divsi %min3A_28, %jit3A : i32
        %sign3A = arith.constant 0 : i32
        %sign3A_56 = arith.cmpi sgt, %min3A_28, %sign3A : i32
        %sign3A_57 = arith.extui %sign3A_56 : i1 to i32
        %sign3A_58 = arith.constant 0 : i32
        %sign3A_59 = arith.cmpi slt, %min3A_28, %sign3A_58 : i32
        %sign3A_60 = arith.extui %sign3A_59 : i1 to i32
        %sign3A_61 = arith.subi %sign3A_57, %sign3A_60 : i32
        %sign3A_62 = arith.constant 0 : i32
        %sign3A_63 = arith.cmpi sgt, %jit3A, %sign3A_62 : i32
        %sign3A_64 = arith.extui %sign3A_63 : i1 to i32
        %sign3A_65 = arith.constant 0 : i32
        %sign3A_66 = arith.cmpi slt, %jit3A, %sign3A_65 : i32
        %sign3A_67 = arith.extui %sign3A_66 : i1 to i32
        %sign3A_68 = arith.subi %sign3A_64, %sign3A_67 : i32
        %ne3A = arith.cmpi ne, %sign3A_61, %sign3A_68 : i32
        %rem3A = arith.remsi %min3A_28, %jit3A : i32
        %ne3A_69 = arith.constant 0 : i32
        %ne3A_70 = arith.cmpi ne, %rem3A, %ne3A_69 : i32
        %and3A = arith.andi %ne3A, %ne3A_70 : i1
        %sub3A_71 = arith.constant 1 : i32
        %sub3A_72 = arith.subi %div3A, %sub3A_71 : i32
        %select_n3A = arith.select %and3A, %sub3A_72, %div3A : i32
        %while3A = arith.constant 0 : i32
        %while3A_73 = arith.constant 0 : i32
        %while3A_74 = arith.subi %select_n3A, %while3A_73 : i32
        %while3A_75 = arith.addi %while3A_73, %while3A_74 : i32
        %while3A_76 = arith.constant 1 : i32
        %while3A_77 = arith.divsi %while3A_74, %while3A_76 : i32
        %while3A_78 = arith.muli %while3A_77, %while3A_76 : i32
        %while3A_79 = arith.addi %while3A_73, %while3A_78 : i32
        %while3A_80 = arith.constant 1 : i32
        scf.for %while3A_105 = %while3A_73 to %while3A_79 step %while3A_80  : i32 {
          %mul3A_106 = arith.constant 2 : i32
          %mul3A_107 = arith.muli %mul3A_106, %while3A_105 : i32
          %add3A = arith.constant 1 : i32
          %add3A_108 = arith.addi %mul3A_107, %add3A : i32
          %dma_wait3A_109 = arith.constant 0 : i32
          %dma_wait3A_110 = arith.constant 0 : i32
          %dma_wait3A_111 = arith.constant 0 : i32
          %dma_wait3A_112 = tpu.memref_slice %arg8[%dma_wait3A_109, %dma_wait3A_110, %dma_wait3A_111] : memref<2x128x128xf32, #tpu.memory_space<vmem>> -> memref<1x128x128xf32, #tpu.memory_space<vmem>>
          %dma_wait3A_113 = tpu.memref_squeeze %dma_wait3A_112 : memref<1x128x128xf32, #tpu.memory_space<vmem>> -> memref<128x128xf32, #tpu.memory_space<vmem>>
          %dma_wait3A_114 = arith.constant 0 : i32
          %dma_wait3A_115 = tpu.memref_slice %arg6[%mul3A_107, %dma_wait3A_114] : memref<16x128xi32, #tpu.memory_space<vmem>> -> memref<1x128xi32, #tpu.memory_space<vmem>>
          %dma_wait3A_116 = tpu.memref_squeeze %dma_wait3A_115 : memref<1x128xi32, #tpu.memory_space<vmem>> -> memref<128xi32, #tpu.memory_space<vmem>>
          %dma_wait3A_117 = arith.constant 0 : i32
          %dma_wait3A_118 = arith.constant 0 : i32
          %dma_wait3A_119 = tpu.memref_slice %arg2[%dma_wait3A_117, %dma_wait3A_118] : memref<10240x128xf32, #tpu.memory_space<hbm>> -> memref<10240x128xf32, #tpu.memory_space<hbm>>
          tpu.wait_indirect_dma semaphore(%arg10 : memref<!tpu.dma_semaphore, #tpu.memory_space<semaphore_mem>>) src(%dma_wait3A_119 : memref<10240x128xf32, #tpu.memory_space<hbm>>) dst(%dma_wait3A_113 : memref<128x128xf32, #tpu.memory_space<vmem>>)
          %run_scoped3A = arith.constant 0 : i32
          "tpu.region"() ({
            %run_scoped3A_160 = tpu.sem_alloc : memref<!tpu.dma_semaphore, #tpu.memory_space<semaphore_mem>>
            %dma_start3A_161 = arith.constant 0 : i32
            %dma_start3A_162 = arith.constant 0 : i32
            %dma_start3A_163 = tpu.memref_slice %arg8[%run_scoped3A, %dma_start3A_161, %dma_start3A_162] : memref<2x128x128xf32, #tpu.memory_space<vmem>> -> memref<1x128x128xf32, #tpu.memory_space<vmem>>
            %dma_start3A_164 = tpu.memref_squeeze %dma_start3A_163 : memref<1x128x128xf32, #tpu.memory_space<vmem>> -> memref<128x128xf32, #tpu.memory_space<vmem>>
            %dma_start3A_165 = arith.constant 0 : i32
            %dma_start3A_166 = tpu.memref_slice %arg7[%mul3A_107, %dma_start3A_165] : memref<16x128xi32, #tpu.memory_space<vmem>> -> memref<1x128xi32, #tpu.memory_space<vmem>>
            %dma_start3A_167 = tpu.memref_squeeze %dma_start3A_166 : memref<1x128xi32, #tpu.memory_space<vmem>> -> memref<128xi32, #tpu.memory_space<vmem>>
            %dma_start3A_168 = arith.constant 0 : i32
            %dma_start3A_169 = arith.constant 0 : i32
            %dma_start3A_170 = tpu.memref_slice %arg9[%dma_start3A_168, %dma_start3A_169] : memref<10240x128xf32, #tpu.memory_space<vmem_shared>> -> memref<10240x128xf32, #tpu.memory_space<vmem_shared>>
            tpu.enqueue_indirect_dma source(%dma_start3A_164 : memref<128x128xf32, #tpu.memory_space<vmem>>) target(%dma_start3A_170 : memref<10240x128xf32, #tpu.memory_space<vmem_shared>>) offsets(%dma_start3A_167 : memref<128xi32, #tpu.memory_space<vmem>>) semaphore(%run_scoped3A_160 : memref<!tpu.dma_semaphore, #tpu.memory_space<semaphore_mem>>) {add = true}
            %dma_wait3A_171 = arith.constant 0 : i32
            %dma_wait3A_172 = arith.constant 0 : i32
            %dma_wait3A_173 = tpu.memref_slice %arg8[%run_scoped3A, %dma_wait3A_171, %dma_wait3A_172] : memref<2x128x128xf32, #tpu.memory_space<vmem>> -> memref<1x128x128xf32, #tpu.memory_space<vmem>>
            %dma_wait3A_174 = tpu.memref_squeeze %dma_wait3A_173 : memref<1x128x128xf32, #tpu.memory_space<vmem>> -> memref<128x128xf32, #tpu.memory_space<vmem>>
            %dma_wait3A_175 = arith.constant 0 : i32
            %dma_wait3A_176 = tpu.memref_slice %arg7[%mul3A_107, %dma_wait3A_175] : memref<16x128xi32, #tpu.memory_space<vmem>> -> memref<1x128xi32, #tpu.memory_space<vmem>>
            %dma_wait3A_177 = tpu.memref_squeeze %dma_wait3A_176 : memref<1x128xi32, #tpu.memory_space<vmem>> -> memref<128xi32, #tpu.memory_space<vmem>>
            %dma_wait3A_178 = arith.constant 0 : i32
            %dma_wait3A_179 = arith.constant 0 : i32
            %dma_wait3A_180 = tpu.memref_slice %arg9[%dma_wait3A_178, %dma_wait3A_179] : memref<10240x128xf32, #tpu.memory_space<vmem_shared>> -> memref<10240x128xf32, #tpu.memory_space<vmem_shared>>
            tpu.wait_indirect_dma semaphore(%run_scoped3A_160 : memref<!tpu.dma_semaphore, #tpu.memory_space<semaphore_mem>>) src(%dma_wait3A_174 : memref<128x128xf32, #tpu.memory_space<vmem>>) dst(%dma_wait3A_180 : memref<10240x128xf32, #tpu.memory_space<vmem_shared>>)
            tpu.yield
          }) : () -> ()
          %add3A_120 = arith.constant 2 : i32
          %add3A_121 = arith.addi %mul3A_107, %add3A_120 : i32
          %rem3A_122 = arith.remsi %add3A_121, %min3A_28 : i32
          %dma_start3A_123 = arith.constant 0 : i32
          %dma_start3A_124 = arith.constant 0 : i32
          %dma_start3A_125 = arith.constant 0 : i32
          %dma_start3A_126 = tpu.memref_slice %arg8[%dma_start3A_123, %dma_start3A_124, %dma_start3A_125] : memref<2x128x128xf32, #tpu.memory_space<vmem>> -> memref<1x128x128xf32, #tpu.memory_space<vmem>>
          %dma_start3A_127 = tpu.memref_squeeze %dma_start3A_126 : memref<1x128x128xf32, #tpu.memory_space<vmem>> -> memref<128x128xf32, #tpu.memory_space<vmem>>
          %dma_start3A_128 = arith.constant 0 : i32
          %dma_start3A_129 = tpu.memref_slice %arg6[%rem3A_122, %dma_start3A_128] : memref<16x128xi32, #tpu.memory_space<vmem>> -> memref<1x128xi32, #tpu.memory_space<vmem>>
          %dma_start3A_130 = tpu.memref_squeeze %dma_start3A_129 : memref<1x128xi32, #tpu.memory_space<vmem>> -> memref<128xi32, #tpu.memory_space<vmem>>
          %dma_start3A_131 = arith.constant 0 : i32
          %dma_start3A_132 = arith.constant 0 : i32
          %dma_start3A_133 = tpu.memref_slice %arg2[%dma_start3A_131, %dma_start3A_132] : memref<10240x128xf32, #tpu.memory_space<hbm>> -> memref<10240x128xf32, #tpu.memory_space<hbm>>
          tpu.enqueue_indirect_dma source(%dma_start3A_133 : memref<10240x128xf32, #tpu.memory_space<hbm>>) target(%dma_start3A_127 : memref<128x128xf32, #tpu.memory_space<vmem>>) offsets(%dma_start3A_130 : memref<128xi32, #tpu.memory_space<vmem>>) semaphore(%arg10 : memref<!tpu.dma_semaphore, #tpu.memory_space<semaphore_mem>>)
          %dma_wait3A_134 = arith.constant 1 : i32
          %dma_wait3A_135 = arith.constant 0 : i32
          %dma_wait3A_136 = arith.constant 0 : i32
          %dma_wait3A_137 = tpu.memref_slice %arg8[%dma_wait3A_134, %dma_wait3A_135, %dma_wait3A_136] : memref<2x128x128xf32, #tpu.memory_space<vmem>> -> memref<1x128x128xf32, #tpu.memory_space<vmem>>
          %dma_wait3A_138 = tpu.memref_squeeze %dma_wait3A_137 : memref<1x128x128xf32, #tpu.memory_space<vmem>> -> memref<128x128xf32, #tpu.memory_space<vmem>>
          %dma_wait3A_139 = arith.constant 0 : i32
          %dma_wait3A_140 = tpu.memref_slice %arg6[%add3A_108, %dma_wait3A_139] : memref<16x128xi32, #tpu.memory_space<vmem>> -> memref<1x128xi32, #tpu.memory_space<vmem>>
          %dma_wait3A_141 = tpu.memref_squeeze %dma_wait3A_140 : memref<1x128xi32, #tpu.memory_space<vmem>> -> memref<128xi32, #tpu.memory_space<vmem>>
          %dma_wait3A_142 = arith.constant 0 : i32
          %dma_wait3A_143 = arith.constant 0 : i32
          %dma_wait3A_144 = tpu.memref_slice %arg2[%dma_wait3A_142, %dma_wait3A_143] : memref<10240x128xf32, #tpu.memory_space<hbm>> -> memref<10240x128xf32, #tpu.memory_space<hbm>>
          tpu.wait_indirect_dma semaphore(%arg11 : memref<!tpu.dma_semaphore, #tpu.memory_space<semaphore_mem>>) src(%dma_wait3A_144 : memref<10240x128xf32, #tpu.memory_space<hbm>>) dst(%dma_wait3A_138 : memref<128x128xf32, #tpu.memory_space<vmem>>)
          %run_scoped3A_145 = arith.constant 1 : i32
          "tpu.region"() ({
            %run_scoped3A_160 = tpu.sem_alloc : memref<!tpu.dma_semaphore, #tpu.memory_space<semaphore_mem>>
            %dma_start3A_161 = arith.constant 0 : i32
            %dma_start3A_162 = arith.constant 0 : i32
            %dma_start3A_163 = tpu.memref_slice %arg8[%run_scoped3A_145, %dma_start3A_161, %dma_start3A_162] : memref<2x128x128xf32, #tpu.memory_space<vmem>> -> memref<1x128x128xf32, #tpu.memory_space<vmem>>
            %dma_start3A_164 = tpu.memref_squeeze %dma_start3A_163 : memref<1x128x128xf32, #tpu.memory_space<vmem>> -> memref<128x128xf32, #tpu.memory_space<vmem>>
            %dma_start3A_165 = arith.constant 0 : i32
            %dma_start3A_166 = tpu.memref_slice %arg7[%add3A_108, %dma_start3A_165] : memref<16x128xi32, #tpu.memory_space<vmem>> -> memref<1x128xi32, #tpu.memory_space<vmem>>
            %dma_start3A_167 = tpu.memref_squeeze %dma_start3A_166 : memref<1x128xi32, #tpu.memory_space<vmem>> -> memref<128xi32, #tpu.memory_space<vmem>>
            %dma_start3A_168 = arith.constant 0 : i32
            %dma_start3A_169 = arith.constant 0 : i32
            %dma_start3A_170 = tpu.memref_slice %arg9[%dma_start3A_168, %dma_start3A_169] : memref<10240x128xf32, #tpu.memory_space<vmem_shared>> -> memref<10240x128xf32, #tpu.memory_space<vmem_shared>>
            tpu.enqueue_indirect_dma source(%dma_start3A_164 : memref<128x128xf32, #tpu.memory_space<vmem>>) target(%dma_start3A_170 : memref<10240x128xf32, #tpu.memory_space<vmem_shared>>) offsets(%dma_start3A_167 : memref<128xi32, #tpu.memory_space<vmem>>) semaphore(%run_scoped3A_160 : memref<!tpu.dma_semaphore, #tpu.memory_space<semaphore_mem>>) {add = true}
            %dma_wait3A_171 = arith.constant 0 : i32
            %dma_wait3A_172 = arith.constant 0 : i32
            %dma_wait3A_173 = tpu.memref_slice %arg8[%run_scoped3A_145, %dma_wait3A_171, %dma_wait3A_172] : memref<2x128x128xf32, #tpu.memory_space<vmem>> -> memref<1x128x128xf32, #tpu.memory_space<vmem>>
            %dma_wait3A_174 = tpu.memref_squeeze %dma_wait3A_173 : memref<1x128x128xf32, #tpu.memory_space<vmem>> -> memref<128x128xf32, #tpu.memory_space<vmem>>
            %dma_wait3A_175 = arith.constant 0 : i32
            %dma_wait3A_176 = tpu.memref_slice %arg7[%add3A_108, %dma_wait3A_175] : memref<16x128xi32, #tpu.memory_space<vmem>> -> memref<1x128xi32, #tpu.memory_space<vmem>>
            %dma_wait3A_177 = tpu.memref_squeeze %dma_wait3A_176 : memref<1x128xi32, #tpu.memory_space<vmem>> -> memref<128xi32, #tpu.memory_space<vmem>>
            %dma_wait3A_178 = arith.constant 0 : i32
            %dma_wait3A_179 = arith.constant 0 : i32
            %dma_wait3A_180 = tpu.memref_slice %arg9[%dma_wait3A_178, %dma_wait3A_179] : memref<10240x128xf32, #tpu.memory_space<vmem_shared>> -> memref<10240x128xf32, #tpu.memory_space<vmem_shared>>
            tpu.wait_indirect_dma semaphore(%run_scoped3A_160 : memref<!tpu.dma_semaphore, #tpu.memory_space<semaphore_mem>>) src(%dma_wait3A_174 : memref<128x128xf32, #tpu.memory_space<vmem>>) dst(%dma_wait3A_180 : memref<10240x128xf32, #tpu.memory_space<vmem_shared>>)
            tpu.yield
          }) : () -> ()
          %add3A_146 = arith.constant 2 : i32
          %add3A_147 = arith.addi %add3A_108, %add3A_146 : i32
          %rem3A_148 = arith.remsi %add3A_147, %min3A_28 : i32
          %dma_start3A_149 = arith.constant 1 : i32
          %dma_start3A_150 = arith.constant 0 : i32
          %dma_start3A_151 = arith.constant 0 : i32
          %dma_start3A_152 = tpu.memref_slice %arg8[%dma_start3A_149, %dma_start3A_150, %dma_start3A_151] : memref<2x128x128xf32, #tpu.memory_space<vmem>> -> memref<1x128x128xf32, #tpu.memory_space<vmem>>
          %dma_start3A_153 = tpu.memref_squeeze %dma_start3A_152 : memref<1x128x128xf32, #tpu.memory_space<vmem>> -> memref<128x128xf32, #tpu.memory_space<vmem>>
          %dma_start3A_154 = arith.constant 0 : i32
          %dma_start3A_155 = tpu.memref_slice %arg6[%rem3A_148, %dma_start3A_154] : memref<16x128xi32, #tpu.memory_space<vmem>> -> memref<1x128xi32, #tpu.memory_space<vmem>>
          %dma_start3A_156 = tpu.memref_squeeze %dma_start3A_155 : memref<1x128xi32, #tpu.memory_space<vmem>> -> memref<128xi32, #tpu.memory_space<vmem>>
          %dma_start3A_157 = arith.constant 0 : i32
          %dma_start3A_158 = arith.constant 0 : i32
          %dma_start3A_159 = tpu.memref_slice %arg2[%dma_start3A_157, %dma_start3A_158] : memref<10240x128xf32, #tpu.memory_space<hbm>> -> memref<10240x128xf32, #tpu.memory_space<hbm>>
          tpu.enqueue_indirect_dma source(%dma_start3A_159 : memref<10240x128xf32, #tpu.memory_space<hbm>>) target(%dma_start3A_153 : memref<128x128xf32, #tpu.memory_space<vmem>>) offsets(%dma_start3A_156 : memref<128xi32, #tpu.memory_space<vmem>>) semaphore(%arg11 : memref<!tpu.dma_semaphore, #tpu.memory_space<semaphore_mem>>)
        }
        %while3A_81 = arith.constant 1 : i32
        scf.for %while3A_105 = %while3A_79 to %while3A_75 step %while3A_81  : i32 {
          %mul3A_106 = arith.constant 2 : i32
          %mul3A_107 = arith.muli %mul3A_106, %while3A_105 : i32
          %add3A = arith.constant 1 : i32
          %add3A_108 = arith.addi %mul3A_107, %add3A : i32
          %dma_wait3A_109 = arith.constant 0 : i32
          %dma_wait3A_110 = arith.constant 0 : i32
          %dma_wait3A_111 = arith.constant 0 : i32
          %dma_wait3A_112 = tpu.memref_slice %arg8[%dma_wait3A_109, %dma_wait3A_110, %dma_wait3A_111] : memref<2x128x128xf32, #tpu.memory_space<vmem>> -> memref<1x128x128xf32, #tpu.memory_space<vmem>>
          %dma_wait3A_113 = tpu.memref_squeeze %dma_wait3A_112 : memref<1x128x128xf32, #tpu.memory_space<vmem>> -> memref<128x128xf32, #tpu.memory_space<vmem>>
          %dma_wait3A_114 = arith.constant 0 : i32
          %dma_wait3A_115 = tpu.memref_slice %arg6[%mul3A_107, %dma_wait3A_114] : memref<16x128xi32, #tpu.memory_space<vmem>> -> memref<1x128xi32, #tpu.memory_space<vmem>>
          %dma_wait3A_116 = tpu.memref_squeeze %dma_wait3A_115 : memref<1x128xi32, #tpu.memory_space<vmem>> -> memref<128xi32, #tpu.memory_space<vmem>>
          %dma_wait3A_117 = arith.constant 0 : i32
          %dma_wait3A_118 = arith.constant 0 : i32
          %dma_wait3A_119 = tpu.memref_slice %arg2[%dma_wait3A_117, %dma_wait3A_118] : memref<10240x128xf32, #tpu.memory_space<hbm>> -> memref<10240x128xf32, #tpu.memory_space<hbm>>
          tpu.wait_indirect_dma semaphore(%arg10 : memref<!tpu.dma_semaphore, #tpu.memory_space<semaphore_mem>>) src(%dma_wait3A_119 : memref<10240x128xf32, #tpu.memory_space<hbm>>) dst(%dma_wait3A_113 : memref<128x128xf32, #tpu.memory_space<vmem>>)
          %run_scoped3A = arith.constant 0 : i32
          "tpu.region"() ({
            %run_scoped3A_160 = tpu.sem_alloc : memref<!tpu.dma_semaphore, #tpu.memory_space<semaphore_mem>>
            %dma_start3A_161 = arith.constant 0 : i32
            %dma_start3A_162 = arith.constant 0 : i32
            %dma_start3A_163 = tpu.memref_slice %arg8[%run_scoped3A, %dma_start3A_161, %dma_start3A_162] : memref<2x128x128xf32, #tpu.memory_space<vmem>> -> memref<1x128x128xf32, #tpu.memory_space<vmem>>
            %dma_start3A_164 = tpu.memref_squeeze %dma_start3A_163 : memref<1x128x128xf32, #tpu.memory_space<vmem>> -> memref<128x128xf32, #tpu.memory_space<vmem>>
            %dma_start3A_165 = arith.constant 0 : i32
            %dma_start3A_166 = tpu.memref_slice %arg7[%mul3A_107, %dma_start3A_165] : memref<16x128xi32, #tpu.memory_space<vmem>> -> memref<1x128xi32, #tpu.memory_space<vmem>>
            %dma_start3A_167 = tpu.memref_squeeze %dma_start3A_166 : memref<1x128xi32, #tpu.memory_space<vmem>> -> memref<128xi32, #tpu.memory_space<vmem>>
            %dma_start3A_168 = arith.constant 0 : i32
            %dma_start3A_169 = arith.constant 0 : i32
            %dma_start3A_170 = tpu.memref_slice %arg9[%dma_start3A_168, %dma_start3A_169] : memref<10240x128xf32, #tpu.memory_space<vmem_shared>> -> memref<10240x128xf32, #tpu.memory_space<vmem_shared>>
            tpu.enqueue_indirect_dma source(%dma_start3A_164 : memref<128x128xf32, #tpu.memory_space<vmem>>) target(%dma_start3A_170 : memref<10240x128xf32, #tpu.memory_space<vmem_shared>>) offsets(%dma_start3A_167 : memref<128xi32, #tpu.memory_space<vmem>>) semaphore(%run_scoped3A_160 : memref<!tpu.dma_semaphore, #tpu.memory_space<semaphore_mem>>) {add = true}
            %dma_wait3A_171 = arith.constant 0 : i32
            %dma_wait3A_172 = arith.constant 0 : i32
            %dma_wait3A_173 = tpu.memref_slice %arg8[%run_scoped3A, %dma_wait3A_171, %dma_wait3A_172] : memref<2x128x128xf32, #tpu.memory_space<vmem>> -> memref<1x128x128xf32, #tpu.memory_space<vmem>>
            %dma_wait3A_174 = tpu.memref_squeeze %dma_wait3A_173 : memref<1x128x128xf32, #tpu.memory_space<vmem>> -> memref<128x128xf32, #tpu.memory_space<vmem>>
            %dma_wait3A_175 = arith.constant 0 : i32
            %dma_wait3A_176 = tpu.memref_slice %arg7[%mul3A_107, %dma_wait3A_175] : memref<16x128xi32, #tpu.memory_space<vmem>> -> memref<1x128xi32, #tpu.memory_space<vmem>>
            %dma_wait3A_177 = tpu.memref_squeeze %dma_wait3A_176 : memref<1x128xi32, #tpu.memory_space<vmem>> -> memref<128xi32, #tpu.memory_space<vmem>>
            %dma_wait3A_178 = arith.constant 0 : i32
            %dma_wait3A_179 = arith.constant 0 : i32
            %dma_wait3A_180 = tpu.memref_slice %arg9[%dma_wait3A_178, %dma_wait3A_179] : memref<10240x128xf32, #tpu.memory_space<vmem_shared>> -> memref<10240x128xf32, #tpu.memory_space<vmem_shared>>
            tpu.wait_indirect_dma semaphore(%run_scoped3A_160 : memref<!tpu.dma_semaphore, #tpu.memory_space<semaphore_mem>>) src(%dma_wait3A_174 : memref<128x128xf32, #tpu.memory_space<vmem>>) dst(%dma_wait3A_180 : memref<10240x128xf32, #tpu.memory_space<vmem_shared>>)
            tpu.yield
          }) : () -> ()
          %add3A_120 = arith.constant 2 : i32
          %add3A_121 = arith.addi %mul3A_107, %add3A_120 : i32
          %rem3A_122 = arith.remsi %add3A_121, %min3A_28 : i32
          %dma_start3A_123 = arith.constant 0 : i32
          %dma_start3A_124 = arith.constant 0 : i32
          %dma_start3A_125 = arith.constant 0 : i32
          %dma_start3A_126 = tpu.memref_slice %arg8[%dma_start3A_123, %dma_start3A_124, %dma_start3A_125] : memref<2x128x128xf32, #tpu.memory_space<vmem>> -> memref<1x128x128xf32, #tpu.memory_space<vmem>>
          %dma_start3A_127 = tpu.memref_squeeze %dma_start3A_126 : memref<1x128x128xf32, #tpu.memory_space<vmem>> -> memref<128x128xf32, #tpu.memory_space<vmem>>
          %dma_start3A_128 = arith.constant 0 : i32
          %dma_start3A_129 = tpu.memref_slice %arg6[%rem3A_122, %dma_start3A_128] : memref<16x128xi32, #tpu.memory_space<vmem>> -> memref<1x128xi32, #tpu.memory_space<vmem>>
          %dma_start3A_130 = tpu.memref_squeeze %dma_start3A_129 : memref<1x128xi32, #tpu.memory_space<vmem>> -> memref<128xi32, #tpu.memory_space<vmem>>
          %dma_start3A_131 = arith.constant 0 : i32
          %dma_start3A_132 = arith.constant 0 : i32
          %dma_start3A_133 = tpu.memref_slice %arg2[%dma_start3A_131, %dma_start3A_132] : memref<10240x128xf32, #tpu.memory_space<hbm>> -> memref<10240x128xf32, #tpu.memory_space<hbm>>
          tpu.enqueue_indirect_dma source(%dma_start3A_133 : memref<10240x128xf32, #tpu.memory_space<hbm>>) target(%dma_start3A_127 : memref<128x128xf32, #tpu.memory_space<vmem>>) offsets(%dma_start3A_130 : memref<128xi32, #tpu.memory_space<vmem>>) semaphore(%arg10 : memref<!tpu.dma_semaphore, #tpu.memory_space<semaphore_mem>>)
          %dma_wait3A_134 = arith.constant 1 : i32
          %dma_wait3A_135 = arith.constant 0 : i32
          %dma_wait3A_136 = arith.constant 0 : i32
          %dma_wait3A_137 = tpu.memref_slice %arg8[%dma_wait3A_134, %dma_wait3A_135, %dma_wait3A_136] : memref<2x128x128xf32, #tpu.memory_space<vmem>> -> memref<1x128x128xf32, #tpu.memory_space<vmem>>
          %dma_wait3A_138 = tpu.memref_squeeze %dma_wait3A_137 : memref<1x128x128xf32, #tpu.memory_space<vmem>> -> memref<128x128xf32, #tpu.memory_space<vmem>>
          %dma_wait3A_139 = arith.constant 0 : i32
          %dma_wait3A_140 = tpu.memref_slice %arg6[%add3A_108, %dma_wait3A_139] : memref<16x128xi32, #tpu.memory_space<vmem>> -> memref<1x128xi32, #tpu.memory_space<vmem>>
          %dma_wait3A_141 = tpu.memref_squeeze %dma_wait3A_140 : memref<1x128xi32, #tpu.memory_space<vmem>> -> memref<128xi32, #tpu.memory_space<vmem>>
          %dma_wait3A_142 = arith.constant 0 : i32
          %dma_wait3A_143 = arith.constant 0 : i32
          %dma_wait3A_144 = tpu.memref_slice %arg2[%dma_wait3A_142, %dma_wait3A_143] : memref<10240x128xf32, #tpu.memory_space<hbm>> -> memref<10240x128xf32, #tpu.memory_space<hbm>>
          tpu.wait_indirect_dma semaphore(%arg11 : memref<!tpu.dma_semaphore, #tpu.memory_space<semaphore_mem>>) src(%dma_wait3A_144 : memref<10240x128xf32, #tpu.memory_space<hbm>>) dst(%dma_wait3A_138 : memref<128x128xf32, #tpu.memory_space<vmem>>)
          %run_scoped3A_145 = arith.constant 1 : i32
          "tpu.region"() ({
            %run_scoped3A_160 = tpu.sem_alloc : memref<!tpu.dma_semaphore, #tpu.memory_space<semaphore_mem>>
            %dma_start3A_161 = arith.constant 0 : i32
            %dma_start3A_162 = arith.constant 0 : i32
            %dma_start3A_163 = tpu.memref_slice %arg8[%run_scoped3A_145, %dma_start3A_161, %dma_start3A_162] : memref<2x128x128xf32, #tpu.memory_space<vmem>> -> memref<1x128x128xf32, #tpu.memory_space<vmem>>
            %dma_start3A_164 = tpu.memref_squeeze %dma_start3A_163 : memref<1x128x128xf32, #tpu.memory_space<vmem>> -> memref<128x128xf32, #tpu.memory_space<vmem>>
            %dma_start3A_165 = arith.constant 0 : i32
            %dma_start3A_166 = tpu.memref_slice %arg7[%add3A_108, %dma_start3A_165] : memref<16x128xi32, #tpu.memory_space<vmem>> -> memref<1x128xi32, #tpu.memory_space<vmem>>
            %dma_start3A_167 = tpu.memref_squeeze %dma_start3A_166 : memref<1x128xi32, #tpu.memory_space<vmem>> -> memref<128xi32, #tpu.memory_space<vmem>>
            %dma_start3A_168 = arith.constant 0 : i32
            %dma_start3A_169 = arith.constant 0 : i32
            %dma_start3A_170 = tpu.memref_slice %arg9[%dma_start3A_168, %dma_start3A_169] : memref<10240x128xf32, #tpu.memory_space<vmem_shared>> -> memref<10240x128xf32, #tpu.memory_space<vmem_shared>>
            tpu.enqueue_indirect_dma source(%dma_start3A_164 : memref<128x128xf32, #tpu.memory_space<vmem>>) target(%dma_start3A_170 : memref<10240x128xf32, #tpu.memory_space<vmem_shared>>) offsets(%dma_start3A_167 : memref<128xi32, #tpu.memory_space<vmem>>) semaphore(%run_scoped3A_160 : memref<!tpu.dma_semaphore, #tpu.memory_space<semaphore_mem>>) {add = true}
            %dma_wait3A_171 = arith.constant 0 : i32
            %dma_wait3A_172 = arith.constant 0 : i32
            %dma_wait3A_173 = tpu.memref_slice %arg8[%run_scoped3A_145, %dma_wait3A_171, %dma_wait3A_172] : memref<2x128x128xf32, #tpu.memory_space<vmem>> -> memref<1x128x128xf32, #tpu.memory_space<vmem>>
            %dma_wait3A_174 = tpu.memref_squeeze %dma_wait3A_173 : memref<1x128x128xf32, #tpu.memory_space<vmem>> -> memref<128x128xf32, #tpu.memory_space<vmem>>
            %dma_wait3A_175 = arith.constant 0 : i32
            %dma_wait3A_176 = tpu.memref_slice %arg7[%add3A_108, %dma_wait3A_175] : memref<16x128xi32, #tpu.memory_space<vmem>> -> memref<1x128xi32, #tpu.memory_space<vmem>>
            %dma_wait3A_177 = tpu.memref_squeeze %dma_wait3A_176 : memref<1x128xi32, #tpu.memory_space<vmem>> -> memref<128xi32, #tpu.memory_space<vmem>>
            %dma_wait3A_178 = arith.constant 0 : i32
            %dma_wait3A_179 = arith.constant 0 : i32
            %dma_wait3A_180 = tpu.memref_slice %arg9[%dma_wait3A_178, %dma_wait3A_179] : memref<10240x128xf32, #tpu.memory_space<vmem_shared>> -> memref<10240x128xf32, #tpu.memory_space<vmem_shared>>
            tpu.wait_indirect_dma semaphore(%run_scoped3A_160 : memref<!tpu.dma_semaphore, #tpu.memory_space<semaphore_mem>>) src(%dma_wait3A_174 : memref<128x128xf32, #tpu.memory_space<vmem>>) dst(%dma_wait3A_180 : memref<10240x128xf32, #tpu.memory_space<vmem_shared>>)
            tpu.yield
          }) : () -> ()
          %add3A_146 = arith.constant 2 : i32
          %add3A_147 = arith.addi %add3A_108, %add3A_146 : i32
          %rem3A_148 = arith.remsi %add3A_147, %min3A_28 : i32
          %dma_start3A_149 = arith.constant 1 : i32
          %dma_start3A_150 = arith.constant 0 : i32
          %dma_start3A_151 = arith.constant 0 : i32
          %dma_start3A_152 = tpu.memref_slice %arg8[%dma_start3A_149, %dma_start3A_150, %dma_start3A_151] : memref<2x128x128xf32, #tpu.memory_space<vmem>> -> memref<1x128x128xf32, #tpu.memory_space<vmem>>
          %dma_start3A_153 = tpu.memref_squeeze %dma_start3A_152 : memref<1x128x128xf32, #tpu.memory_space<vmem>> -> memref<128x128xf32, #tpu.memory_space<vmem>>
          %dma_start3A_154 = arith.constant 0 : i32
          %dma_start3A_155 = tpu.memref_slice %arg6[%rem3A_148, %dma_start3A_154] : memref<16x128xi32, #tpu.memory_space<vmem>> -> memref<1x128xi32, #tpu.memory_space<vmem>>
          %dma_start3A_156 = tpu.memref_squeeze %dma_start3A_155 : memref<1x128xi32, #tpu.memory_space<vmem>> -> memref<128xi32, #tpu.memory_space<vmem>>
          %dma_start3A_157 = arith.constant 0 : i32
          %dma_start3A_158 = arith.constant 0 : i32
          %dma_start3A_159 = tpu.memref_slice %arg2[%dma_start3A_157, %dma_start3A_158] : memref<10240x128xf32, #tpu.memory_space<hbm>> -> memref<10240x128xf32, #tpu.memory_space<hbm>>
          tpu.enqueue_indirect_dma source(%dma_start3A_159 : memref<10240x128xf32, #tpu.memory_space<hbm>>) target(%dma_start3A_153 : memref<128x128xf32, #tpu.memory_space<vmem>>) offsets(%dma_start3A_156 : memref<128xi32, #tpu.memory_space<vmem>>) semaphore(%arg11 : memref<!tpu.dma_semaphore, #tpu.memory_space<semaphore_mem>>)
        }
        %dma_wait3A = arith.constant 0 : i32
        %dma_wait3A_82 = arith.constant 0 : i32
        %dma_wait3A_83 = arith.constant 0 : i32
        %dma_wait3A_84 = arith.constant 0 : i32
        %dma_wait3A_85 = tpu.memref_slice %arg8[%dma_wait3A_82, %dma_wait3A_83, %dma_wait3A_84] : memref<2x128x128xf32, #tpu.memory_space<vmem>> -> memref<1x128x128xf32, #tpu.memory_space<vmem>>
        %dma_wait3A_86 = tpu.memref_squeeze %dma_wait3A_85 : memref<1x128x128xf32, #tpu.memory_space<vmem>> -> memref<128x128xf32, #tpu.memory_space<vmem>>
        %dma_wait3A_87 = arith.constant 0 : i32
        %dma_wait3A_88 = tpu.memref_slice %arg6[%dma_wait3A, %dma_wait3A_87] : memref<16x128xi32, #tpu.memory_space<vmem>> -> memref<1x128xi32, #tpu.memory_space<vmem>>
        %dma_wait3A_89 = tpu.memref_squeeze %dma_wait3A_88 : memref<1x128xi32, #tpu.memory_space<vmem>> -> memref<128xi32, #tpu.memory_space<vmem>>
        %dma_wait3A_90 = arith.constant 0 : i32
        %dma_wait3A_91 = arith.constant 0 : i32
        %dma_wait3A_92 = tpu.memref_slice %arg2[%dma_wait3A_90, %dma_wait3A_91] : memref<10240x128xf32, #tpu.memory_space<hbm>> -> memref<10240x128xf32, #tpu.memory_space<hbm>>
        tpu.wait_indirect_dma semaphore(%arg10 : memref<!tpu.dma_semaphore, #tpu.memory_space<semaphore_mem>>) src(%dma_wait3A_92 : memref<10240x128xf32, #tpu.memory_space<hbm>>) dst(%dma_wait3A_86 : memref<128x128xf32, #tpu.memory_space<vmem>>)
        %dma_wait3A_93 = arith.constant 1 : i32
        %dma_wait3A_94 = arith.constant 1 : i32
        %dma_wait3A_95 = arith.constant 0 : i32
        %dma_wait3A_96 = arith.constant 0 : i32
        %dma_wait3A_97 = tpu.memref_slice %arg8[%dma_wait3A_94, %dma_wait3A_95, %dma_wait3A_96] : memref<2x128x128xf32, #tpu.memory_space<vmem>> -> memref<1x128x128xf32, #tpu.memory_space<vmem>>
        %dma_wait3A_98 = tpu.memref_squeeze %dma_wait3A_97 : memref<1x128x128xf32, #tpu.memory_space<vmem>> -> memref<128x128xf32, #tpu.memory_space<vmem>>
        %dma_wait3A_99 = arith.constant 0 : i32
        %dma_wait3A_100 = tpu.memref_slice %arg6[%dma_wait3A_93, %dma_wait3A_99] : memref<16x128xi32, #tpu.memory_space<vmem>> -> memref<1x128xi32, #tpu.memory_space<vmem>>
        %dma_wait3A_101 = tpu.memref_squeeze %dma_wait3A_100 : memref<1x128xi32, #tpu.memory_space<vmem>> -> memref<128xi32, #tpu.memory_space<vmem>>
        %dma_wait3A_102 = arith.constant 0 : i32
        %dma_wait3A_103 = arith.constant 0 : i32
        %dma_wait3A_104 = tpu.memref_slice %arg2[%dma_wait3A_102, %dma_wait3A_103] : memref<10240x128xf32, #tpu.memory_space<hbm>> -> memref<10240x128xf32, #tpu.memory_space<hbm>>
        tpu.wait_indirect_dma semaphore(%arg11 : memref<!tpu.dma_semaphore, #tpu.memory_space<semaphore_mem>>) src(%dma_wait3A_104 : memref<10240x128xf32, #tpu.memory_space<hbm>>) dst(%dma_wait3A_98 : memref<128x128xf32, #tpu.memory_space<vmem>>)
      }
      %scan3A_19 = arith.constant 10 : i32
      %barrier3A_20 = arith.constant 0 : index
      tpu.barrier barrier_id(%barrier3A_20)
      %mul3A = arith.constant 640 : i32
      %mul3A_21 = arith.muli %arg1, %mul3A : i32
      %mul3A_22 = arith.constant 640 : i32
      %mul3A_23 = arith.muli %arg1, %mul3A_22 : i32
      "tpu.region"() ({
        %run_scoped3A = tpu.sem_alloc : memref<!tpu.dma_semaphore, #tpu.memory_space<semaphore_mem>>
        %dma_start3A = arith.constant 0 : i32
        %dma_start3A_24 = tpu.memref_slice %arg5[%mul3A_23, %dma_start3A] : memref<10240x128xf32, #tpu.memory_space<hbm>> -> memref<640x128xf32, #tpu.memory_space<hbm>>
        %dma_start3A_25 = arith.constant 0 : i32
        %dma_start3A_26 = tpu.memref_slice %arg9[%mul3A_21, %dma_start3A_25] : memref<10240x128xf32, #tpu.memory_space<vmem_shared>> -> memref<640x128xf32, #tpu.memory_space<vmem_shared>>
        tpu.enqueue_dma source(%dma_start3A_26 : memref<640x128xf32, #tpu.memory_space<vmem_shared>>) target(%dma_start3A_24 : memref<640x128xf32, #tpu.memory_space<hbm>>) target_semaphore(%run_scoped3A : memref<!tpu.dma_semaphore, #tpu.memory_space<semaphore_mem>>)
        %dma_wait3A = arith.constant 0 : i32
        %dma_wait3A_27 = tpu.memref_slice %arg5[%mul3A_23, %dma_wait3A] : memref<10240x128xf32, #tpu.memory_space<hbm>> -> memref<640x128xf32, #tpu.memory_space<hbm>>
        %dma_wait3A_28 = arith.constant 0 : i32
        %dma_wait3A_29 = tpu.memref_slice %arg9[%mul3A_21, %dma_wait3A_28] : memref<10240x128xf32, #tpu.memory_space<vmem_shared>> -> memref<640x128xf32, #tpu.memory_space<vmem_shared>>
        tpu.wait_dma2 semaphore(%run_scoped3A : memref<!tpu.dma_semaphore, #tpu.memory_space<semaphore_mem>>) src(%dma_wait3A_29 : memref<640x128xf32, #tpu.memory_space<vmem_shared>>) dst(%dma_wait3A_27 : memref<640x128xf32, #tpu.memory_space<hbm>>)
        tpu.yield
      }) : () -> ()
    } else {
    }
    return
  }
}

#map = affine_map<(d0, d1) -> (0, 0, 0)>
#map1 = affine_map<(d0, d1) -> (0)>
module attributes {stable_mosaic.version = 14 : i64} {
  func.func @_deg(%arg0: i32, %arg1: i32, %arg2: memref<16x160x128xi32, #tpu.memory_space<hbm>>, %arg3: memref<10240xf32, #tpu.memory_space<hbm>>, %arg4: memref<160x128xi32, #tpu.memory_space<vmem>>, %arg5: memref<128xf32, #tpu.memory_space<vmem>>, %arg6: memref<10240xf32, #tpu.memory_space<vmem_shared>>) attributes {dimension_semantics = [#tpu.dimension_semantics<core_parallel>, #tpu.dimension_semantics<subcore_parallel>], iteration_bounds = array<i64: 2, 16>, scalar_prefetch = 0 : i64, scratch_operands = 3 : i64, tpu.core_type = #tpu.core_type<sc_vector_subcore>, window_params = [{transform_indices = #map}, {transform_indices = #map1}]} {
    %eq3A = arith.constant 1 : i32
    %eq3A_0 = arith.cmpi eq, %arg0, %eq3A : i32
    %convert_element_type3A = arith.extui %eq3A_0 : i1 to i32
    %cond3A = arith.constant 0 : i32
    %cond3A_1 = arith.cmpi ne, %convert_element_type3A, %cond3A : i32
    scf.if %cond3A_1 {
      %broadcast_in_dim3A = arith.constant 0.000000e+00 : f32
      %broadcast_in_dim3A_2 = vector.broadcast %broadcast_in_dim3A : f32 to vector<16xf32>
      %swap3A = arith.constant 0 : index
      %swap3A_3 = tpu.vector_load %arg5[%swap3A] {strides = array<i32>} : memref<128xf32, #tpu.memory_space<vmem>>, vector<16xf32>,
      %swap3A_4 = vector.shape_cast %swap3A_3 : vector<16xf32> to vector<16xf32>
      %swap3A_5 = vector.shape_cast %broadcast_in_dim3A_2 : vector<16xf32> to vector<16xf32>
      tpu.vector_store %arg5[%swap3A], %swap3A_5 {strides = array<i32>} : memref<128xf32, #tpu.memory_space<vmem>>, vector<16xf32>,
      %swap3A_6 = arith.constant 16 : index
      %swap3A_7 = tpu.vector_load %arg5[%swap3A_6] {strides = array<i32>} : memref<128xf32, #tpu.memory_space<vmem>>, vector<16xf32>,
      %swap3A_8 = vector.shape_cast %swap3A_7 : vector<16xf32> to vector<16xf32>
      %swap3A_9 = vector.shape_cast %broadcast_in_dim3A_2 : vector<16xf32> to vector<16xf32>
      tpu.vector_store %arg5[%swap3A_6], %swap3A_9 {strides = array<i32>} : memref<128xf32, #tpu.memory_space<vmem>>, vector<16xf32>,
      %swap3A_10 = arith.constant 32 : index
      %swap3A_11 = tpu.vector_load %arg5[%swap3A_10] {strides = array<i32>} : memref<128xf32, #tpu.memory_space<vmem>>, vector<16xf32>,
      %swap3A_12 = vector.shape_cast %swap3A_11 : vector<16xf32> to vector<16xf32>
      %swap3A_13 = vector.shape_cast %broadcast_in_dim3A_2 : vector<16xf32> to vector<16xf32>
      tpu.vector_store %arg5[%swap3A_10], %swap3A_13 {strides = array<i32>} : memref<128xf32, #tpu.memory_space<vmem>>, vector<16xf32>,
      %swap3A_14 = arith.constant 48 : index
      %swap3A_15 = tpu.vector_load %arg5[%swap3A_14] {strides = array<i32>} : memref<128xf32, #tpu.memory_space<vmem>>, vector<16xf32>,
      %swap3A_16 = vector.shape_cast %swap3A_15 : vector<16xf32> to vector<16xf32>
      %swap3A_17 = vector.shape_cast %broadcast_in_dim3A_2 : vector<16xf32> to vector<16xf32>
      tpu.vector_store %arg5[%swap3A_14], %swap3A_17 {strides = array<i32>} : memref<128xf32, #tpu.memory_space<vmem>>, vector<16xf32>,
      %swap3A_18 = arith.constant 64 : index
      %swap3A_19 = tpu.vector_load %arg5[%swap3A_18] {strides = array<i32>} : memref<128xf32, #tpu.memory_space<vmem>>, vector<16xf32>,
      %swap3A_20 = vector.shape_cast %swap3A_19 : vector<16xf32> to vector<16xf32>
      %swap3A_21 = vector.shape_cast %broadcast_in_dim3A_2 : vector<16xf32> to vector<16xf32>
      tpu.vector_store %arg5[%swap3A_18], %swap3A_21 {strides = array<i32>} : memref<128xf32, #tpu.memory_space<vmem>>, vector<16xf32>,
      %swap3A_22 = arith.constant 80 : index
      %swap3A_23 = tpu.vector_load %arg5[%swap3A_22] {strides = array<i32>} : memref<128xf32, #tpu.memory_space<vmem>>, vector<16xf32>,
      %swap3A_24 = vector.shape_cast %swap3A_23 : vector<16xf32> to vector<16xf32>
      %swap3A_25 = vector.shape_cast %broadcast_in_dim3A_2 : vector<16xf32> to vector<16xf32>
      tpu.vector_store %arg5[%swap3A_22], %swap3A_25 {strides = array<i32>} : memref<128xf32, #tpu.memory_space<vmem>>, vector<16xf32>,
      %swap3A_26 = arith.constant 96 : index
      %swap3A_27 = tpu.vector_load %arg5[%swap3A_26] {strides = array<i32>} : memref<128xf32, #tpu.memory_space<vmem>>, vector<16xf32>,
      %swap3A_28 = vector.shape_cast %swap3A_27 : vector<16xf32> to vector<16xf32>
      %swap3A_29 = vector.shape_cast %broadcast_in_dim3A_2 : vector<16xf32> to vector<16xf32>
      tpu.vector_store %arg5[%swap3A_26], %swap3A_29 {strides = array<i32>} : memref<128xf32, #tpu.memory_space<vmem>>, vector<16xf32>,
      %swap3A_30 = arith.constant 112 : index
      %swap3A_31 = tpu.vector_load %arg5[%swap3A_30] {strides = array<i32>} : memref<128xf32, #tpu.memory_space<vmem>>, vector<16xf32>,
      %swap3A_32 = vector.shape_cast %swap3A_31 : vector<16xf32> to vector<16xf32>
      %swap3A_33 = vector.shape_cast %broadcast_in_dim3A_2 : vector<16xf32> to vector<16xf32>
      tpu.vector_store %arg5[%swap3A_30], %swap3A_33 {strides = array<i32>} : memref<128xf32, #tpu.memory_space<vmem>>, vector<16xf32>,
      %mul3A = arith.constant 640 : i32
      %mul3A_34 = arith.muli %arg1, %mul3A : i32
      %add3A = arith.constant 0 : i32
      %add3A_35 = arith.addi %mul3A_34, %add3A : i32
      "tpu.region"() ({
        %run_scoped3A = tpu.sem_alloc : memref<!tpu.dma_semaphore, #tpu.memory_space<semaphore_mem>>
        %dma_start3A = tpu.memref_slice %arg6[%add3A_35] : memref<10240xf32, #tpu.memory_space<vmem_shared>> -> memref<128xf32, #tpu.memory_space<vmem_shared>>
        %dma_start3A_96 = tpu.memref_slice %arg6[%add3A_35] : memref<10240xf32, #tpu.memory_space<vmem_shared>> -> memref<128xf32, #tpu.memory_space<vmem_shared>>
        tpu.enqueue_dma source(%arg5 : memref<128xf32, #tpu.memory_space<vmem>>) target(%dma_start3A_96 : memref<128xf32, #tpu.memory_space<vmem_shared>>) target_semaphore(%run_scoped3A : memref<!tpu.dma_semaphore, #tpu.memory_space<semaphore_mem>>)
        %dma_wait3A = tpu.memref_slice %arg6[%add3A_35] : memref<10240xf32, #tpu.memory_space<vmem_shared>> -> memref<128xf32, #tpu.memory_space<vmem_shared>>
        %dma_wait3A_97 = tpu.memref_slice %arg6[%add3A_35] : memref<10240xf32, #tpu.memory_space<vmem_shared>> -> memref<128xf32, #tpu.memory_space<vmem_shared>>
        tpu.wait_dma2 semaphore(%run_scoped3A : memref<!tpu.dma_semaphore, #tpu.memory_space<semaphore_mem>>) src(%arg5 : memref<128xf32, #tpu.memory_space<vmem>>) dst(%dma_wait3A_97 : memref<128xf32, #tpu.memory_space<vmem_shared>>)
        tpu.yield
      }) : () -> ()
      %mul3A_36 = arith.constant 640 : i32
      %mul3A_37 = arith.muli %arg1, %mul3A_36 : i32
      %add3A_38 = arith.constant 128 : i32
      %add3A_39 = arith.addi %mul3A_37, %add3A_38 : i32
      "tpu.region"() ({
        %run_scoped3A = tpu.sem_alloc : memref<!tpu.dma_semaphore, #tpu.memory_space<semaphore_mem>>
        %dma_start3A = tpu.memref_slice %arg6[%add3A_39] : memref<10240xf32, #tpu.memory_space<vmem_shared>> -> memref<128xf32, #tpu.memory_space<vmem_shared>>
        %dma_start3A_96 = tpu.memref_slice %arg6[%add3A_39] : memref<10240xf32, #tpu.memory_space<vmem_shared>> -> memref<128xf32, #tpu.memory_space<vmem_shared>>
        tpu.enqueue_dma source(%arg5 : memref<128xf32, #tpu.memory_space<vmem>>) target(%dma_start3A_96 : memref<128xf32, #tpu.memory_space<vmem_shared>>) target_semaphore(%run_scoped3A : memref<!tpu.dma_semaphore, #tpu.memory_space<semaphore_mem>>)
        %dma_wait3A = tpu.memref_slice %arg6[%add3A_39] : memref<10240xf32, #tpu.memory_space<vmem_shared>> -> memref<128xf32, #tpu.memory_space<vmem_shared>>
        %dma_wait3A_97 = tpu.memref_slice %arg6[%add3A_39] : memref<10240xf32, #tpu.memory_space<vmem_shared>> -> memref<128xf32, #tpu.memory_space<vmem_shared>>
        tpu.wait_dma2 semaphore(%run_scoped3A : memref<!tpu.dma_semaphore, #tpu.memory_space<semaphore_mem>>) src(%arg5 : memref<128xf32, #tpu.memory_space<vmem>>) dst(%dma_wait3A_97 : memref<128xf32, #tpu.memory_space<vmem_shared>>)
        tpu.yield
      }) : () -> ()
      %mul3A_40 = arith.constant 640 : i32
      %mul3A_41 = arith.muli %arg1, %mul3A_40 : i32
      %add3A_42 = arith.constant 256 : i32
      %add3A_43 = arith.addi %mul3A_41, %add3A_42 : i32
      "tpu.region"() ({
        %run_scoped3A = tpu.sem_alloc : memref<!tpu.dma_semaphore, #tpu.memory_space<semaphore_mem>>
        %dma_start3A = tpu.memref_slice %arg6[%add3A_43] : memref<10240xf32, #tpu.memory_space<vmem_shared>> -> memref<128xf32, #tpu.memory_space<vmem_shared>>
        %dma_start3A_96 = tpu.memref_slice %arg6[%add3A_43] : memref<10240xf32, #tpu.memory_space<vmem_shared>> -> memref<128xf32, #tpu.memory_space<vmem_shared>>
        tpu.enqueue_dma source(%arg5 : memref<128xf32, #tpu.memory_space<vmem>>) target(%dma_start3A_96 : memref<128xf32, #tpu.memory_space<vmem_shared>>) target_semaphore(%run_scoped3A : memref<!tpu.dma_semaphore, #tpu.memory_space<semaphore_mem>>)
        %dma_wait3A = tpu.memref_slice %arg6[%add3A_43] : memref<10240xf32, #tpu.memory_space<vmem_shared>> -> memref<128xf32, #tpu.memory_space<vmem_shared>>
        %dma_wait3A_97 = tpu.memref_slice %arg6[%add3A_43] : memref<10240xf32, #tpu.memory_space<vmem_shared>> -> memref<128xf32, #tpu.memory_space<vmem_shared>>
        tpu.wait_dma2 semaphore(%run_scoped3A : memref<!tpu.dma_semaphore, #tpu.memory_space<semaphore_mem>>) src(%arg5 : memref<128xf32, #tpu.memory_space<vmem>>) dst(%dma_wait3A_97 : memref<128xf32, #tpu.memory_space<vmem_shared>>)
        tpu.yield
      }) : () -> ()
      %mul3A_44 = arith.constant 640 : i32
      %mul3A_45 = arith.muli %arg1, %mul3A_44 : i32
      %add3A_46 = arith.constant 384 : i32
      %add3A_47 = arith.addi %mul3A_45, %add3A_46 : i32
      "tpu.region"() ({
        %run_scoped3A = tpu.sem_alloc : memref<!tpu.dma_semaphore, #tpu.memory_space<semaphore_mem>>
        %dma_start3A = tpu.memref_slice %arg6[%add3A_47] : memref<10240xf32, #tpu.memory_space<vmem_shared>> -> memref<128xf32, #tpu.memory_space<vmem_shared>>
        %dma_start3A_96 = tpu.memref_slice %arg6[%add3A_47] : memref<10240xf32, #tpu.memory_space<vmem_shared>> -> memref<128xf32, #tpu.memory_space<vmem_shared>>
        tpu.enqueue_dma source(%arg5 : memref<128xf32, #tpu.memory_space<vmem>>) target(%dma_start3A_96 : memref<128xf32, #tpu.memory_space<vmem_shared>>) target_semaphore(%run_scoped3A : memref<!tpu.dma_semaphore, #tpu.memory_space<semaphore_mem>>)
        %dma_wait3A = tpu.memref_slice %arg6[%add3A_47] : memref<10240xf32, #tpu.memory_space<vmem_shared>> -> memref<128xf32, #tpu.memory_space<vmem_shared>>
        %dma_wait3A_97 = tpu.memref_slice %arg6[%add3A_47] : memref<10240xf32, #tpu.memory_space<vmem_shared>> -> memref<128xf32, #tpu.memory_space<vmem_shared>>
        tpu.wait_dma2 semaphore(%run_scoped3A : memref<!tpu.dma_semaphore, #tpu.memory_space<semaphore_mem>>) src(%arg5 : memref<128xf32, #tpu.memory_space<vmem>>) dst(%dma_wait3A_97 : memref<128xf32, #tpu.memory_space<vmem_shared>>)
        tpu.yield
      }) : () -> ()
      %mul3A_48 = arith.constant 640 : i32
      %mul3A_49 = arith.muli %arg1, %mul3A_48 : i32
      %add3A_50 = arith.constant 512 : i32
      %add3A_51 = arith.addi %mul3A_49, %add3A_50 : i32
      "tpu.region"() ({
        %run_scoped3A = tpu.sem_alloc : memref<!tpu.dma_semaphore, #tpu.memory_space<semaphore_mem>>
        %dma_start3A = tpu.memref_slice %arg6[%add3A_51] : memref<10240xf32, #tpu.memory_space<vmem_shared>> -> memref<128xf32, #tpu.memory_space<vmem_shared>>
        %dma_start3A_96 = tpu.memref_slice %arg6[%add3A_51] : memref<10240xf32, #tpu.memory_space<vmem_shared>> -> memref<128xf32, #tpu.memory_space<vmem_shared>>
        tpu.enqueue_dma source(%arg5 : memref<128xf32, #tpu.memory_space<vmem>>) target(%dma_start3A_96 : memref<128xf32, #tpu.memory_space<vmem_shared>>) target_semaphore(%run_scoped3A : memref<!tpu.dma_semaphore, #tpu.memory_space<semaphore_mem>>)
        %dma_wait3A = tpu.memref_slice %arg6[%add3A_51] : memref<10240xf32, #tpu.memory_space<vmem_shared>> -> memref<128xf32, #tpu.memory_space<vmem_shared>>
        %dma_wait3A_97 = tpu.memref_slice %arg6[%add3A_51] : memref<10240xf32, #tpu.memory_space<vmem_shared>> -> memref<128xf32, #tpu.memory_space<vmem_shared>>
        tpu.wait_dma2 semaphore(%run_scoped3A : memref<!tpu.dma_semaphore, #tpu.memory_space<semaphore_mem>>) src(%arg5 : memref<128xf32, #tpu.memory_space<vmem>>) dst(%dma_wait3A_97 : memref<128xf32, #tpu.memory_space<vmem_shared>>)
        tpu.yield
      }) : () -> ()
      %broadcast_in_dim3A_52 = arith.constant 1.000000e+00 : f32
      %broadcast_in_dim3A_53 = vector.broadcast %broadcast_in_dim3A_52 : f32 to vector<16xf32>
      %swap3A_54 = arith.constant 0 : index
      %swap3A_55 = tpu.vector_load %arg5[%swap3A_54] {strides = array<i32>} : memref<128xf32, #tpu.memory_space<vmem>>, vector<16xf32>,
      %swap3A_56 = vector.shape_cast %swap3A_55 : vector<16xf32> to vector<16xf32>
      %swap3A_57 = vector.shape_cast %broadcast_in_dim3A_53 : vector<16xf32> to vector<16xf32>
      tpu.vector_store %arg5[%swap3A_54], %swap3A_57 {strides = array<i32>} : memref<128xf32, #tpu.memory_space<vmem>>, vector<16xf32>,
      %swap3A_58 = arith.constant 16 : index
      %swap3A_59 = tpu.vector_load %arg5[%swap3A_58] {strides = array<i32>} : memref<128xf32, #tpu.memory_space<vmem>>, vector<16xf32>,
      %swap3A_60 = vector.shape_cast %swap3A_59 : vector<16xf32> to vector<16xf32>
      %swap3A_61 = vector.shape_cast %broadcast_in_dim3A_53 : vector<16xf32> to vector<16xf32>
      tpu.vector_store %arg5[%swap3A_58], %swap3A_61 {strides = array<i32>} : memref<128xf32, #tpu.memory_space<vmem>>, vector<16xf32>,
      %swap3A_62 = arith.constant 32 : index
      %swap3A_63 = tpu.vector_load %arg5[%swap3A_62] {strides = array<i32>} : memref<128xf32, #tpu.memory_space<vmem>>, vector<16xf32>,
      %swap3A_64 = vector.shape_cast %swap3A_63 : vector<16xf32> to vector<16xf32>
      %swap3A_65 = vector.shape_cast %broadcast_in_dim3A_53 : vector<16xf32> to vector<16xf32>
      tpu.vector_store %arg5[%swap3A_62], %swap3A_65 {strides = array<i32>} : memref<128xf32, #tpu.memory_space<vmem>>, vector<16xf32>,
      %swap3A_66 = arith.constant 48 : index
      %swap3A_67 = tpu.vector_load %arg5[%swap3A_66] {strides = array<i32>} : memref<128xf32, #tpu.memory_space<vmem>>, vector<16xf32>,
      %swap3A_68 = vector.shape_cast %swap3A_67 : vector<16xf32> to vector<16xf32>
      %swap3A_69 = vector.shape_cast %broadcast_in_dim3A_53 : vector<16xf32> to vector<16xf32>
      tpu.vector_store %arg5[%swap3A_66], %swap3A_69 {strides = array<i32>} : memref<128xf32, #tpu.memory_space<vmem>>, vector<16xf32>,
      %swap3A_70 = arith.constant 64 : index
      %swap3A_71 = tpu.vector_load %arg5[%swap3A_70] {strides = array<i32>} : memref<128xf32, #tpu.memory_space<vmem>>, vector<16xf32>,
      %swap3A_72 = vector.shape_cast %swap3A_71 : vector<16xf32> to vector<16xf32>
      %swap3A_73 = vector.shape_cast %broadcast_in_dim3A_53 : vector<16xf32> to vector<16xf32>
      tpu.vector_store %arg5[%swap3A_70], %swap3A_73 {strides = array<i32>} : memref<128xf32, #tpu.memory_space<vmem>>, vector<16xf32>,
      %swap3A_74 = arith.constant 80 : index
      %swap3A_75 = tpu.vector_load %arg5[%swap3A_74] {strides = array<i32>} : memref<128xf32, #tpu.memory_space<vmem>>, vector<16xf32>,
      %swap3A_76 = vector.shape_cast %swap3A_75 : vector<16xf32> to vector<16xf32>
      %swap3A_77 = vector.shape_cast %broadcast_in_dim3A_53 : vector<16xf32> to vector<16xf32>
      tpu.vector_store %arg5[%swap3A_74], %swap3A_77 {strides = array<i32>} : memref<128xf32, #tpu.memory_space<vmem>>, vector<16xf32>,
      %swap3A_78 = arith.constant 96 : index
      %swap3A_79 = tpu.vector_load %arg5[%swap3A_78] {strides = array<i32>} : memref<128xf32, #tpu.memory_space<vmem>>, vector<16xf32>,
      %swap3A_80 = vector.shape_cast %swap3A_79 : vector<16xf32> to vector<16xf32>
      %swap3A_81 = vector.shape_cast %broadcast_in_dim3A_53 : vector<16xf32> to vector<16xf32>
      tpu.vector_store %arg5[%swap3A_78], %swap3A_81 {strides = array<i32>} : memref<128xf32, #tpu.memory_space<vmem>>, vector<16xf32>,
      %swap3A_82 = arith.constant 112 : index
      %swap3A_83 = tpu.vector_load %arg5[%swap3A_82] {strides = array<i32>} : memref<128xf32, #tpu.memory_space<vmem>>, vector<16xf32>,
      %swap3A_84 = vector.shape_cast %swap3A_83 : vector<16xf32> to vector<16xf32>
      %swap3A_85 = vector.shape_cast %broadcast_in_dim3A_53 : vector<16xf32> to vector<16xf32>
      tpu.vector_store %arg5[%swap3A_82], %swap3A_85 {strides = array<i32>} : memref<128xf32, #tpu.memory_space<vmem>>, vector<16xf32>,
      "tpu.region"() ({
        %run_scoped3A = tpu.sem_alloc : memref<!tpu.dma_semaphore, #tpu.memory_space<semaphore_mem>>
        %dma_start3A = arith.constant 0 : i32
        %dma_start3A_96 = arith.constant 0 : i32
        %dma_start3A_97 = tpu.memref_slice %arg2[%arg1, %dma_start3A, %dma_start3A_96] : memref<16x160x128xi32, #tpu.memory_space<hbm>> -> memref<1x160x128xi32, #tpu.memory_space<hbm>>
        %dma_start3A_98 = tpu.memref_squeeze %dma_start3A_97 : memref<1x160x128xi32, #tpu.memory_space<hbm>> -> memref<160x128xi32, #tpu.memory_space<hbm>>
        %dma_start3A_99 = arith.constant 0 : i32
        %dma_start3A_100 = arith.constant 0 : i32
        %dma_start3A_101 = tpu.memref_slice %arg2[%arg1, %dma_start3A_99, %dma_start3A_100] : memref<16x160x128xi32, #tpu.memory_space<hbm>> -> memref<1x160x128xi32, #tpu.memory_space<hbm>>
        %dma_start3A_102 = tpu.memref_squeeze %dma_start3A_101 : memref<1x160x128xi32, #tpu.memory_space<hbm>> -> memref<160x128xi32, #tpu.memory_space<hbm>>
        tpu.enqueue_dma source(%dma_start3A_102 : memref<160x128xi32, #tpu.memory_space<hbm>>) target(%arg4 : memref<160x128xi32, #tpu.memory_space<vmem>>) target_semaphore(%run_scoped3A : memref<!tpu.dma_semaphore, #tpu.memory_space<semaphore_mem>>)
        %dma_wait3A = arith.constant 0 : i32
        %dma_wait3A_103 = arith.constant 0 : i32
        %dma_wait3A_104 = tpu.memref_slice %arg2[%arg1, %dma_wait3A, %dma_wait3A_103] : memref<16x160x128xi32, #tpu.memory_space<hbm>> -> memref<1x160x128xi32, #tpu.memory_space<hbm>>
        %dma_wait3A_105 = tpu.memref_squeeze %dma_wait3A_104 : memref<1x160x128xi32, #tpu.memory_space<hbm>> -> memref<160x128xi32, #tpu.memory_space<hbm>>
        %dma_wait3A_106 = arith.constant 0 : i32
        %dma_wait3A_107 = arith.constant 0 : i32
        %dma_wait3A_108 = tpu.memref_slice %arg2[%arg1, %dma_wait3A_106, %dma_wait3A_107] : memref<16x160x128xi32, #tpu.memory_space<hbm>> -> memref<1x160x128xi32, #tpu.memory_space<hbm>>
        %dma_wait3A_109 = tpu.memref_squeeze %dma_wait3A_108 : memref<1x160x128xi32, #tpu.memory_space<hbm>> -> memref<160x128xi32, #tpu.memory_space<hbm>>
        tpu.wait_dma2 semaphore(%run_scoped3A : memref<!tpu.dma_semaphore, #tpu.memory_space<semaphore_mem>>) src(%dma_wait3A_109 : memref<160x128xi32, #tpu.memory_space<hbm>>) dst(%arg4 : memref<160x128xi32, #tpu.memory_space<vmem>>)
        tpu.yield
      }) : () -> ()
      %barrier3A = arith.constant 0 : index
      tpu.barrier barrier_id(%barrier3A)
      %scan3A = arith.constant 0 : i32
      %scan3A_86 = arith.constant 0 : i32
      %scan3A_87 = arith.constant 158 : i32
      %scan3A_88 = arith.addi %scan3A_86, %scan3A_87 : i32
      %scan3A_89 = arith.constant 1 : i32
      scf.for %scan3A_96 = %scan3A_86 to %scan3A_88 step %scan3A_89  : i32 {
        "tpu.region"() ({
          %run_scoped3A = tpu.sem_alloc : memref<!tpu.dma_semaphore, #tpu.memory_space<semaphore_mem>>
          %dma_start3A = arith.constant 0 : i32
          %dma_start3A_97 = tpu.memref_slice %arg4[%scan3A_96, %dma_start3A] : memref<160x128xi32, #tpu.memory_space<vmem>> -> memref<1x128xi32, #tpu.memory_space<vmem>>
          %dma_start3A_98 = tpu.memref_squeeze %dma_start3A_97 : memref<1x128xi32, #tpu.memory_space<vmem>> -> memref<128xi32, #tpu.memory_space<vmem>>
          %dma_start3A_99 = arith.constant 0 : i32
          %dma_start3A_100 = tpu.memref_slice %arg6[%dma_start3A_99] : memref<10240xf32, #tpu.memory_space<vmem_shared>> -> memref<10240xf32, #tpu.memory_space<vmem_shared>>
          tpu.enqueue_indirect_dma source(%arg5 : memref<128xf32, #tpu.memory_space<vmem>>) target(%dma_start3A_100 : memref<10240xf32, #tpu.memory_space<vmem_shared>>) offsets(%dma_start3A_98 : memref<128xi32, #tpu.memory_space<vmem>>) semaphore(%run_scoped3A : memref<!tpu.dma_semaphore, #tpu.memory_space<semaphore_mem>>) {add = true}
          %dma_wait3A = arith.constant 0 : i32
          %dma_wait3A_101 = tpu.memref_slice %arg4[%scan3A_96, %dma_wait3A] : memref<160x128xi32, #tpu.memory_space<vmem>> -> memref<1x128xi32, #tpu.memory_space<vmem>>
          %dma_wait3A_102 = tpu.memref_squeeze %dma_wait3A_101 : memref<1x128xi32, #tpu.memory_space<vmem>> -> memref<128xi32, #tpu.memory_space<vmem>>
          %dma_wait3A_103 = arith.constant 0 : i32
          %dma_wait3A_104 = tpu.memref_slice %arg6[%dma_wait3A_103] : memref<10240xf32, #tpu.memory_space<vmem_shared>> -> memref<10240xf32, #tpu.memory_space<vmem_shared>>
          tpu.wait_indirect_dma semaphore(%run_scoped3A : memref<!tpu.dma_semaphore, #tpu.memory_space<semaphore_mem>>) src(%arg5 : memref<128xf32, #tpu.memory_space<vmem>>) dst(%dma_wait3A_104 : memref<10240xf32, #tpu.memory_space<vmem_shared>>)
          tpu.yield
        }) : () -> ()
      }
      %scan3A_90 = arith.constant 158 : i32
      %barrier3A_91 = arith.constant 0 : index
      tpu.barrier barrier_id(%barrier3A_91)
      %mul3A_92 = arith.constant 640 : i32
      %mul3A_93 = arith.muli %arg1, %mul3A_92 : i32
      %mul3A_94 = arith.constant 640 : i32
      %mul3A_95 = arith.muli %arg1, %mul3A_94 : i32
      "tpu.region"() ({
        %run_scoped3A = tpu.sem_alloc : memref<!tpu.dma_semaphore, #tpu.memory_space<semaphore_mem>>
        %dma_start3A = tpu.memref_slice %arg3[%mul3A_95] : memref<10240xf32, #tpu.memory_space<hbm>> -> memref<640xf32, #tpu.memory_space<hbm>>
        %dma_start3A_96 = tpu.memref_slice %arg6[%mul3A_93] : memref<10240xf32, #tpu.memory_space<vmem_shared>> -> memref<640xf32, #tpu.memory_space<vmem_shared>>
        tpu.enqueue_dma source(%dma_start3A_96 : memref<640xf32, #tpu.memory_space<vmem_shared>>) target(%dma_start3A : memref<640xf32, #tpu.memory_space<hbm>>) target_semaphore(%run_scoped3A : memref<!tpu.dma_semaphore, #tpu.memory_space<semaphore_mem>>)
        %dma_wait3A = tpu.memref_slice %arg3[%mul3A_95] : memref<10240xf32, #tpu.memory_space<hbm>> -> memref<640xf32, #tpu.memory_space<hbm>>
        %dma_wait3A_97 = tpu.memref_slice %arg6[%mul3A_93] : memref<10240xf32, #tpu.memory_space<vmem_shared>> -> memref<640xf32, #tpu.memory_space<vmem_shared>>
        tpu.wait_dma2 semaphore(%run_scoped3A : memref<!tpu.dma_semaphore, #tpu.memory_space<semaphore_mem>>) src(%dma_wait3A_97 : memref<640xf32, #tpu.memory_space<vmem_shared>>) dst(%dma_wait3A : memref<640xf32, #tpu.memory_space<hbm>>)
        tpu.yield
      }) : () -> ()
    } else {
    }
    return
  }
}

#map = affine_map<(d0, d1) -> (0, 0)>
#map1 = affine_map<(d0, d1) -> (0, 0, 0)>
module attributes {stable_mosaic.version = 14 : i64} {
  func.func @_scatter(%arg0: i32, %arg1: i32, %arg2: memref<10240x128xf32, #tpu.memory_space<hbm>>, %arg3: memref<16x160x128xi32, #tpu.memory_space<hbm>>, %arg4: memref<16x160x128xi32, #tpu.memory_space<hbm>>, %arg5: memref<10240x128xf32, #tpu.memory_space<hbm>>, %arg6: memref<16x128xi32, #tpu.memory_space<vmem>>, %arg7: memref<16x128xi32, #tpu.memory_space<vmem>>, %arg8: memref<2x128x128xf32, #tpu.memory_space<vmem>>, %arg9: memref<10240x128xf32, #tpu.memory_space<vmem_shared>>, %arg10: memref<!tpu.dma_semaphore, #tpu.memory_space<semaphore_mem>>, %arg11: memref<!tpu.dma_semaphore, #tpu.memory_space<semaphore_mem>>) attributes {dimension_semantics = [#tpu.dimension_semantics<core_parallel>, #tpu.dimension_semantics<subcore_parallel>], iteration_bounds = array<i64: 2, 16>, scalar_prefetch = 0 : i64, scratch_operands = 6 : i64, tpu.core_type = #tpu.core_type<sc_vector_subcore>, window_params = [{transform_indices = #map}, {transform_indices = #map1}, {transform_indices = #map1}, {transform_indices = #map}]} {
    %eq3A = arith.constant 1 : i32
    %eq3A_0 = arith.cmpi eq, %arg0, %eq3A : i32
    %convert_element_type3A = arith.extui %eq3A_0 : i1 to i32
    %cond3A = arith.constant 0 : i32
    %cond3A_1 = arith.cmpi ne, %convert_element_type3A, %cond3A : i32
    scf.if %cond3A_1 {
      %broadcast_in_dim3A = arith.constant 0.000000e+00 : f32
      %broadcast_in_dim3A_2 = vector.broadcast %broadcast_in_dim3A : f32 to vector<16xf32>
      %scan3A = arith.constant 0 : i32
      %scan3A_3 = arith.constant 0 : i32
      %scan3A_4 = arith.constant 128 : i32
      %scan3A_5 = arith.addi %scan3A_3, %scan3A_4 : i32
      %scan3A_6 = arith.constant 1 : i32
      scf.for %scan3A_24 = %scan3A_3 to %scan3A_5 step %scan3A_6  : i32 {
        %swap3A = arith.constant 0 : i32
        %swap3A_25 = arith.index_cast %swap3A : i32 to index
        %swap3A_26 = arith.index_cast %scan3A_24 : i32 to index
        %swap3A_27 = arith.constant 0 : index
        %swap3A_28 = tpu.vector_load %arg8[%swap3A_25, %swap3A_26, %swap3A_27] {strides = array<i32>} : memref<2x128x128xf32, #tpu.memory_space<vmem>>, vector<1x1x16xf32>,
        %swap3A_29 = vector.shape_cast %swap3A_28 : vector<1x1x16xf32> to vector<16xf32>
        %swap3A_30 = vector.shape_cast %broadcast_in_dim3A_2 : vector<16xf32> to vector<1x1x16xf32>
        tpu.vector_store %arg8[%swap3A_25, %swap3A_26, %swap3A_27], %swap3A_30 {strides = array<i32>} : memref<2x128x128xf32, #tpu.memory_space<vmem>>, vector<1x1x16xf32>,
        %swap3A_31 = arith.constant 0 : i32
        %swap3A_32 = arith.index_cast %swap3A_31 : i32 to index
        %swap3A_33 = arith.index_cast %scan3A_24 : i32 to index
        %swap3A_34 = arith.constant 16 : index
        %swap3A_35 = tpu.vector_load %arg8[%swap3A_32, %swap3A_33, %swap3A_34] {strides = array<i32>} : memref<2x128x128xf32, #tpu.memory_space<vmem>>, vector<1x1x16xf32>,
        %swap3A_36 = vector.shape_cast %swap3A_35 : vector<1x1x16xf32> to vector<16xf32>
        %swap3A_37 = vector.shape_cast %broadcast_in_dim3A_2 : vector<16xf32> to vector<1x1x16xf32>
        tpu.vector_store %arg8[%swap3A_32, %swap3A_33, %swap3A_34], %swap3A_37 {strides = array<i32>} : memref<2x128x128xf32, #tpu.memory_space<vmem>>, vector<1x1x16xf32>,
        %swap3A_38 = arith.constant 0 : i32
        %swap3A_39 = arith.index_cast %swap3A_38 : i32 to index
        %swap3A_40 = arith.index_cast %scan3A_24 : i32 to index
        %swap3A_41 = arith.constant 32 : index
        %swap3A_42 = tpu.vector_load %arg8[%swap3A_39, %swap3A_40, %swap3A_41] {strides = array<i32>} : memref<2x128x128xf32, #tpu.memory_space<vmem>>, vector<1x1x16xf32>,
        %swap3A_43 = vector.shape_cast %swap3A_42 : vector<1x1x16xf32> to vector<16xf32>
        %swap3A_44 = vector.shape_cast %broadcast_in_dim3A_2 : vector<16xf32> to vector<1x1x16xf32>
        tpu.vector_store %arg8[%swap3A_39, %swap3A_40, %swap3A_41], %swap3A_44 {strides = array<i32>} : memref<2x128x128xf32, #tpu.memory_space<vmem>>, vector<1x1x16xf32>,
        %swap3A_45 = arith.constant 0 : i32
        %swap3A_46 = arith.index_cast %swap3A_45 : i32 to index
        %swap3A_47 = arith.index_cast %scan3A_24 : i32 to index
        %swap3A_48 = arith.constant 48 : index
        %swap3A_49 = tpu.vector_load %arg8[%swap3A_46, %swap3A_47, %swap3A_48] {strides = array<i32>} : memref<2x128x128xf32, #tpu.memory_space<vmem>>, vector<1x1x16xf32>,
        %swap3A_50 = vector.shape_cast %swap3A_49 : vector<1x1x16xf32> to vector<16xf32>
        %swap3A_51 = vector.shape_cast %broadcast_in_dim3A_2 : vector<16xf32> to vector<1x1x16xf32>
        tpu.vector_store %arg8[%swap3A_46, %swap3A_47, %swap3A_48], %swap3A_51 {strides = array<i32>} : memref<2x128x128xf32, #tpu.memory_space<vmem>>, vector<1x1x16xf32>,
        %swap3A_52 = arith.constant 0 : i32
        %swap3A_53 = arith.index_cast %swap3A_52 : i32 to index
        %swap3A_54 = arith.index_cast %scan3A_24 : i32 to index
        %swap3A_55 = arith.constant 64 : index
        %swap3A_56 = tpu.vector_load %arg8[%swap3A_53, %swap3A_54, %swap3A_55] {strides = array<i32>} : memref<2x128x128xf32, #tpu.memory_space<vmem>>, vector<1x1x16xf32>,
        %swap3A_57 = vector.shape_cast %swap3A_56 : vector<1x1x16xf32> to vector<16xf32>
        %swap3A_58 = vector.shape_cast %broadcast_in_dim3A_2 : vector<16xf32> to vector<1x1x16xf32>
        tpu.vector_store %arg8[%swap3A_53, %swap3A_54, %swap3A_55], %swap3A_58 {strides = array<i32>} : memref<2x128x128xf32, #tpu.memory_space<vmem>>, vector<1x1x16xf32>,
        %swap3A_59 = arith.constant 0 : i32
        %swap3A_60 = arith.index_cast %swap3A_59 : i32 to index
        %swap3A_61 = arith.index_cast %scan3A_24 : i32 to index
        %swap3A_62 = arith.constant 80 : index
        %swap3A_63 = tpu.vector_load %arg8[%swap3A_60, %swap3A_61, %swap3A_62] {strides = array<i32>} : memref<2x128x128xf32, #tpu.memory_space<vmem>>, vector<1x1x16xf32>,
        %swap3A_64 = vector.shape_cast %swap3A_63 : vector<1x1x16xf32> to vector<16xf32>
        %swap3A_65 = vector.shape_cast %broadcast_in_dim3A_2 : vector<16xf32> to vector<1x1x16xf32>
        tpu.vector_store %arg8[%swap3A_60, %swap3A_61, %swap3A_62], %swap3A_65 {strides = array<i32>} : memref<2x128x128xf32, #tpu.memory_space<vmem>>, vector<1x1x16xf32>,
        %swap3A_66 = arith.constant 0 : i32
        %swap3A_67 = arith.index_cast %swap3A_66 : i32 to index
        %swap3A_68 = arith.index_cast %scan3A_24 : i32 to index
        %swap3A_69 = arith.constant 96 : index
        %swap3A_70 = tpu.vector_load %arg8[%swap3A_67, %swap3A_68, %swap3A_69] {strides = array<i32>} : memref<2x128x128xf32, #tpu.memory_space<vmem>>, vector<1x1x16xf32>,
        %swap3A_71 = vector.shape_cast %swap3A_70 : vector<1x1x16xf32> to vector<16xf32>
        %swap3A_72 = vector.shape_cast %broadcast_in_dim3A_2 : vector<16xf32> to vector<1x1x16xf32>
        tpu.vector_store %arg8[%swap3A_67, %swap3A_68, %swap3A_69], %swap3A_72 {strides = array<i32>} : memref<2x128x128xf32, #tpu.memory_space<vmem>>, vector<1x1x16xf32>,
        %swap3A_73 = arith.constant 0 : i32
        %swap3A_74 = arith.index_cast %swap3A_73 : i32 to index
        %swap3A_75 = arith.index_cast %scan3A_24 : i32 to index
        %swap3A_76 = arith.constant 112 : index
        %swap3A_77 = tpu.vector_load %arg8[%swap3A_74, %swap3A_75, %swap3A_76] {strides = array<i32>} : memref<2x128x128xf32, #tpu.memory_space<vmem>>, vector<1x1x16xf32>,
        %swap3A_78 = vector.shape_cast %swap3A_77 : vector<1x1x16xf32> to vector<16xf32>
        %swap3A_79 = vector.shape_cast %broadcast_in_dim3A_2 : vector<16xf32> to vector<1x1x16xf32>
        tpu.vector_store %arg8[%swap3A_74, %swap3A_75, %swap3A_76], %swap3A_79 {strides = array<i32>} : memref<2x128x128xf32, #tpu.memory_space<vmem>>, vector<1x1x16xf32>,
      }
      %scan3A_7 = arith.constant 128 : i32
      %scan3A_8 = arith.constant 0 : i32
      %scan3A_9 = arith.constant 0 : i32
      %scan3A_10 = arith.constant 5 : i32
      %scan3A_11 = arith.addi %scan3A_9, %scan3A_10 : i32
      %scan3A_12 = arith.constant 1 : i32
      scf.for %scan3A_24 = %scan3A_9 to %scan3A_11 step %scan3A_12  : i32 {
        %mul3A_25 = arith.constant 640 : i32
        %mul3A_26 = arith.muli %arg1, %mul3A_25 : i32
        %mul3A_27 = arith.constant 128 : i32
        %mul3A_28 = arith.muli %scan3A_24, %mul3A_27 : i32
        %add3A = arith.addi %mul3A_26, %mul3A_28 : i32
        %run_scoped3A = arith.constant 0 : i32
        "tpu.region"() ({
          %run_scoped3A_29 = tpu.sem_alloc : memref<!tpu.dma_semaphore, #tpu.memory_space<semaphore_mem>>
          %dma_start3A = arith.constant 0 : i32
          %dma_start3A_30 = arith.constant 0 : i32
          %dma_start3A_31 = tpu.memref_slice %arg8[%run_scoped3A, %dma_start3A, %dma_start3A_30] : memref<2x128x128xf32, #tpu.memory_space<vmem>> -> memref<1x128x128xf32, #tpu.memory_space<vmem>>
          %dma_start3A_32 = tpu.memref_squeeze %dma_start3A_31 : memref<1x128x128xf32, #tpu.memory_space<vmem>> -> memref<128x128xf32, #tpu.memory_space<vmem>>
          %dma_start3A_33 = arith.constant 0 : i32
          %dma_start3A_34 = tpu.memref_slice %arg9[%add3A, %dma_start3A_33] : memref<10240x128xf32, #tpu.memory_space<vmem_shared>> -> memref<128x128xf32, #tpu.memory_space<vmem_shared>>
          %dma_start3A_35 = arith.constant 0 : i32
          %dma_start3A_36 = tpu.memref_slice %arg9[%add3A, %dma_start3A_35] : memref<10240x128xf32, #tpu.memory_space<vmem_shared>> -> memref<128x128xf32, #tpu.memory_space<vmem_shared>>
          %dma_start3A_37 = arith.constant 0 : i32
          %dma_start3A_38 = arith.constant 0 : i32
          %dma_start3A_39 = tpu.memref_slice %arg8[%run_scoped3A, %dma_start3A_37, %dma_start3A_38] : memref<2x128x128xf32, #tpu.memory_space<vmem>> -> memref<1x128x128xf32, #tpu.memory_space<vmem>>
          %dma_start3A_40 = tpu.memref_squeeze %dma_start3A_39 : memref<1x128x128xf32, #tpu.memory_space<vmem>> -> memref<128x128xf32, #tpu.memory_space<vmem>>
          tpu.enqueue_dma source(%dma_start3A_40 : memref<128x128xf32, #tpu.memory_space<vmem>>) target(%dma_start3A_36 : memref<128x128xf32, #tpu.memory_space<vmem_shared>>) target_semaphore(%run_scoped3A_29 : memref<!tpu.dma_semaphore, #tpu.memory_space<semaphore_mem>>)
          %dma_wait3A = arith.constant 0 : i32
          %dma_wait3A_41 = arith.constant 0 : i32
          %dma_wait3A_42 = tpu.memref_slice %arg8[%run_scoped3A, %dma_wait3A, %dma_wait3A_41] : memref<2x128x128xf32, #tpu.memory_space<vmem>> -> memref<1x128x128xf32, #tpu.memory_space<vmem>>
          %dma_wait3A_43 = tpu.memref_squeeze %dma_wait3A_42 : memref<1x128x128xf32, #tpu.memory_space<vmem>> -> memref<128x128xf32, #tpu.memory_space<vmem>>
          %dma_wait3A_44 = arith.constant 0 : i32
          %dma_wait3A_45 = tpu.memref_slice %arg9[%add3A, %dma_wait3A_44] : memref<10240x128xf32, #tpu.memory_space<vmem_shared>> -> memref<128x128xf32, #tpu.memory_space<vmem_shared>>
          %dma_wait3A_46 = arith.constant 0 : i32
          %dma_wait3A_47 = tpu.memref_slice %arg9[%add3A, %dma_wait3A_46] : memref<10240x128xf32, #tpu.memory_space<vmem_shared>> -> memref<128x128xf32, #tpu.memory_space<vmem_shared>>
          %dma_wait3A_48 = arith.constant 0 : i32
          %dma_wait3A_49 = arith.constant 0 : i32
          %dma_wait3A_50 = tpu.memref_slice %arg8[%run_scoped3A, %dma_wait3A_48, %dma_wait3A_49] : memref<2x128x128xf32, #tpu.memory_space<vmem>> -> memref<1x128x128xf32, #tpu.memory_space<vmem>>
          %dma_wait3A_51 = tpu.memref_squeeze %dma_wait3A_50 : memref<1x128x128xf32, #tpu.memory_space<vmem>> -> memref<128x128xf32, #tpu.memory_space<vmem>>
          tpu.wait_dma2 semaphore(%run_scoped3A_29 : memref<!tpu.dma_semaphore, #tpu.memory_space<semaphore_mem>>) src(%dma_wait3A_51 : memref<128x128xf32, #tpu.memory_space<vmem>>) dst(%dma_wait3A_47 : memref<128x128xf32, #tpu.memory_space<vmem_shared>>)
          tpu.yield
        }) : () -> ()
      }
      %scan3A_13 = arith.constant 5 : i32
      %barrier3A = arith.constant 0 : index
      tpu.barrier barrier_id(%barrier3A)
      %scan3A_14 = arith.constant 0 : i32
      %scan3A_15 = arith.constant 0 : i32
      %scan3A_16 = arith.constant 10 : i32
      %scan3A_17 = arith.addi %scan3A_15, %scan3A_16 : i32
      %scan3A_18 = arith.constant 1 : i32
      scf.for %scan3A_24 = %scan3A_15 to %scan3A_17 step %scan3A_18  : i32 {
        %mul3A_25 = arith.constant 16 : i32
        %mul3A_26 = arith.muli %scan3A_24, %mul3A_25 : i32
        %sub3A = arith.constant 158 : i32
        %sub3A_27 = arith.subi %sub3A, %mul3A_26 : i32
        %min3A = arith.constant 16 : i32
        %min3A_28 = arith.minsi %sub3A_27, %min3A : i32
        %mul3A_29 = arith.constant 16 : i32
        %mul3A_30 = arith.muli %scan3A_24, %mul3A_29 : i32
        "tpu.region"() ({
          %run_scoped3A = tpu.sem_alloc : memref<!tpu.dma_semaphore, #tpu.memory_space<semaphore_mem>>
          %dma_start3A_105 = arith.constant 0 : i32
          %dma_start3A_106 = tpu.memref_slice %arg3[%arg1, %mul3A_30, %dma_start3A_105] : memref<16x160x128xi32, #tpu.memory_space<hbm>> -> memref<1x16x128xi32, #tpu.memory_space<hbm>>
          %dma_start3A_107 = tpu.memref_squeeze %dma_start3A_106 : memref<1x16x128xi32, #tpu.memory_space<hbm>> -> memref<16x128xi32, #tpu.memory_space<hbm>>
          %dma_start3A_108 = arith.constant 0 : i32
          %dma_start3A_109 = tpu.memref_slice %arg3[%arg1, %mul3A_30, %dma_start3A_108] : memref<16x160x128xi32, #tpu.memory_space<hbm>> -> memref<1x16x128xi32, #tpu.memory_space<hbm>>
          %dma_start3A_110 = tpu.memref_squeeze %dma_start3A_109 : memref<1x16x128xi32, #tpu.memory_space<hbm>> -> memref<16x128xi32, #tpu.memory_space<hbm>>
          tpu.enqueue_dma source(%dma_start3A_110 : memref<16x128xi32, #tpu.memory_space<hbm>>) target(%arg6 : memref<16x128xi32, #tpu.memory_space<vmem>>) target_semaphore(%run_scoped3A : memref<!tpu.dma_semaphore, #tpu.memory_space<semaphore_mem>>)
          %dma_wait3A_111 = arith.constant 0 : i32
          %dma_wait3A_112 = tpu.memref_slice %arg3[%arg1, %mul3A_30, %dma_wait3A_111] : memref<16x160x128xi32, #tpu.memory_space<hbm>> -> memref<1x16x128xi32, #tpu.memory_space<hbm>>
          %dma_wait3A_113 = tpu.memref_squeeze %dma_wait3A_112 : memref<1x16x128xi32, #tpu.memory_space<hbm>> -> memref<16x128xi32, #tpu.memory_space<hbm>>
          %dma_wait3A_114 = arith.constant 0 : i32
          %dma_wait3A_115 = tpu.memref_slice %arg3[%arg1, %mul3A_30, %dma_wait3A_114] : memref<16x160x128xi32, #tpu.memory_space<hbm>> -> memref<1x16x128xi32, #tpu.memory_space<hbm>>
          %dma_wait3A_116 = tpu.memref_squeeze %dma_wait3A_115 : memref<1x16x128xi32, #tpu.memory_space<hbm>> -> memref<16x128xi32, #tpu.memory_space<hbm>>
          tpu.wait_dma2 semaphore(%run_scoped3A : memref<!tpu.dma_semaphore, #tpu.memory_space<semaphore_mem>>) src(%dma_wait3A_116 : memref<16x128xi32, #tpu.memory_space<hbm>>) dst(%arg6 : memref<16x128xi32, #tpu.memory_space<vmem>>)
          tpu.yield
        }) : () -> ()
        %mul3A_31 = arith.constant 16 : i32
        %mul3A_32 = arith.muli %scan3A_24, %mul3A_31 : i32
        "tpu.region"() ({
          %run_scoped3A = tpu.sem_alloc : memref<!tpu.dma_semaphore, #tpu.memory_space<semaphore_mem>>
          %dma_start3A_105 = arith.constant 0 : i32
          %dma_start3A_106 = tpu.memref_slice %arg4[%arg1, %mul3A_32, %dma_start3A_105] : memref<16x160x128xi32, #tpu.memory_space<hbm>> -> memref<1x16x128xi32, #tpu.memory_space<hbm>>
          %dma_start3A_107 = tpu.memref_squeeze %dma_start3A_106 : memref<1x16x128xi32, #tpu.memory_space<hbm>> -> memref<16x128xi32, #tpu.memory_space<hbm>>
          %dma_start3A_108 = arith.constant 0 : i32
          %dma_start3A_109 = tpu.memref_slice %arg4[%arg1, %mul3A_32, %dma_start3A_108] : memref<16x160x128xi32, #tpu.memory_space<hbm>> -> memref<1x16x128xi32, #tpu.memory_space<hbm>>
          %dma_start3A_110 = tpu.memref_squeeze %dma_start3A_109 : memref<1x16x128xi32, #tpu.memory_space<hbm>> -> memref<16x128xi32, #tpu.memory_space<hbm>>
          tpu.enqueue_dma source(%dma_start3A_110 : memref<16x128xi32, #tpu.memory_space<hbm>>) target(%arg7 : memref<16x128xi32, #tpu.memory_space<vmem>>) target_semaphore(%run_scoped3A : memref<!tpu.dma_semaphore, #tpu.memory_space<semaphore_mem>>)
          %dma_wait3A_111 = arith.constant 0 : i32
          %dma_wait3A_112 = tpu.memref_slice %arg4[%arg1, %mul3A_32, %dma_wait3A_111] : memref<16x160x128xi32, #tpu.memory_space<hbm>> -> memref<1x16x128xi32, #tpu.memory_space<hbm>>
          %dma_wait3A_113 = tpu.memref_squeeze %dma_wait3A_112 : memref<1x16x128xi32, #tpu.memory_space<hbm>> -> memref<16x128xi32, #tpu.memory_space<hbm>>
          %dma_wait3A_114 = arith.constant 0 : i32
          %dma_wait3A_115 = tpu.memref_slice %arg4[%arg1, %mul3A_32, %dma_wait3A_114] : memref<16x160x128xi32, #tpu.memory_space<hbm>> -> memref<1x16x128xi32, #tpu.memory_space<hbm>>
          %dma_wait3A_116 = tpu.memref_squeeze %dma_wait3A_115 : memref<1x16x128xi32, #tpu.memory_space<hbm>> -> memref<16x128xi32, #tpu.memory_space<hbm>>
          tpu.wait_dma2 semaphore(%run_scoped3A : memref<!tpu.dma_semaphore, #tpu.memory_space<semaphore_mem>>) src(%dma_wait3A_116 : memref<16x128xi32, #tpu.memory_space<hbm>>) dst(%arg7 : memref<16x128xi32, #tpu.memory_space<vmem>>)
          tpu.yield
        }) : () -> ()
        %dma_start3A = arith.constant 0 : i32
        %dma_start3A_33 = arith.constant 0 : i32
        %dma_start3A_34 = arith.constant 0 : i32
        %dma_start3A_35 = arith.constant 0 : i32
        %dma_start3A_36 = tpu.memref_slice %arg8[%dma_start3A_33, %dma_start3A_34, %dma_start3A_35] : memref<2x128x128xf32, #tpu.memory_space<vmem>> -> memref<1x128x128xf32, #tpu.memory_space<vmem>>
        %dma_start3A_37 = tpu.memref_squeeze %dma_start3A_36 : memref<1x128x128xf32, #tpu.memory_space<vmem>> -> memref<128x128xf32, #tpu.memory_space<vmem>>
        %dma_start3A_38 = arith.constant 0 : i32
        %dma_start3A_39 = tpu.memref_slice %arg6[%dma_start3A, %dma_start3A_38] : memref<16x128xi32, #tpu.memory_space<vmem>> -> memref<1x128xi32, #tpu.memory_space<vmem>>
        %dma_start3A_40 = tpu.memref_squeeze %dma_start3A_39 : memref<1x128xi32, #tpu.memory_space<vmem>> -> memref<128xi32, #tpu.memory_space<vmem>>
        %dma_start3A_41 = arith.constant 0 : i32
        %dma_start3A_42 = arith.constant 0 : i32
        %dma_start3A_43 = tpu.memref_slice %arg2[%dma_start3A_41, %dma_start3A_42] : memref<10240x128xf32, #tpu.memory_space<hbm>> -> memref<10240x128xf32, #tpu.memory_space<hbm>>
        tpu.enqueue_indirect_dma source(%dma_start3A_43 : memref<10240x128xf32, #tpu.memory_space<hbm>>) target(%dma_start3A_37 : memref<128x128xf32, #tpu.memory_space<vmem>>) offsets(%dma_start3A_40 : memref<128xi32, #tpu.memory_space<vmem>>) semaphore(%arg10 : memref<!tpu.dma_semaphore, #tpu.memory_space<semaphore_mem>>)
        %dma_start3A_44 = arith.constant 1 : i32
        %dma_start3A_45 = arith.constant 1 : i32
        %dma_start3A_46 = arith.constant 0 : i32
        %dma_start3A_47 = arith.constant 0 : i32
        %dma_start3A_48 = tpu.memref_slice %arg8[%dma_start3A_45, %dma_start3A_46, %dma_start3A_47] : memref<2x128x128xf32, #tpu.memory_space<vmem>> -> memref<1x128x128xf32, #tpu.memory_space<vmem>>
        %dma_start3A_49 = tpu.memref_squeeze %dma_start3A_48 : memref<1x128x128xf32, #tpu.memory_space<vmem>> -> memref<128x128xf32, #tpu.memory_space<vmem>>
        %dma_start3A_50 = arith.constant 0 : i32
        %dma_start3A_51 = tpu.memref_slice %arg6[%dma_start3A_44, %dma_start3A_50] : memref<16x128xi32, #tpu.memory_space<vmem>> -> memref<1x128xi32, #tpu.memory_space<vmem>>
        %dma_start3A_52 = tpu.memref_squeeze %dma_start3A_51 : memref<1x128xi32, #tpu.memory_space<vmem>> -> memref<128xi32, #tpu.memory_space<vmem>>
        %dma_start3A_53 = arith.constant 0 : i32
        %dma_start3A_54 = arith.constant 0 : i32
        %dma_start3A_55 = tpu.memref_slice %arg2[%dma_start3A_53, %dma_start3A_54] : memref<10240x128xf32, #tpu.memory_space<hbm>> -> memref<10240x128xf32, #tpu.memory_space<hbm>>
        tpu.enqueue_indirect_dma source(%dma_start3A_55 : memref<10240x128xf32, #tpu.memory_space<hbm>>) target(%dma_start3A_49 : memref<128x128xf32, #tpu.memory_space<vmem>>) offsets(%dma_start3A_52 : memref<128xi32, #tpu.memory_space<vmem>>) semaphore(%arg11 : memref<!tpu.dma_semaphore, #tpu.memory_space<semaphore_mem>>)
        %jit3A = arith.constant 2 : i32
        %div3A = arith.divsi %min3A_28, %jit3A : i32
        %sign3A = arith.constant 0 : i32
        %sign3A_56 = arith.cmpi sgt, %min3A_28, %sign3A : i32
        %sign3A_57 = arith.extui %sign3A_56 : i1 to i32
        %sign3A_58 = arith.constant 0 : i32
        %sign3A_59 = arith.cmpi slt, %min3A_28, %sign3A_58 : i32
        %sign3A_60 = arith.extui %sign3A_59 : i1 to i32
        %sign3A_61 = arith.subi %sign3A_57, %sign3A_60 : i32
        %sign3A_62 = arith.constant 0 : i32
        %sign3A_63 = arith.cmpi sgt, %jit3A, %sign3A_62 : i32
        %sign3A_64 = arith.extui %sign3A_63 : i1 to i32
        %sign3A_65 = arith.constant 0 : i32
        %sign3A_66 = arith.cmpi slt, %jit3A, %sign3A_65 : i32
        %sign3A_67 = arith.extui %sign3A_66 : i1 to i32
        %sign3A_68 = arith.subi %sign3A_64, %sign3A_67 : i32
        %ne3A = arith.cmpi ne, %sign3A_61, %sign3A_68 : i32
        %rem3A = arith.remsi %min3A_28, %jit3A : i32
        %ne3A_69 = arith.constant 0 : i32
        %ne3A_70 = arith.cmpi ne, %rem3A, %ne3A_69 : i32
        %and3A = arith.andi %ne3A, %ne3A_70 : i1
        %sub3A_71 = arith.constant 1 : i32
        %sub3A_72 = arith.subi %div3A, %sub3A_71 : i32
        %select_n3A = arith.select %and3A, %sub3A_72, %div3A : i32
        %while3A = arith.constant 0 : i32
        %while3A_73 = arith.constant 0 : i32
        %while3A_74 = arith.subi %select_n3A, %while3A_73 : i32
        %while3A_75 = arith.addi %while3A_73, %while3A_74 : i32
        %while3A_76 = arith.constant 1 : i32
        %while3A_77 = arith.divsi %while3A_74, %while3A_76 : i32
        %while3A_78 = arith.muli %while3A_77, %while3A_76 : i32
        %while3A_79 = arith.addi %while3A_73, %while3A_78 : i32
        %while3A_80 = arith.constant 1 : i32
        scf.for %while3A_105 = %while3A_73 to %while3A_79 step %while3A_80  : i32 {
          %mul3A_106 = arith.constant 2 : i32
          %mul3A_107 = arith.muli %mul3A_106, %while3A_105 : i32
          %add3A = arith.constant 1 : i32
          %add3A_108 = arith.addi %mul3A_107, %add3A : i32
          %dma_wait3A_109 = arith.constant 0 : i32
          %dma_wait3A_110 = arith.constant 0 : i32
          %dma_wait3A_111 = arith.constant 0 : i32
          %dma_wait3A_112 = tpu.memref_slice %arg8[%dma_wait3A_109, %dma_wait3A_110, %dma_wait3A_111] : memref<2x128x128xf32, #tpu.memory_space<vmem>> -> memref<1x128x128xf32, #tpu.memory_space<vmem>>
          %dma_wait3A_113 = tpu.memref_squeeze %dma_wait3A_112 : memref<1x128x128xf32, #tpu.memory_space<vmem>> -> memref<128x128xf32, #tpu.memory_space<vmem>>
          %dma_wait3A_114 = arith.constant 0 : i32
          %dma_wait3A_115 = tpu.memref_slice %arg6[%mul3A_107, %dma_wait3A_114] : memref<16x128xi32, #tpu.memory_space<vmem>> -> memref<1x128xi32, #tpu.memory_space<vmem>>
          %dma_wait3A_116 = tpu.memref_squeeze %dma_wait3A_115 : memref<1x128xi32, #tpu.memory_space<vmem>> -> memref<128xi32, #tpu.memory_space<vmem>>
          %dma_wait3A_117 = arith.constant 0 : i32
          %dma_wait3A_118 = arith.constant 0 : i32
          %dma_wait3A_119 = tpu.memref_slice %arg2[%dma_wait3A_117, %dma_wait3A_118] : memref<10240x128xf32, #tpu.memory_space<hbm>> -> memref<10240x128xf32, #tpu.memory_space<hbm>>
          tpu.wait_indirect_dma semaphore(%arg10 : memref<!tpu.dma_semaphore, #tpu.memory_space<semaphore_mem>>) src(%dma_wait3A_119 : memref<10240x128xf32, #tpu.memory_space<hbm>>) dst(%dma_wait3A_113 : memref<128x128xf32, #tpu.memory_space<vmem>>)
          %run_scoped3A = arith.constant 0 : i32
          "tpu.region"() ({
            %run_scoped3A_160 = tpu.sem_alloc : memref<!tpu.dma_semaphore, #tpu.memory_space<semaphore_mem>>
            %dma_start3A_161 = arith.constant 0 : i32
            %dma_start3A_162 = arith.constant 0 : i32
            %dma_start3A_163 = tpu.memref_slice %arg8[%run_scoped3A, %dma_start3A_161, %dma_start3A_162] : memref<2x128x128xf32, #tpu.memory_space<vmem>> -> memref<1x128x128xf32, #tpu.memory_space<vmem>>
            %dma_start3A_164 = tpu.memref_squeeze %dma_start3A_163 : memref<1x128x128xf32, #tpu.memory_space<vmem>> -> memref<128x128xf32, #tpu.memory_space<vmem>>
            %dma_start3A_165 = arith.constant 0 : i32
            %dma_start3A_166 = tpu.memref_slice %arg7[%mul3A_107, %dma_start3A_165] : memref<16x128xi32, #tpu.memory_space<vmem>> -> memref<1x128xi32, #tpu.memory_space<vmem>>
            %dma_start3A_167 = tpu.memref_squeeze %dma_start3A_166 : memref<1x128xi32, #tpu.memory_space<vmem>> -> memref<128xi32, #tpu.memory_space<vmem>>
            %dma_start3A_168 = arith.constant 0 : i32
            %dma_start3A_169 = arith.constant 0 : i32
            %dma_start3A_170 = tpu.memref_slice %arg9[%dma_start3A_168, %dma_start3A_169] : memref<10240x128xf32, #tpu.memory_space<vmem_shared>> -> memref<10240x128xf32, #tpu.memory_space<vmem_shared>>
            tpu.enqueue_indirect_dma source(%dma_start3A_164 : memref<128x128xf32, #tpu.memory_space<vmem>>) target(%dma_start3A_170 : memref<10240x128xf32, #tpu.memory_space<vmem_shared>>) offsets(%dma_start3A_167 : memref<128xi32, #tpu.memory_space<vmem>>) semaphore(%run_scoped3A_160 : memref<!tpu.dma_semaphore, #tpu.memory_space<semaphore_mem>>) {add = true}
            %dma_wait3A_171 = arith.constant 0 : i32
            %dma_wait3A_172 = arith.constant 0 : i32
            %dma_wait3A_173 = tpu.memref_slice %arg8[%run_scoped3A, %dma_wait3A_171, %dma_wait3A_172] : memref<2x128x128xf32, #tpu.memory_space<vmem>> -> memref<1x128x128xf32, #tpu.memory_space<vmem>>
            %dma_wait3A_174 = tpu.memref_squeeze %dma_wait3A_173 : memref<1x128x128xf32, #tpu.memory_space<vmem>> -> memref<128x128xf32, #tpu.memory_space<vmem>>
            %dma_wait3A_175 = arith.constant 0 : i32
            %dma_wait3A_176 = tpu.memref_slice %arg7[%mul3A_107, %dma_wait3A_175] : memref<16x128xi32, #tpu.memory_space<vmem>> -> memref<1x128xi32, #tpu.memory_space<vmem>>
            %dma_wait3A_177 = tpu.memref_squeeze %dma_wait3A_176 : memref<1x128xi32, #tpu.memory_space<vmem>> -> memref<128xi32, #tpu.memory_space<vmem>>
            %dma_wait3A_178 = arith.constant 0 : i32
            %dma_wait3A_179 = arith.constant 0 : i32
            %dma_wait3A_180 = tpu.memref_slice %arg9[%dma_wait3A_178, %dma_wait3A_179] : memref<10240x128xf32, #tpu.memory_space<vmem_shared>> -> memref<10240x128xf32, #tpu.memory_space<vmem_shared>>
            tpu.wait_indirect_dma semaphore(%run_scoped3A_160 : memref<!tpu.dma_semaphore, #tpu.memory_space<semaphore_mem>>) src(%dma_wait3A_174 : memref<128x128xf32, #tpu.memory_space<vmem>>) dst(%dma_wait3A_180 : memref<10240x128xf32, #tpu.memory_space<vmem_shared>>)
            tpu.yield
          }) : () -> ()
          %add3A_120 = arith.constant 2 : i32
          %add3A_121 = arith.addi %mul3A_107, %add3A_120 : i32
          %rem3A_122 = arith.remsi %add3A_121, %min3A_28 : i32
          %dma_start3A_123 = arith.constant 0 : i32
          %dma_start3A_124 = arith.constant 0 : i32
          %dma_start3A_125 = arith.constant 0 : i32
          %dma_start3A_126 = tpu.memref_slice %arg8[%dma_start3A_123, %dma_start3A_124, %dma_start3A_125] : memref<2x128x128xf32, #tpu.memory_space<vmem>> -> memref<1x128x128xf32, #tpu.memory_space<vmem>>
          %dma_start3A_127 = tpu.memref_squeeze %dma_start3A_126 : memref<1x128x128xf32, #tpu.memory_space<vmem>> -> memref<128x128xf32, #tpu.memory_space<vmem>>
          %dma_start3A_128 = arith.constant 0 : i32
          %dma_start3A_129 = tpu.memref_slice %arg6[%rem3A_122, %dma_start3A_128] : memref<16x128xi32, #tpu.memory_space<vmem>> -> memref<1x128xi32, #tpu.memory_space<vmem>>
          %dma_start3A_130 = tpu.memref_squeeze %dma_start3A_129 : memref<1x128xi32, #tpu.memory_space<vmem>> -> memref<128xi32, #tpu.memory_space<vmem>>
          %dma_start3A_131 = arith.constant 0 : i32
          %dma_start3A_132 = arith.constant 0 : i32
          %dma_start3A_133 = tpu.memref_slice %arg2[%dma_start3A_131, %dma_start3A_132] : memref<10240x128xf32, #tpu.memory_space<hbm>> -> memref<10240x128xf32, #tpu.memory_space<hbm>>
          tpu.enqueue_indirect_dma source(%dma_start3A_133 : memref<10240x128xf32, #tpu.memory_space<hbm>>) target(%dma_start3A_127 : memref<128x128xf32, #tpu.memory_space<vmem>>) offsets(%dma_start3A_130 : memref<128xi32, #tpu.memory_space<vmem>>) semaphore(%arg10 : memref<!tpu.dma_semaphore, #tpu.memory_space<semaphore_mem>>)
          %dma_wait3A_134 = arith.constant 1 : i32
          %dma_wait3A_135 = arith.constant 0 : i32
          %dma_wait3A_136 = arith.constant 0 : i32
          %dma_wait3A_137 = tpu.memref_slice %arg8[%dma_wait3A_134, %dma_wait3A_135, %dma_wait3A_136] : memref<2x128x128xf32, #tpu.memory_space<vmem>> -> memref<1x128x128xf32, #tpu.memory_space<vmem>>
          %dma_wait3A_138 = tpu.memref_squeeze %dma_wait3A_137 : memref<1x128x128xf32, #tpu.memory_space<vmem>> -> memref<128x128xf32, #tpu.memory_space<vmem>>
          %dma_wait3A_139 = arith.constant 0 : i32
          %dma_wait3A_140 = tpu.memref_slice %arg6[%add3A_108, %dma_wait3A_139] : memref<16x128xi32, #tpu.memory_space<vmem>> -> memref<1x128xi32, #tpu.memory_space<vmem>>
          %dma_wait3A_141 = tpu.memref_squeeze %dma_wait3A_140 : memref<1x128xi32, #tpu.memory_space<vmem>> -> memref<128xi32, #tpu.memory_space<vmem>>
          %dma_wait3A_142 = arith.constant 0 : i32
          %dma_wait3A_143 = arith.constant 0 : i32
          %dma_wait3A_144 = tpu.memref_slice %arg2[%dma_wait3A_142, %dma_wait3A_143] : memref<10240x128xf32, #tpu.memory_space<hbm>> -> memref<10240x128xf32, #tpu.memory_space<hbm>>
          tpu.wait_indirect_dma semaphore(%arg11 : memref<!tpu.dma_semaphore, #tpu.memory_space<semaphore_mem>>) src(%dma_wait3A_144 : memref<10240x128xf32, #tpu.memory_space<hbm>>) dst(%dma_wait3A_138 : memref<128x128xf32, #tpu.memory_space<vmem>>)
          %run_scoped3A_145 = arith.constant 1 : i32
          "tpu.region"() ({
            %run_scoped3A_160 = tpu.sem_alloc : memref<!tpu.dma_semaphore, #tpu.memory_space<semaphore_mem>>
            %dma_start3A_161 = arith.constant 0 : i32
            %dma_start3A_162 = arith.constant 0 : i32
            %dma_start3A_163 = tpu.memref_slice %arg8[%run_scoped3A_145, %dma_start3A_161, %dma_start3A_162] : memref<2x128x128xf32, #tpu.memory_space<vmem>> -> memref<1x128x128xf32, #tpu.memory_space<vmem>>
            %dma_start3A_164 = tpu.memref_squeeze %dma_start3A_163 : memref<1x128x128xf32, #tpu.memory_space<vmem>> -> memref<128x128xf32, #tpu.memory_space<vmem>>
            %dma_start3A_165 = arith.constant 0 : i32
            %dma_start3A_166 = tpu.memref_slice %arg7[%add3A_108, %dma_start3A_165] : memref<16x128xi32, #tpu.memory_space<vmem>> -> memref<1x128xi32, #tpu.memory_space<vmem>>
            %dma_start3A_167 = tpu.memref_squeeze %dma_start3A_166 : memref<1x128xi32, #tpu.memory_space<vmem>> -> memref<128xi32, #tpu.memory_space<vmem>>
            %dma_start3A_168 = arith.constant 0 : i32
            %dma_start3A_169 = arith.constant 0 : i32
            %dma_start3A_170 = tpu.memref_slice %arg9[%dma_start3A_168, %dma_start3A_169] : memref<10240x128xf32, #tpu.memory_space<vmem_shared>> -> memref<10240x128xf32, #tpu.memory_space<vmem_shared>>
            tpu.enqueue_indirect_dma source(%dma_start3A_164 : memref<128x128xf32, #tpu.memory_space<vmem>>) target(%dma_start3A_170 : memref<10240x128xf32, #tpu.memory_space<vmem_shared>>) offsets(%dma_start3A_167 : memref<128xi32, #tpu.memory_space<vmem>>) semaphore(%run_scoped3A_160 : memref<!tpu.dma_semaphore, #tpu.memory_space<semaphore_mem>>) {add = true}
            %dma_wait3A_171 = arith.constant 0 : i32
            %dma_wait3A_172 = arith.constant 0 : i32
            %dma_wait3A_173 = tpu.memref_slice %arg8[%run_scoped3A_145, %dma_wait3A_171, %dma_wait3A_172] : memref<2x128x128xf32, #tpu.memory_space<vmem>> -> memref<1x128x128xf32, #tpu.memory_space<vmem>>
            %dma_wait3A_174 = tpu.memref_squeeze %dma_wait3A_173 : memref<1x128x128xf32, #tpu.memory_space<vmem>> -> memref<128x128xf32, #tpu.memory_space<vmem>>
            %dma_wait3A_175 = arith.constant 0 : i32
            %dma_wait3A_176 = tpu.memref_slice %arg7[%add3A_108, %dma_wait3A_175] : memref<16x128xi32, #tpu.memory_space<vmem>> -> memref<1x128xi32, #tpu.memory_space<vmem>>
            %dma_wait3A_177 = tpu.memref_squeeze %dma_wait3A_176 : memref<1x128xi32, #tpu.memory_space<vmem>> -> memref<128xi32, #tpu.memory_space<vmem>>
            %dma_wait3A_178 = arith.constant 0 : i32
            %dma_wait3A_179 = arith.constant 0 : i32
            %dma_wait3A_180 = tpu.memref_slice %arg9[%dma_wait3A_178, %dma_wait3A_179] : memref<10240x128xf32, #tpu.memory_space<vmem_shared>> -> memref<10240x128xf32, #tpu.memory_space<vmem_shared>>
            tpu.wait_indirect_dma semaphore(%run_scoped3A_160 : memref<!tpu.dma_semaphore, #tpu.memory_space<semaphore_mem>>) src(%dma_wait3A_174 : memref<128x128xf32, #tpu.memory_space<vmem>>) dst(%dma_wait3A_180 : memref<10240x128xf32, #tpu.memory_space<vmem_shared>>)
            tpu.yield
          }) : () -> ()
          %add3A_146 = arith.constant 2 : i32
          %add3A_147 = arith.addi %add3A_108, %add3A_146 : i32
          %rem3A_148 = arith.remsi %add3A_147, %min3A_28 : i32
          %dma_start3A_149 = arith.constant 1 : i32
          %dma_start3A_150 = arith.constant 0 : i32
          %dma_start3A_151 = arith.constant 0 : i32
          %dma_start3A_152 = tpu.memref_slice %arg8[%dma_start3A_149, %dma_start3A_150, %dma_start3A_151] : memref<2x128x128xf32, #tpu.memory_space<vmem>> -> memref<1x128x128xf32, #tpu.memory_space<vmem>>
          %dma_start3A_153 = tpu.memref_squeeze %dma_start3A_152 : memref<1x128x128xf32, #tpu.memory_space<vmem>> -> memref<128x128xf32, #tpu.memory_space<vmem>>
          %dma_start3A_154 = arith.constant 0 : i32
          %dma_start3A_155 = tpu.memref_slice %arg6[%rem3A_148, %dma_start3A_154] : memref<16x128xi32, #tpu.memory_space<vmem>> -> memref<1x128xi32, #tpu.memory_space<vmem>>
          %dma_start3A_156 = tpu.memref_squeeze %dma_start3A_155 : memref<1x128xi32, #tpu.memory_space<vmem>> -> memref<128xi32, #tpu.memory_space<vmem>>
          %dma_start3A_157 = arith.constant 0 : i32
          %dma_start3A_158 = arith.constant 0 : i32
          %dma_start3A_159 = tpu.memref_slice %arg2[%dma_start3A_157, %dma_start3A_158] : memref<10240x128xf32, #tpu.memory_space<hbm>> -> memref<10240x128xf32, #tpu.memory_space<hbm>>
          tpu.enqueue_indirect_dma source(%dma_start3A_159 : memref<10240x128xf32, #tpu.memory_space<hbm>>) target(%dma_start3A_153 : memref<128x128xf32, #tpu.memory_space<vmem>>) offsets(%dma_start3A_156 : memref<128xi32, #tpu.memory_space<vmem>>) semaphore(%arg11 : memref<!tpu.dma_semaphore, #tpu.memory_space<semaphore_mem>>)
        }
        %while3A_81 = arith.constant 1 : i32
        scf.for %while3A_105 = %while3A_79 to %while3A_75 step %while3A_81  : i32 {
          %mul3A_106 = arith.constant 2 : i32
          %mul3A_107 = arith.muli %mul3A_106, %while3A_105 : i32
          %add3A = arith.constant 1 : i32
          %add3A_108 = arith.addi %mul3A_107, %add3A : i32
          %dma_wait3A_109 = arith.constant 0 : i32
          %dma_wait3A_110 = arith.constant 0 : i32
          %dma_wait3A_111 = arith.constant 0 : i32
          %dma_wait3A_112 = tpu.memref_slice %arg8[%dma_wait3A_109, %dma_wait3A_110, %dma_wait3A_111] : memref<2x128x128xf32, #tpu.memory_space<vmem>> -> memref<1x128x128xf32, #tpu.memory_space<vmem>>
          %dma_wait3A_113 = tpu.memref_squeeze %dma_wait3A_112 : memref<1x128x128xf32, #tpu.memory_space<vmem>> -> memref<128x128xf32, #tpu.memory_space<vmem>>
          %dma_wait3A_114 = arith.constant 0 : i32
          %dma_wait3A_115 = tpu.memref_slice %arg6[%mul3A_107, %dma_wait3A_114] : memref<16x128xi32, #tpu.memory_space<vmem>> -> memref<1x128xi32, #tpu.memory_space<vmem>>
          %dma_wait3A_116 = tpu.memref_squeeze %dma_wait3A_115 : memref<1x128xi32, #tpu.memory_space<vmem>> -> memref<128xi32, #tpu.memory_space<vmem>>
          %dma_wait3A_117 = arith.constant 0 : i32
          %dma_wait3A_118 = arith.constant 0 : i32
          %dma_wait3A_119 = tpu.memref_slice %arg2[%dma_wait3A_117, %dma_wait3A_118] : memref<10240x128xf32, #tpu.memory_space<hbm>> -> memref<10240x128xf32, #tpu.memory_space<hbm>>
          tpu.wait_indirect_dma semaphore(%arg10 : memref<!tpu.dma_semaphore, #tpu.memory_space<semaphore_mem>>) src(%dma_wait3A_119 : memref<10240x128xf32, #tpu.memory_space<hbm>>) dst(%dma_wait3A_113 : memref<128x128xf32, #tpu.memory_space<vmem>>)
          %run_scoped3A = arith.constant 0 : i32
          "tpu.region"() ({
            %run_scoped3A_160 = tpu.sem_alloc : memref<!tpu.dma_semaphore, #tpu.memory_space<semaphore_mem>>
            %dma_start3A_161 = arith.constant 0 : i32
            %dma_start3A_162 = arith.constant 0 : i32
            %dma_start3A_163 = tpu.memref_slice %arg8[%run_scoped3A, %dma_start3A_161, %dma_start3A_162] : memref<2x128x128xf32, #tpu.memory_space<vmem>> -> memref<1x128x128xf32, #tpu.memory_space<vmem>>
            %dma_start3A_164 = tpu.memref_squeeze %dma_start3A_163 : memref<1x128x128xf32, #tpu.memory_space<vmem>> -> memref<128x128xf32, #tpu.memory_space<vmem>>
            %dma_start3A_165 = arith.constant 0 : i32
            %dma_start3A_166 = tpu.memref_slice %arg7[%mul3A_107, %dma_start3A_165] : memref<16x128xi32, #tpu.memory_space<vmem>> -> memref<1x128xi32, #tpu.memory_space<vmem>>
            %dma_start3A_167 = tpu.memref_squeeze %dma_start3A_166 : memref<1x128xi32, #tpu.memory_space<vmem>> -> memref<128xi32, #tpu.memory_space<vmem>>
            %dma_start3A_168 = arith.constant 0 : i32
            %dma_start3A_169 = arith.constant 0 : i32
            %dma_start3A_170 = tpu.memref_slice %arg9[%dma_start3A_168, %dma_start3A_169] : memref<10240x128xf32, #tpu.memory_space<vmem_shared>> -> memref<10240x128xf32, #tpu.memory_space<vmem_shared>>
            tpu.enqueue_indirect_dma source(%dma_start3A_164 : memref<128x128xf32, #tpu.memory_space<vmem>>) target(%dma_start3A_170 : memref<10240x128xf32, #tpu.memory_space<vmem_shared>>) offsets(%dma_start3A_167 : memref<128xi32, #tpu.memory_space<vmem>>) semaphore(%run_scoped3A_160 : memref<!tpu.dma_semaphore, #tpu.memory_space<semaphore_mem>>) {add = true}
            %dma_wait3A_171 = arith.constant 0 : i32
            %dma_wait3A_172 = arith.constant 0 : i32
            %dma_wait3A_173 = tpu.memref_slice %arg8[%run_scoped3A, %dma_wait3A_171, %dma_wait3A_172] : memref<2x128x128xf32, #tpu.memory_space<vmem>> -> memref<1x128x128xf32, #tpu.memory_space<vmem>>
            %dma_wait3A_174 = tpu.memref_squeeze %dma_wait3A_173 : memref<1x128x128xf32, #tpu.memory_space<vmem>> -> memref<128x128xf32, #tpu.memory_space<vmem>>
            %dma_wait3A_175 = arith.constant 0 : i32
            %dma_wait3A_176 = tpu.memref_slice %arg7[%mul3A_107, %dma_wait3A_175] : memref<16x128xi32, #tpu.memory_space<vmem>> -> memref<1x128xi32, #tpu.memory_space<vmem>>
            %dma_wait3A_177 = tpu.memref_squeeze %dma_wait3A_176 : memref<1x128xi32, #tpu.memory_space<vmem>> -> memref<128xi32, #tpu.memory_space<vmem>>
            %dma_wait3A_178 = arith.constant 0 : i32
            %dma_wait3A_179 = arith.constant 0 : i32
            %dma_wait3A_180 = tpu.memref_slice %arg9[%dma_wait3A_178, %dma_wait3A_179] : memref<10240x128xf32, #tpu.memory_space<vmem_shared>> -> memref<10240x128xf32, #tpu.memory_space<vmem_shared>>
            tpu.wait_indirect_dma semaphore(%run_scoped3A_160 : memref<!tpu.dma_semaphore, #tpu.memory_space<semaphore_mem>>) src(%dma_wait3A_174 : memref<128x128xf32, #tpu.memory_space<vmem>>) dst(%dma_wait3A_180 : memref<10240x128xf32, #tpu.memory_space<vmem_shared>>)
            tpu.yield
          }) : () -> ()
          %add3A_120 = arith.constant 2 : i32
          %add3A_121 = arith.addi %mul3A_107, %add3A_120 : i32
          %rem3A_122 = arith.remsi %add3A_121, %min3A_28 : i32
          %dma_start3A_123 = arith.constant 0 : i32
          %dma_start3A_124 = arith.constant 0 : i32
          %dma_start3A_125 = arith.constant 0 : i32
          %dma_start3A_126 = tpu.memref_slice %arg8[%dma_start3A_123, %dma_start3A_124, %dma_start3A_125] : memref<2x128x128xf32, #tpu.memory_space<vmem>> -> memref<1x128x128xf32, #tpu.memory_space<vmem>>
          %dma_start3A_127 = tpu.memref_squeeze %dma_start3A_126 : memref<1x128x128xf32, #tpu.memory_space<vmem>> -> memref<128x128xf32, #tpu.memory_space<vmem>>
          %dma_start3A_128 = arith.constant 0 : i32
          %dma_start3A_129 = tpu.memref_slice %arg6[%rem3A_122, %dma_start3A_128] : memref<16x128xi32, #tpu.memory_space<vmem>> -> memref<1x128xi32, #tpu.memory_space<vmem>>
          %dma_start3A_130 = tpu.memref_squeeze %dma_start3A_129 : memref<1x128xi32, #tpu.memory_space<vmem>> -> memref<128xi32, #tpu.memory_space<vmem>>
          %dma_start3A_131 = arith.constant 0 : i32
          %dma_start3A_132 = arith.constant 0 : i32
          %dma_start3A_133 = tpu.memref_slice %arg2[%dma_start3A_131, %dma_start3A_132] : memref<10240x128xf32, #tpu.memory_space<hbm>> -> memref<10240x128xf32, #tpu.memory_space<hbm>>
          tpu.enqueue_indirect_dma source(%dma_start3A_133 : memref<10240x128xf32, #tpu.memory_space<hbm>>) target(%dma_start3A_127 : memref<128x128xf32, #tpu.memory_space<vmem>>) offsets(%dma_start3A_130 : memref<128xi32, #tpu.memory_space<vmem>>) semaphore(%arg10 : memref<!tpu.dma_semaphore, #tpu.memory_space<semaphore_mem>>)
          %dma_wait3A_134 = arith.constant 1 : i32
          %dma_wait3A_135 = arith.constant 0 : i32
          %dma_wait3A_136 = arith.constant 0 : i32
          %dma_wait3A_137 = tpu.memref_slice %arg8[%dma_wait3A_134, %dma_wait3A_135, %dma_wait3A_136] : memref<2x128x128xf32, #tpu.memory_space<vmem>> -> memref<1x128x128xf32, #tpu.memory_space<vmem>>
          %dma_wait3A_138 = tpu.memref_squeeze %dma_wait3A_137 : memref<1x128x128xf32, #tpu.memory_space<vmem>> -> memref<128x128xf32, #tpu.memory_space<vmem>>
          %dma_wait3A_139 = arith.constant 0 : i32
          %dma_wait3A_140 = tpu.memref_slice %arg6[%add3A_108, %dma_wait3A_139] : memref<16x128xi32, #tpu.memory_space<vmem>> -> memref<1x128xi32, #tpu.memory_space<vmem>>
          %dma_wait3A_141 = tpu.memref_squeeze %dma_wait3A_140 : memref<1x128xi32, #tpu.memory_space<vmem>> -> memref<128xi32, #tpu.memory_space<vmem>>
          %dma_wait3A_142 = arith.constant 0 : i32
          %dma_wait3A_143 = arith.constant 0 : i32
          %dma_wait3A_144 = tpu.memref_slice %arg2[%dma_wait3A_142, %dma_wait3A_143] : memref<10240x128xf32, #tpu.memory_space<hbm>> -> memref<10240x128xf32, #tpu.memory_space<hbm>>
          tpu.wait_indirect_dma semaphore(%arg11 : memref<!tpu.dma_semaphore, #tpu.memory_space<semaphore_mem>>) src(%dma_wait3A_144 : memref<10240x128xf32, #tpu.memory_space<hbm>>) dst(%dma_wait3A_138 : memref<128x128xf32, #tpu.memory_space<vmem>>)
          %run_scoped3A_145 = arith.constant 1 : i32
          "tpu.region"() ({
            %run_scoped3A_160 = tpu.sem_alloc : memref<!tpu.dma_semaphore, #tpu.memory_space<semaphore_mem>>
            %dma_start3A_161 = arith.constant 0 : i32
            %dma_start3A_162 = arith.constant 0 : i32
            %dma_start3A_163 = tpu.memref_slice %arg8[%run_scoped3A_145, %dma_start3A_161, %dma_start3A_162] : memref<2x128x128xf32, #tpu.memory_space<vmem>> -> memref<1x128x128xf32, #tpu.memory_space<vmem>>
            %dma_start3A_164 = tpu.memref_squeeze %dma_start3A_163 : memref<1x128x128xf32, #tpu.memory_space<vmem>> -> memref<128x128xf32, #tpu.memory_space<vmem>>
            %dma_start3A_165 = arith.constant 0 : i32
            %dma_start3A_166 = tpu.memref_slice %arg7[%add3A_108, %dma_start3A_165] : memref<16x128xi32, #tpu.memory_space<vmem>> -> memref<1x128xi32, #tpu.memory_space<vmem>>
            %dma_start3A_167 = tpu.memref_squeeze %dma_start3A_166 : memref<1x128xi32, #tpu.memory_space<vmem>> -> memref<128xi32, #tpu.memory_space<vmem>>
            %dma_start3A_168 = arith.constant 0 : i32
            %dma_start3A_169 = arith.constant 0 : i32
            %dma_start3A_170 = tpu.memref_slice %arg9[%dma_start3A_168, %dma_start3A_169] : memref<10240x128xf32, #tpu.memory_space<vmem_shared>> -> memref<10240x128xf32, #tpu.memory_space<vmem_shared>>
            tpu.enqueue_indirect_dma source(%dma_start3A_164 : memref<128x128xf32, #tpu.memory_space<vmem>>) target(%dma_start3A_170 : memref<10240x128xf32, #tpu.memory_space<vmem_shared>>) offsets(%dma_start3A_167 : memref<128xi32, #tpu.memory_space<vmem>>) semaphore(%run_scoped3A_160 : memref<!tpu.dma_semaphore, #tpu.memory_space<semaphore_mem>>) {add = true}
            %dma_wait3A_171 = arith.constant 0 : i32
            %dma_wait3A_172 = arith.constant 0 : i32
            %dma_wait3A_173 = tpu.memref_slice %arg8[%run_scoped3A_145, %dma_wait3A_171, %dma_wait3A_172] : memref<2x128x128xf32, #tpu.memory_space<vmem>> -> memref<1x128x128xf32, #tpu.memory_space<vmem>>
            %dma_wait3A_174 = tpu.memref_squeeze %dma_wait3A_173 : memref<1x128x128xf32, #tpu.memory_space<vmem>> -> memref<128x128xf32, #tpu.memory_space<vmem>>
            %dma_wait3A_175 = arith.constant 0 : i32
            %dma_wait3A_176 = tpu.memref_slice %arg7[%add3A_108, %dma_wait3A_175] : memref<16x128xi32, #tpu.memory_space<vmem>> -> memref<1x128xi32, #tpu.memory_space<vmem>>
            %dma_wait3A_177 = tpu.memref_squeeze %dma_wait3A_176 : memref<1x128xi32, #tpu.memory_space<vmem>> -> memref<128xi32, #tpu.memory_space<vmem>>
            %dma_wait3A_178 = arith.constant 0 : i32
            %dma_wait3A_179 = arith.constant 0 : i32
            %dma_wait3A_180 = tpu.memref_slice %arg9[%dma_wait3A_178, %dma_wait3A_179] : memref<10240x128xf32, #tpu.memory_space<vmem_shared>> -> memref<10240x128xf32, #tpu.memory_space<vmem_shared>>
            tpu.wait_indirect_dma semaphore(%run_scoped3A_160 : memref<!tpu.dma_semaphore, #tpu.memory_space<semaphore_mem>>) src(%dma_wait3A_174 : memref<128x128xf32, #tpu.memory_space<vmem>>) dst(%dma_wait3A_180 : memref<10240x128xf32, #tpu.memory_space<vmem_shared>>)
            tpu.yield
          }) : () -> ()
          %add3A_146 = arith.constant 2 : i32
          %add3A_147 = arith.addi %add3A_108, %add3A_146 : i32
          %rem3A_148 = arith.remsi %add3A_147, %min3A_28 : i32
          %dma_start3A_149 = arith.constant 1 : i32
          %dma_start3A_150 = arith.constant 0 : i32
          %dma_start3A_151 = arith.constant 0 : i32
          %dma_start3A_152 = tpu.memref_slice %arg8[%dma_start3A_149, %dma_start3A_150, %dma_start3A_151] : memref<2x128x128xf32, #tpu.memory_space<vmem>> -> memref<1x128x128xf32, #tpu.memory_space<vmem>>
          %dma_start3A_153 = tpu.memref_squeeze %dma_start3A_152 : memref<1x128x128xf32, #tpu.memory_space<vmem>> -> memref<128x128xf32, #tpu.memory_space<vmem>>
          %dma_start3A_154 = arith.constant 0 : i32
          %dma_start3A_155 = tpu.memref_slice %arg6[%rem3A_148, %dma_start3A_154] : memref<16x128xi32, #tpu.memory_space<vmem>> -> memref<1x128xi32, #tpu.memory_space<vmem>>
          %dma_start3A_156 = tpu.memref_squeeze %dma_start3A_155 : memref<1x128xi32, #tpu.memory_space<vmem>> -> memref<128xi32, #tpu.memory_space<vmem>>
          %dma_start3A_157 = arith.constant 0 : i32
          %dma_start3A_158 = arith.constant 0 : i32
          %dma_start3A_159 = tpu.memref_slice %arg2[%dma_start3A_157, %dma_start3A_158] : memref<10240x128xf32, #tpu.memory_space<hbm>> -> memref<10240x128xf32, #tpu.memory_space<hbm>>
          tpu.enqueue_indirect_dma source(%dma_start3A_159 : memref<10240x128xf32, #tpu.memory_space<hbm>>) target(%dma_start3A_153 : memref<128x128xf32, #tpu.memory_space<vmem>>) offsets(%dma_start3A_156 : memref<128xi32, #tpu.memory_space<vmem>>) semaphore(%arg11 : memref<!tpu.dma_semaphore, #tpu.memory_space<semaphore_mem>>)
        }
        %dma_wait3A = arith.constant 0 : i32
        %dma_wait3A_82 = arith.constant 0 : i32
        %dma_wait3A_83 = arith.constant 0 : i32
        %dma_wait3A_84 = arith.constant 0 : i32
        %dma_wait3A_85 = tpu.memref_slice %arg8[%dma_wait3A_82, %dma_wait3A_83, %dma_wait3A_84] : memref<2x128x128xf32, #tpu.memory_space<vmem>> -> memref<1x128x128xf32, #tpu.memory_space<vmem>>
        %dma_wait3A_86 = tpu.memref_squeeze %dma_wait3A_85 : memref<1x128x128xf32, #tpu.memory_space<vmem>> -> memref<128x128xf32, #tpu.memory_space<vmem>>
        %dma_wait3A_87 = arith.constant 0 : i32
        %dma_wait3A_88 = tpu.memref_slice %arg6[%dma_wait3A, %dma_wait3A_87] : memref<16x128xi32, #tpu.memory_space<vmem>> -> memref<1x128xi32, #tpu.memory_space<vmem>>
        %dma_wait3A_89 = tpu.memref_squeeze %dma_wait3A_88 : memref<1x128xi32, #tpu.memory_space<vmem>> -> memref<128xi32, #tpu.memory_space<vmem>>
        %dma_wait3A_90 = arith.constant 0 : i32
        %dma_wait3A_91 = arith.constant 0 : i32
        %dma_wait3A_92 = tpu.memref_slice %arg2[%dma_wait3A_90, %dma_wait3A_91] : memref<10240x128xf32, #tpu.memory_space<hbm>> -> memref<10240x128xf32, #tpu.memory_space<hbm>>
        tpu.wait_indirect_dma semaphore(%arg10 : memref<!tpu.dma_semaphore, #tpu.memory_space<semaphore_mem>>) src(%dma_wait3A_92 : memref<10240x128xf32, #tpu.memory_space<hbm>>) dst(%dma_wait3A_86 : memref<128x128xf32, #tpu.memory_space<vmem>>)
        %dma_wait3A_93 = arith.constant 1 : i32
        %dma_wait3A_94 = arith.constant 1 : i32
        %dma_wait3A_95 = arith.constant 0 : i32
        %dma_wait3A_96 = arith.constant 0 : i32
        %dma_wait3A_97 = tpu.memref_slice %arg8[%dma_wait3A_94, %dma_wait3A_95, %dma_wait3A_96] : memref<2x128x128xf32, #tpu.memory_space<vmem>> -> memref<1x128x128xf32, #tpu.memory_space<vmem>>
        %dma_wait3A_98 = tpu.memref_squeeze %dma_wait3A_97 : memref<1x128x128xf32, #tpu.memory_space<vmem>> -> memref<128x128xf32, #tpu.memory_space<vmem>>
        %dma_wait3A_99 = arith.constant 0 : i32
        %dma_wait3A_100 = tpu.memref_slice %arg6[%dma_wait3A_93, %dma_wait3A_99] : memref<16x128xi32, #tpu.memory_space<vmem>> -> memref<1x128xi32, #tpu.memory_space<vmem>>
        %dma_wait3A_101 = tpu.memref_squeeze %dma_wait3A_100 : memref<1x128xi32, #tpu.memory_space<vmem>> -> memref<128xi32, #tpu.memory_space<vmem>>
        %dma_wait3A_102 = arith.constant 0 : i32
        %dma_wait3A_103 = arith.constant 0 : i32
        %dma_wait3A_104 = tpu.memref_slice %arg2[%dma_wait3A_102, %dma_wait3A_103] : memref<10240x128xf32, #tpu.memory_space<hbm>> -> memref<10240x128xf32, #tpu.memory_space<hbm>>
        tpu.wait_indirect_dma semaphore(%arg11 : memref<!tpu.dma_semaphore, #tpu.memory_space<semaphore_mem>>) src(%dma_wait3A_104 : memref<10240x128xf32, #tpu.memory_space<hbm>>) dst(%dma_wait3A_98 : memref<128x128xf32, #tpu.memory_space<vmem>>)
      }
      %scan3A_19 = arith.constant 10 : i32
      %barrier3A_20 = arith.constant 0 : index
      tpu.barrier barrier_id(%barrier3A_20)
      %mul3A = arith.constant 640 : i32
      %mul3A_21 = arith.muli %arg1, %mul3A : i32
      %mul3A_22 = arith.constant 640 : i32
      %mul3A_23 = arith.muli %arg1, %mul3A_22 : i32
      "tpu.region"() ({
        %run_scoped3A = tpu.sem_alloc : memref<!tpu.dma_semaphore, #tpu.memory_space<semaphore_mem>>
        %dma_start3A = arith.constant 0 : i32
        %dma_start3A_24 = tpu.memref_slice %arg5[%mul3A_23, %dma_start3A] : memref<10240x128xf32, #tpu.memory_space<hbm>> -> memref<640x128xf32, #tpu.memory_space<hbm>>
        %dma_start3A_25 = arith.constant 0 : i32
        %dma_start3A_26 = tpu.memref_slice %arg9[%mul3A_21, %dma_start3A_25] : memref<10240x128xf32, #tpu.memory_space<vmem_shared>> -> memref<640x128xf32, #tpu.memory_space<vmem_shared>>
        tpu.enqueue_dma source(%dma_start3A_26 : memref<640x128xf32, #tpu.memory_space<vmem_shared>>) target(%dma_start3A_24 : memref<640x128xf32, #tpu.memory_space<hbm>>) target_semaphore(%run_scoped3A : memref<!tpu.dma_semaphore, #tpu.memory_space<semaphore_mem>>)
        %dma_wait3A = arith.constant 0 : i32
        %dma_wait3A_27 = tpu.memref_slice %arg5[%mul3A_23, %dma_wait3A] : memref<10240x128xf32, #tpu.memory_space<hbm>> -> memref<640x128xf32, #tpu.memory_space<hbm>>
        %dma_wait3A_28 = arith.constant 0 : i32
        %dma_wait3A_29 = tpu.memref_slice %arg9[%mul3A_21, %dma_wait3A_28] : memref<10240x128xf32, #tpu.memory_space<vmem_shared>> -> memref<640x128xf32, #tpu.memory_space<vmem_shared>>
        tpu.wait_dma2 semaphore(%run_scoped3A : memref<!tpu.dma_semaphore, #tpu.memory_space<semaphore_mem>>) src(%dma_wait3A_29 : memref<640x128xf32, #tpu.memory_space<vmem_shared>>) dst(%dma_wait3A_27 : memref<640x128xf32, #tpu.memory_space<hbm>>)
        tpu.yield
      }) : () -> ()
    } else {
    }
    return
  }
}

module attributes {stable_mosaic.version = 14 : i64} {
  func.func @_mm1_body(%arg0: i32, %arg1: memref<256x1xf32, #tpu.memory_space<vmem>>, %arg2: memref<256x128xf32, #tpu.memory_space<vmem>>, %arg3: memref<128x128xf32, #tpu.memory_space<vmem>>, %arg4: memref<256x128xf32, #tpu.memory_space<vmem>>) attributes {dimension_semantics = [#tpu.dimension_semantics<arbitrary>], iteration_bounds = array<i64: 40>, scalar_prefetch = 0 : i64, scratch_operands = 0 : i64, tpu.core_type = #tpu.core_type<tc>, window_params = [{transform_indices = @transform_0, window_bounds = array<i64: 256, 1>}, {transform_indices = @transform_1, window_bounds = array<i64: 256, 128>}, {pipeline_mode = #tpu.pipeline_mode<synchronous>, transform_indices = @transform_2, window_bounds = array<i64: 128, 128>}, {transform_indices = @transform_3, window_bounds = array<i64: 256, 128>}]} {
    %get3A = arith.constant 0 : index
    %get3A_0 = arith.constant 0 : index
    %get3A_1 = vector.load %arg1[%get3A, %get3A_0] : memref<256x1xf32, #tpu.memory_space<vmem>>, vector<256x1xf32>
    %add3A = arith.constant 1.000000e+00 : f32
    %add3A_2 = vector.broadcast %add3A : f32 to vector<256x1xf32>
    %add3A_3 = arith.addf %get3A_1, %add3A_2 : vector<256x1xf32>
    %rsqrt3A = math.rsqrt %add3A_3 : vector<256x1xf32>
    %get3A_4 = arith.constant 0 : index
    %get3A_5 = arith.constant 0 : index
    %get3A_6 = vector.load %arg2[%get3A_4, %get3A_5] : memref<256x128xf32, #tpu.memory_space<vmem>>, vector<256x128xf32>
    %get3A_7 = arith.constant 0 : index
    %get3A_8 = arith.constant 0 : index
    %get3A_9 = vector.load %arg3[%get3A_7, %get3A_8] : memref<128x128xf32, #tpu.memory_space<vmem>>, vector<128x128xf32>
    %dot_general3A = arith.constant dense<0.000000e+00> : vector<256x128xf32>
    %dot_general3A_10 = tpu.matmul %get3A_6, %get3A_9, %dot_general3A {dimension_numbers = #tpu.dot_dimension_numbers<[1], [0], [0], [1], [0, 0, 1, 1], [], []>, transpose_lhs_hint = false} : vector<256x128xf32>, vector<128x128xf32>, vector<256x128xf32> -> vector<256x128xf32>
    %mul3A = vector.broadcast %rsqrt3A : vector<256x1xf32> to vector<256x128xf32>
    %mul3A_11 = arith.mulf %dot_general3A_10, %mul3A : vector<256x128xf32>
    %swap3A = arith.constant 0 : index
    %swap3A_12 = arith.constant 0 : index
    %swap3A_13 = vector.load %arg4[%swap3A, %swap3A_12] : memref<256x128xf32, #tpu.memory_space<vmem>>, vector<256x128xf32>
    tpu.vector_store %arg4[%swap3A, %swap3A_12], %mul3A_11 {strides = array<i32>} : memref<256x128xf32, #tpu.memory_space<vmem>>, vector<256x128xf32>,
    return
  }
  func.func @transform_0(%arg0: i32) -> (i32, i32) {
    %c0_i32 = arith.constant 0 : i32
    %c0_i32_0 = arith.constant 0 : i32
    return %arg0, %c0_i32 : i32, i32
  }
  func.func @transform_1(%arg0: i32) -> (i32, i32) {
    %c0_i32 = arith.constant 0 : i32
    %c0_i32_0 = arith.constant 0 : i32
    return %arg0, %c0_i32 : i32, i32
  }
  func.func @transform_2(%arg0: i32) -> (i32, i32) {
    %c0_i32 = arith.constant 0 : i32
    %c0_i32_0 = arith.constant 0 : i32
    %c0_i32_1 = arith.constant 0 : i32
    return %c0_i32, %c0_i32_0 : i32, i32
  }
  func.func @transform_3(%arg0: i32) -> (i32, i32) {
    %c0_i32 = arith.constant 0 : i32
    %c0_i32_0 = arith.constant 0 : i32
    return %arg0, %c0_i32 : i32, i32
  }
}

module attributes {stable_mosaic.version = 14 : i64} {
  func.func @_mm2_body(%arg0: i32, %arg1: memref<256x1xf32, #tpu.memory_space<vmem>>, %arg2: memref<256x128xf32, #tpu.memory_space<vmem>>, %arg3: memref<256x128xf32, #tpu.memory_space<vmem>>, %arg4: memref<128x128xf32, #tpu.memory_space<vmem>>, %arg5: memref<256x128xf32, #tpu.memory_space<vmem>>) attributes {dimension_semantics = [#tpu.dimension_semantics<arbitrary>], iteration_bounds = array<i64: 40>, scalar_prefetch = 0 : i64, scratch_operands = 0 : i64, tpu.core_type = #tpu.core_type<tc>, window_params = [{transform_indices = @transform_0, window_bounds = array<i64: 256, 1>}, {transform_indices = @transform_1, window_bounds = array<i64: 256, 128>}, {transform_indices = @transform_2, window_bounds = array<i64: 256, 128>}, {pipeline_mode = #tpu.pipeline_mode<synchronous>, transform_indices = @transform_3, window_bounds = array<i64: 128, 128>}, {transform_indices = @transform_4, window_bounds = array<i64: 256, 128>}]} {
    %get3A = arith.constant 0 : index
    %get3A_0 = arith.constant 0 : index
    %get3A_1 = vector.load %arg1[%get3A, %get3A_0] : memref<256x1xf32, #tpu.memory_space<vmem>>, vector<256x1xf32>
    %add3A = arith.constant 1.000000e+00 : f32
    %add3A_2 = vector.broadcast %add3A : f32 to vector<256x1xf32>
    %add3A_3 = arith.addf %get3A_1, %add3A_2 : vector<256x1xf32>
    %rsqrt3A = math.rsqrt %add3A_3 : vector<256x1xf32>
    %get3A_4 = arith.constant 0 : index
    %get3A_5 = arith.constant 0 : index
    %get3A_6 = vector.load %arg2[%get3A_4, %get3A_5] : memref<256x128xf32, #tpu.memory_space<vmem>>, vector<256x128xf32>
    %get3A_7 = arith.constant 0 : index
    %get3A_8 = arith.constant 0 : index
    %get3A_9 = vector.load %arg3[%get3A_7, %get3A_8] : memref<256x128xf32, #tpu.memory_space<vmem>>, vector<256x128xf32>
    %add3A_10 = arith.addf %get3A_6, %get3A_9 : vector<256x128xf32>
    %mul3A = vector.broadcast %rsqrt3A : vector<256x1xf32> to vector<256x128xf32>
    %mul3A_11 = arith.mulf %add3A_10, %mul3A : vector<256x128xf32>
    %max3A = arith.constant 0.000000e+00 : f32
    %max3A_12 = vector.broadcast %max3A : f32 to vector<256x128xf32>
    %max3A_13 = arith.maximumf %mul3A_11, %max3A_12 : vector<256x128xf32>
    %get3A_14 = arith.constant 0 : index
    %get3A_15 = arith.constant 0 : index
    %get3A_16 = vector.load %arg4[%get3A_14, %get3A_15] : memref<128x128xf32, #tpu.memory_space<vmem>>, vector<128x128xf32>
    %dot_general3A = arith.constant dense<0.000000e+00> : vector<256x128xf32>
    %dot_general3A_17 = tpu.matmul %max3A_13, %get3A_16, %dot_general3A {dimension_numbers = #tpu.dot_dimension_numbers<[1], [0], [0], [1], [0, 0, 1, 1], [], []>, transpose_lhs_hint = false} : vector<256x128xf32>, vector<128x128xf32>, vector<256x128xf32> -> vector<256x128xf32>
    %mul3A_18 = vector.broadcast %rsqrt3A : vector<256x1xf32> to vector<256x128xf32>
    %mul3A_19 = arith.mulf %dot_general3A_17, %mul3A_18 : vector<256x128xf32>
    %swap3A = arith.constant 0 : index
    %swap3A_20 = arith.constant 0 : index
    %swap3A_21 = vector.load %arg5[%swap3A, %swap3A_20] : memref<256x128xf32, #tpu.memory_space<vmem>>, vector<256x128xf32>
    tpu.vector_store %arg5[%swap3A, %swap3A_20], %mul3A_19 {strides = array<i32>} : memref<256x128xf32, #tpu.memory_space<vmem>>, vector<256x128xf32>,
    return
  }
  func.func @transform_0(%arg0: i32) -> (i32, i32) {
    %c0_i32 = arith.constant 0 : i32
    %c0_i32_0 = arith.constant 0 : i32
    return %arg0, %c0_i32 : i32, i32
  }
  func.func @transform_1(%arg0: i32) -> (i32, i32) {
    %c0_i32 = arith.constant 0 : i32
    %c0_i32_0 = arith.constant 0 : i32
    return %arg0, %c0_i32 : i32, i32
  }
  func.func @transform_2(%arg0: i32) -> (i32, i32) {
    %c0_i32 = arith.constant 0 : i32
    %c0_i32_0 = arith.constant 0 : i32
    return %arg0, %c0_i32 : i32, i32
  }
  func.func @transform_3(%arg0: i32) -> (i32, i32) {
    %c0_i32 = arith.constant 0 : i32
    %c0_i32_0 = arith.constant 0 : i32
    %c0_i32_1 = arith.constant 0 : i32
    return %c0_i32, %c0_i32_0 : i32, i32
  }
  func.func @transform_4(%arg0: i32) -> (i32, i32) {
    %c0_i32 = arith.constant 0 : i32
    %c0_i32_0 = arith.constant 0 : i32
    return %arg0, %c0_i32 : i32, i32
  }
}

module attributes {stable_mosaic.version = 14 : i64} {
  func.func @_pool_body(%arg0: i32, %arg1: memref<256x1xf32, #tpu.memory_space<vmem>>, %arg2: memref<256x128xf32, #tpu.memory_space<vmem>>, %arg3: memref<256x128xf32, #tpu.memory_space<vmem>>, %arg4: memref<1x256xi32, #tpu.memory_space<vmem>>, %arg5: memref<128x128xf32, #tpu.memory_space<vmem>>, %arg6: memref<1x128xf32, #tpu.memory_space<vmem>>, %arg7: memref<128x128xf32, #tpu.memory_space<vmem>>, %arg8: memref<1x128xf32, #tpu.memory_space<vmem>>, %arg9: memref<64x128xf32, #tpu.memory_space<vmem>>, %arg10: memref<64x128xf32, #tpu.memory_space<vmem>>, %arg11: memref<64x128xf32, #tpu.memory_space<vmem>>) attributes {dimension_semantics = [#tpu.dimension_semantics<arbitrary>], iteration_bounds = array<i64: 40>, scalar_prefetch = 0 : i64, scratch_operands = 2 : i64, tpu.core_type = #tpu.core_type<tc>, window_params = [{transform_indices = @transform_0, window_bounds = array<i64: 256, 1>}, {transform_indices = @transform_1, window_bounds = array<i64: 256, 128>}, {transform_indices = @transform_2, window_bounds = array<i64: 256, 128>}, {transform_indices = @transform_3, window_bounds = array<i64: 1, 256>}, {pipeline_mode = #tpu.pipeline_mode<synchronous>, transform_indices = @transform_4, window_bounds = array<i64: 128, 128>}, {pipeline_mode = #tpu.pipeline_mode<synchronous>, transform_indices = @transform_5, window_bounds = array<i64: 1, 128>}, {pipeline_mode = #tpu.pipeline_mode<synchronous>, transform_indices = @transform_6, window_bounds = array<i64: 128, 128>}, {pipeline_mode = #tpu.pipeline_mode<synchronous>, transform_indices = @transform_7, window_bounds = array<i64: 1, 128>}, {pipeline_mode = #tpu.pipeline_mode<synchronous>, transform_indices = @transform_8, window_bounds = array<i64: 64, 128>}]} {
    %eq3A = arith.constant 0 : i32
    %eq3A_0 = arith.cmpi eq, %arg0, %eq3A : i32
    %convert_element_type3A = arith.extui %eq3A_0 : i1 to i32
    %cond3A = arith.constant 0 : i32
    %cond3A_1 = arith.cmpi ne, %convert_element_type3A, %cond3A : i32
    scf.if %cond3A_1 {
      %broadcast_in_dim3A_44 = arith.constant 0.000000e+00 : f32
      %broadcast_in_dim3A_45 = vector.broadcast %broadcast_in_dim3A_44 : f32 to vector<64x128xf32>
      %swap3A_46 = arith.constant 0 : index
      %swap3A_47 = arith.constant 0 : index
      %swap3A_48 = vector.load %arg10[%swap3A_46, %swap3A_47] : memref<64x128xf32, #tpu.memory_space<vmem>>, vector<64x128xf32>
      tpu.vector_store %arg10[%swap3A_46, %swap3A_47], %broadcast_in_dim3A_45 {strides = array<i32>} : memref<64x128xf32, #tpu.memory_space<vmem>>, vector<64x128xf32>,
      %broadcast_in_dim3A_49 = arith.constant 0.000000e+00 : f32
      %broadcast_in_dim3A_50 = vector.broadcast %broadcast_in_dim3A_49 : f32 to vector<64x128xf32>
      %swap3A_51 = arith.constant 0 : index
      %swap3A_52 = arith.constant 0 : index
      %swap3A_53 = vector.load %arg11[%swap3A_51, %swap3A_52] : memref<64x128xf32, #tpu.memory_space<vmem>>, vector<64x128xf32>
      tpu.vector_store %arg11[%swap3A_51, %swap3A_52], %broadcast_in_dim3A_50 {strides = array<i32>} : memref<64x128xf32, #tpu.memory_space<vmem>>, vector<64x128xf32>,
    } else {
    }
    %get3A = arith.constant 0 : index
    %get3A_2 = arith.constant 0 : index
    %get3A_3 = vector.load %arg1[%get3A, %get3A_2] : memref<256x1xf32, #tpu.memory_space<vmem>>, vector<256x1xf32>
    %add3A = arith.constant 1.000000e+00 : f32
    %add3A_4 = vector.broadcast %add3A : f32 to vector<256x1xf32>
    %add3A_5 = arith.addf %get3A_3, %add3A_4 : vector<256x1xf32>
    %rsqrt3A = math.rsqrt %add3A_5 : vector<256x1xf32>
    %get3A_6 = arith.constant 0 : index
    %get3A_7 = arith.constant 0 : index
    %get3A_8 = vector.load %arg2[%get3A_6, %get3A_7] : memref<256x128xf32, #tpu.memory_space<vmem>>, vector<256x128xf32>
    %get3A_9 = arith.constant 0 : index
    %get3A_10 = arith.constant 0 : index
    %get3A_11 = vector.load %arg3[%get3A_9, %get3A_10] : memref<256x128xf32, #tpu.memory_space<vmem>>, vector<256x128xf32>
    %add3A_12 = arith.addf %get3A_8, %get3A_11 : vector<256x128xf32>
    %mul3A = vector.broadcast %rsqrt3A : vector<256x1xf32> to vector<256x128xf32>
    %mul3A_13 = arith.mulf %add3A_12, %mul3A : vector<256x128xf32>
    %get3A_14 = arith.constant 0 : index
    %get3A_15 = arith.constant 0 : index
    %get3A_16 = vector.load %arg4[%get3A_14, %get3A_15] : memref<1x256xi32, #tpu.memory_space<vmem>>, vector<1x256xi32>
    %broadcast_in_dim3A = vector.shape_cast %get3A_16 : vector<1x256xi32> to vector<1x256xi32>
    %broadcast_in_dim3A_17 = vector.broadcast %broadcast_in_dim3A : vector<1x256xi32> to vector<64x256xi32>
    %iota3A = tpu.iota {dimensions = array<i32: 0>} : vector<64x256xi32>
    %eq3A_18 = arith.cmpi eq, %iota3A, %broadcast_in_dim3A_17 : vector<64x256xi32>
    %convert_element_type3A_19 = arith.extui %eq3A_18 : vector<64x256xi1> to vector<64x256xi32>
    %convert_element_type3A_20 = arith.sitofp %convert_element_type3A_19 : vector<64x256xi32> to vector<64x256xf32>
    %get3A_21 = arith.constant 0 : index
    %get3A_22 = arith.constant 0 : index
    %get3A_23 = vector.load %arg10[%get3A_21, %get3A_22] : memref<64x128xf32, #tpu.memory_space<vmem>>, vector<64x128xf32>
    %dot_general3A = arith.constant dense<0.000000e+00> : vector<64x128xf32>
    %dot_general3A_24 = tpu.matmul %convert_element_type3A_20, %mul3A_13, %dot_general3A {dimension_numbers = #tpu.dot_dimension_numbers<[1], [0], [0], [1], [0, 0, 1, 1], [], []>, transpose_lhs_hint = false} : vector<64x256xf32>, vector<256x128xf32>, vector<64x128xf32> -> vector<64x128xf32>
    %add3A_25 = arith.addf %get3A_23, %dot_general3A_24 : vector<64x128xf32>
    %swap3A = arith.constant 0 : index
    %swap3A_26 = arith.constant 0 : index
    %swap3A_27 = vector.load %arg10[%swap3A, %swap3A_26] : memref<64x128xf32, #tpu.memory_space<vmem>>, vector<64x128xf32>
    tpu.vector_store %arg10[%swap3A, %swap3A_26], %add3A_25 {strides = array<i32>} : memref<64x128xf32, #tpu.memory_space<vmem>>, vector<64x128xf32>,
    %get3A_28 = arith.constant 0 : index
    %get3A_29 = arith.constant 0 : index
    %get3A_30 = vector.load %arg11[%get3A_28, %get3A_29] : memref<64x128xf32, #tpu.memory_space<vmem>>, vector<64x128xf32>
    %broadcast_in_dim3A_31 = arith.constant 1.000000e+00 : f32
    %broadcast_in_dim3A_32 = vector.broadcast %broadcast_in_dim3A_31 : f32 to vector<256x128xf32>
    %dot_general3A_33 = arith.constant dense<0.000000e+00> : vector<64x128xf32>
    %dot_general3A_34 = tpu.matmul %convert_element_type3A_20, %broadcast_in_dim3A_32, %dot_general3A_33 {dimension_numbers = #tpu.dot_dimension_numbers<[1], [0], [0], [1], [0, 0, 1, 1], [], []>, transpose_lhs_hint = false} : vector<64x256xf32>, vector<256x128xf32>, vector<64x128xf32> -> vector<64x128xf32>
    %add3A_35 = arith.addf %get3A_30, %dot_general3A_34 : vector<64x128xf32>
    %swap3A_36 = arith.constant 0 : index
    %swap3A_37 = arith.constant 0 : index
    %swap3A_38 = vector.load %arg11[%swap3A_36, %swap3A_37] : memref<64x128xf32, #tpu.memory_space<vmem>>, vector<64x128xf32>
    tpu.vector_store %arg11[%swap3A_36, %swap3A_37], %add3A_35 {strides = array<i32>} : memref<64x128xf32, #tpu.memory_space<vmem>>, vector<64x128xf32>,
    %eq3A_39 = arith.constant 39 : i32
    %eq3A_40 = arith.cmpi eq, %arg0, %eq3A_39 : i32
    %convert_element_type3A_41 = arith.extui %eq3A_40 : i1 to i32
    %cond3A_42 = arith.constant 0 : i32
    %cond3A_43 = arith.cmpi ne, %convert_element_type3A_41, %cond3A_42 : i32
    scf.if %cond3A_43 {
      %get3A_44 = arith.constant 0 : index
      %get3A_45 = arith.constant 0 : index
      %get3A_46 = vector.load %arg10[%get3A_44, %get3A_45] : memref<64x128xf32, #tpu.memory_space<vmem>>, vector<64x128xf32>
      %get3A_47 = arith.constant 0 : index
      %get3A_48 = arith.constant 0 : index
      %get3A_49 = vector.load %arg11[%get3A_47, %get3A_48] : memref<64x128xf32, #tpu.memory_space<vmem>>, vector<64x128xf32>
      %max3A = arith.constant 1.000000e+00 : f32
      %max3A_50 = vector.broadcast %max3A : f32 to vector<64x128xf32>
      %max3A_51 = arith.maximumf %get3A_49, %max3A_50 : vector<64x128xf32>
      %div3A = arith.divf %get3A_46, %max3A_51 : vector<64x128xf32>
      %get3A_52 = arith.constant 0 : index
      %get3A_53 = arith.constant 0 : index
      %get3A_54 = vector.load %arg5[%get3A_52, %get3A_53] : memref<128x128xf32, #tpu.memory_space<vmem>>, vector<128x128xf32>
      %dot_general3A_55 = arith.constant dense<0.000000e+00> : vector<64x128xf32>
      %dot_general3A_56 = tpu.matmul %div3A, %get3A_54, %dot_general3A_55 {dimension_numbers = #tpu.dot_dimension_numbers<[1], [0], [0], [1], [0, 0, 1, 1], [], []>, transpose_lhs_hint = false} : vector<64x128xf32>, vector<128x128xf32>, vector<64x128xf32> -> vector<64x128xf32>
      %get3A_57 = arith.constant 0 : index
      %get3A_58 = arith.constant 0 : index
      %get3A_59 = vector.load %arg6[%get3A_57, %get3A_58] : memref<1x128xf32, #tpu.memory_space<vmem>>, vector<1x128xf32>
      %add3A_60 = vector.broadcast %get3A_59 : vector<1x128xf32> to vector<64x128xf32>
      %add3A_61 = arith.addf %dot_general3A_56, %add3A_60 : vector<64x128xf32>
      %max3A_62 = arith.constant 0.000000e+00 : f32
      %max3A_63 = vector.broadcast %max3A_62 : f32 to vector<64x128xf32>
      %max3A_64 = arith.maximumf %add3A_61, %max3A_63 : vector<64x128xf32>
      %get3A_65 = arith.constant 0 : index
      %get3A_66 = arith.constant 0 : index
      %get3A_67 = vector.load %arg7[%get3A_65, %get3A_66] : memref<128x128xf32, #tpu.memory_space<vmem>>, vector<128x128xf32>
      %dot_general3A_68 = arith.constant dense<0.000000e+00> : vector<64x128xf32>
      %dot_general3A_69 = tpu.matmul %max3A_64, %get3A_67, %dot_general3A_68 {dimension_numbers = #tpu.dot_dimension_numbers<[1], [0], [0], [1], [0, 0, 1, 1], [], []>, transpose_lhs_hint = false} : vector<64x128xf32>, vector<128x128xf32>, vector<64x128xf32> -> vector<64x128xf32>
      %get3A_70 = arith.constant 0 : index
      %get3A_71 = arith.constant 0 : index
      %get3A_72 = vector.load %arg8[%get3A_70, %get3A_71] : memref<1x128xf32, #tpu.memory_space<vmem>>, vector<1x128xf32>
      %add3A_73 = vector.broadcast %get3A_72 : vector<1x128xf32> to vector<64x128xf32>
      %add3A_74 = arith.addf %dot_general3A_69, %add3A_73 : vector<64x128xf32>
      %swap3A_75 = arith.constant 0 : index
      %swap3A_76 = arith.constant 0 : index
      %swap3A_77 = vector.load %arg9[%swap3A_75, %swap3A_76] : memref<64x128xf32, #tpu.memory_space<vmem>>, vector<64x128xf32>
      tpu.vector_store %arg9[%swap3A_75, %swap3A_76], %add3A_74 {strides = array<i32>} : memref<64x128xf32, #tpu.memory_space<vmem>>, vector<64x128xf32>,
    } else {
    }
    return
  }
  func.func @transform_0(%arg0: i32) -> (i32, i32) {
    %c0_i32 = arith.constant 0 : i32
    %c0_i32_0 = arith.constant 0 : i32
    return %arg0, %c0_i32 : i32, i32
  }
  func.func @transform_1(%arg0: i32) -> (i32, i32) {
    %c0_i32 = arith.constant 0 : i32
    %c0_i32_0 = arith.constant 0 : i32
    return %arg0, %c0_i32 : i32, i32
  }
  func.func @transform_2(%arg0: i32) -> (i32, i32) {
    %c0_i32 = arith.constant 0 : i32
    %c0_i32_0 = arith.constant 0 : i32
    return %arg0, %c0_i32 : i32, i32
  }
  func.func @transform_3(%arg0: i32) -> (i32, i32) {
    %c0_i32 = arith.constant 0 : i32
    %c0_i32_0 = arith.constant 0 : i32
    return %c0_i32, %arg0 : i32, i32
  }
  func.func @transform_4(%arg0: i32) -> (i32, i32) {
    %c0_i32 = arith.constant 0 : i32
    %c0_i32_0 = arith.constant 0 : i32
    %c0_i32_1 = arith.constant 0 : i32
    return %c0_i32, %c0_i32_0 : i32, i32
  }
  func.func @transform_5(%arg0: i32) -> (i32, i32) {
    %c0_i32 = arith.constant 0 : i32
    %c0_i32_0 = arith.constant 0 : i32
    %c0_i32_1 = arith.constant 0 : i32
    return %c0_i32, %c0_i32_0 : i32, i32
  }
  func.func @transform_6(%arg0: i32) -> (i32, i32) {
    %c0_i32 = arith.constant 0 : i32
    %c0_i32_0 = arith.constant 0 : i32
    %c0_i32_1 = arith.constant 0 : i32
    return %c0_i32, %c0_i32_0 : i32, i32
  }
  func.func @transform_7(%arg0: i32) -> (i32, i32) {
    %c0_i32 = arith.constant 0 : i32
    %c0_i32_0 = arith.constant 0 : i32
    %c0_i32_1 = arith.constant 0 : i32
    return %c0_i32, %c0_i32_0 : i32, i32
  }
  func.func @transform_8(%arg0: i32) -> (i32, i32) {
    %c0_i32 = arith.constant 0 : i32
    %c0_i32_0 = arith.constant 0 : i32
    %c0_i32_1 = arith.constant 0 : i32
    return %c0_i32, %c0_i32_0 : i32, i32
  }
}

</mosaic_0001>

<sc_bundles>
// kernel: kernel.11.cloned.1.call-start
scs
__scs_entry_jumppad:
0x0: {  	(pc) =	sbr.rel $0x88, $3  }
0x1: {  	(tag) =	ssettag $0x0;
	lr =	simm.s32 $0x1  }
0x2: {  	[smem:$0x3F98] =	sst lr;
	_ =	strace $0xD0000000  }
0x3: {  	_ = 	snop  }
0x4: {  	_ = 	snop  }
0x5: {  	_ = 	snop  }
0x6: {  	_ = 	snop  }
0x7: {  	_ = 	snop  }
__scs_overlays_trampoline_lowered:
0x8: {  	[smem:$0x3FA7] =	sst s0  }
0x9: {  	[smem:$0x3FA8] =	sst s1  }
0xa: {  	[smem:$0x3FA9] =	sst s2  }
0xb: {  	[smem:$0x3FAA] =	sst s3  }
0xc: {  	[smem:$0x3FAB] =	sst s4  }
0xd: {  	[smem:$0x3FAC] =	sst s5  }
0xe: {  	[smem:$0x3FAD] =	sst s6  }
0xf: {  	[smem:$0x3FAE] =	sst s7  }
0x10: {  	[smem:$0x3FAF] =	sst s8  }
0x11: {  	[smem:$0x3FB0] =	sst s9;
	s0 =	simm.s32 @!p0 $0x0  }
0x12: {  	s1 =	sld [smem:$0x3F96];
	s0 =	simm.s32 @p0 $0x1  }
0x13: {  	[smem:$0x3FB1] =	sst s0;
	s0 =	simm.s32 @!p1 $0x0  }
0x14: {  	s2 =	sld [smem:$0x3F95];
	s0 =	simm.s32 @p1 $0x1  }
0x15: {  	[smem:$0x3FB2] =	sst s0;
	s0 =	simm.s32 @!p2 $0x0  }
0x16: {  	s3 =	sld [smem:$0x3FDB];
	s0 =	simm.s32 @p2 $0x1  }
0x17: {  	s4 =	simm.s32 $0x1BF5;
	[smem:$0x3FB4] =	sst s0  }
0x18: {  	s0 =	sld [smem:$0x3F97];
	_ =	swait.ge [sflag:s4], $0x0  }
0x19: {  	s7 =	sld [smem:$0x3F98]  }
0x1a: {  	s8 =	sadd.s32 $0xFFFFE003, lr  }
0x1b: {  	s9 =	sadd.s32 $0xFFFFFEF7, lr;
	s5 =	simm.s32 $0xFFFFFFFF;
	p2 =	slt.u32 s8, $0xFFFFF086  }
0x1c: {  	p1 =	slt.u32 s9, $0xF7A;
	s5 =	simm.s32 @!p2 $0x0  }
0x1d: {  	s5 =	simm.s32 @p1 $0x1;
	p0 =	seq.s32 s7, s2  }
0x1e: {  	s7 =	smul.u32 @!p0 $0xF7A, s2;
	p2 =	seq.s32 @!p0 s5, $0x0  }
0x1f: {  	s9 =	smul.u32 $0xF7A, s1;
	s8 =	simm.s32 @!p0 $0x1BF5;
	p2 =	por !p2, p0  }
0x20: {  	[sflag:s8] =	ssyncset.s32 @!p0 $0xFFFFF086;
	s6 =	sadd.s32 @!p0 s3, s7;
	s7 =	simm.s32 @!p0 $0x108  }
0x21: {  	s3 =	sadd.s32 s3, s9;
	s6 =	sadd.s32 @!p0 $0x88, s6;
	s7 =	simm.s32 @p2 $0x1082  }
0x22: {  	[simem:s7], [sflag:s8] =	dma.local @!p0 [hbm:s6], $0xF7A  }
0x23: {  	s9 =	sor.u32 $0xD0000000, s2;
	s6 =	simm.s32 $0x108;
	_ =	swait.ge @!p0 [sflag:s8], $0x0  }
0x24: {  	s3 =	sadd.s32 $0x88, s3;
	s6 =	simm.s32 @!p1 $0x1082;
	[sflag:s4] =	ssyncset.s32 $0xFFFFF086  }
0x25: {  	[simem:s6], [sflag:s4] =	dma.local [hbm:s3], $0xF7A  }
0x26: {  	[smem:$0x3F98] =	sst s1;
	(tag) =	ssettag s2;
	_ =	strace s9  }
0x27: {  	s1 =	sld [smem:$0x3FA8]  }
0x28: {  	s2 =	sld [smem:$0x3FA9]  }
0x29: {  	s4 =	sld [smem:$0x3FAB]  }
0x2a: {  	p0 =	seq.s32 s5, $0x0;
	s5 =	sld [smem:$0x3FAC]  }
0x2b: {  	s6 =	sld [smem:$0x3FAD]  }
0x2c: {  	s7 =	sld [smem:$0x3FAE]  }
0x2d: {  	s3 =	simm.s32 $0x108;
	s8 =	sld [smem:$0x3FAF]  }
0x2e: {  	s3 =	simm.s32 @!p0 $0x1082;
	s9 =	sld [smem:$0x3FB0]  }
0x2f: {  	lr =	sadd.s32 s0, s3;
	s0 =	sld [smem:$0x3FA7]  }
0x30: {  	s3 =	sld [smem:$0x3FAA]  }
0x31: {  	[smem:$0x3FB3] =	sst s10  }
0x32: {  	s10 =	sld [smem:$0x3FB1];
	_ =	sdelay $0x3  }
0x33: {  	p0 =	seq.s32 s10, $0x1;
	s10 =	sld [smem:$0x3FB3];
	_ =	sdelay $0x3  }
0x34: {  	[smem:$0x3FB3] =	sst s10  }
0x35: {  	s10 =	sld [smem:$0x3FB2];
	_ =	sdelay $0x3  }
0x36: {  	p1 =	seq.s32 s10, $0x1;
	s10 =	sld [smem:$0x3FB3];
	_ =	sdelay $0x3  }
0x37: {  	[smem:$0x3FB3] =	sst s10  }
0x38: {  	s10 =	sld [smem:$0x3FB4]  }
0x39: {  	_ = 	snop;
	(pc) =	sbr.ind lr, $3  }
0x3a: {  	_ = 	snop  }
0x3b: {  	_ = 	snop  }
0x3c: {  	p2 =	seq.s32 s10, $0x1;
	s10 =	sld [smem:$0x3FB3]  }
0x3d: {  	_ =	shalt  }
0x3e: {  	_ =	shalt  }
0x3f: {  	_ =	shalt  }
0x40: {  	_ =	shalt  }
0x41: {  	_ =	shalt  }
0x42: {  	_ =	shalt  }
0x43: {  	_ =	shalt  }
0x44: {  	_ =	shalt  }
0x45: {  	_ =	shalt  }
0x46: {  	_ =	shalt  }
0x47: {  	_ =	shalt  }
0x48: {  	_ =	shalt  }
0x49: {  	_ =	shalt  }
0x4a: {  	_ =	shalt  }
0x4b: {  	_ =	shalt  }
0x4c: {  	_ =	shalt  }
0x4d: {  	_ =	shalt  }
0x4e: {  	_ =	shalt  }
0x4f: {  	_ =	shalt  }
0x50: {  	_ =	shalt  }
0x51: {  	_ =	shalt  }
0x52: {  	_ =	shalt  }
0x53: {  	_ =	shalt  }
0x54: {  	_ =	shalt  }
0x55: {  	_ =	shalt  }
0x56: {  	_ =	shalt  }
0x57: {  	_ =	shalt  }
0x58: {  	_ =	shalt  }
0x59: {  	_ =	shalt  }
0x5a: {  	_ =	shalt  }
0x5b: {  	_ =	shalt  }
0x5c: {  	_ =	shalt  }
0x5d: {  	_ =	shalt  }
0x5e: {  	_ =	shalt  }
0x5f: {  	_ =	shalt  }
0x60: {  	_ =	shalt  }
0x61: {  	_ =	shalt  }
0x62: {  	_ =	shalt  }
0x63: {  	_ =	shalt  }
0x64: {  	_ =	shalt  }
0x65: {  	_ =	shalt  }
0x66: {  	_ =	shalt  }
0x67: {  	_ =	shalt  }
0x68: {  	_ =	shalt  }
0x69: {  	_ =	shalt  }
0x6a: {  	_ =	shalt  }
0x6b: {  	_ =	shalt  }
0x6c: {  	_ =	shalt  }
0x6d: {  	_ =	shalt  }
0x6e: {  	_ =	shalt  }
0x6f: {  	_ =	shalt  }
0x70: {  	_ =	shalt  }
0x71: {  	_ =	shalt  }
0x72: {  	_ =	shalt  }
0x73: {  	_ =	shalt  }
0x74: {  	_ =	shalt  }
0x75: {  	_ =	shalt  }
0x76: {  	_ =	shalt  }
0x77: {  	_ =	shalt  }
0x78: {  	_ =	shalt  }
0x79: {  	_ =	shalt  }
0x7a: {  	_ =	shalt  }
0x7b: {  	_ =	shalt  }
0x7c: {  	_ =	shalt  }
0x7d: {  	_ =	shalt  }
0x7e: {  	_ =	shalt  }
0x7f: {  	_ =	shalt  }
0x80: {  	_ =	shalt  }
0x81: {  	_ =	shalt  }
0x82: {  	_ =	shalt  }
0x83: {  	_ =	shalt  }
0x84: {  	_ =	shalt  }
0x85: {  	_ =	shalt  }
0x86: {  	_ =	shalt  }
0x87: {  	_ =	shalt  }
.Lfunc_end0:
.L_simem_size_0:
called_computation.1_lowered:
.L_overlay_start_0:
0x88: {  	s2 =	sld [smem:$0x3FD9]  }
0x89: {  	s3 =	sld [smem:$0x3FFE];
	_ =	sdelay $0x1  }
0x8a: {  	s1 =	srdreg.scid  }
0x8b: {  	s0 =	sand.u32 $0x1, s1  }
0x8c: {  	s16 =	sshll.u32 s0, $0xA;
	s2 =	sadd.s32 s3, s2  }
0x8d: {  	s2 =	sadd.s32 s2, s16  }
0x8e: {  	[smem:$0x3FBF] =	sst s2  }
0x8f: {  	_ = 	snop  }
0x90: {  	(tm) =	ssettm $0x1  }
0x91: {  	s17 =	sld [smem:$0x3FFB];
	_ =	sdelay $0x3  }
0x92: {  	_ =	strace s17  }
0x93: {  	s2 =	sld [smem:$0x3FFC];
	_ =	sdelay $0x3  }
0x94: {  	_ =	strace s2  }
0x95: {  	s2 =	sld [smem:$0x3FFD];
	_ =	sdelay $0x3  }
0x96: {  	_ =	strace s2  }
0x97: {  	_ =	strace $0x8FFFFFFF  }
0x98: {  	s18 =	sld [smem:$0x3FDB];
	_ =	sdelay $0x1  }
0x99: {  	s19 =	simm.s32 $_scs_section_size  }
0x9a: {  	s4 =	simm.s32 $_size__tile_overlayer_lowered;
	s5 =	simm.s32 $_tile_overlayer_lowered  }
0x9b: {  	s22 =	simm.s32 $0x1BFF;
	s21 =	sshll.u32 s5, $0x1;
	s2 =	sadd.s32 s19, s18  }
0x9c: {  	s6 =	simm.s32 $0x0;
	s20 =	sshll.u32 s4, $0x1;
	s4 =	sadd.s32 s21, s2  }
0x9d: {  	[timem:s6], [sflag:s22] =	dma.local [hbm:s4], s20  }
0x9e: {  	_ =	swait.ge [sflag:s22], s20  }
0x9f: {  	s3 =	ssub.s32 $0x0, s20;
	[sflag:s22] =	ssyncset.done $0x0  }
0xa0: {  	[sflag:s22] =	ssyncadd.s32 s3;
	_ =	sdelay $0x1  }
0xa1: {  	s23 =	simm.s32 $0x1B8B  }
0xa2: {  	_ =	swait.ge [sflag:s23], $0x1  }
0xa3: {  	[sflag:s23] =	ssyncset.done $0x0  }
0xa4: {  	s25 =	simm.s32 $0x1B8E;
	s24 =	sld [smem:$0x3FFE];
	[sflag:s23] =	ssyncadd.s32 $0xFFFFFFFF  }
0xa5: {  	s26 =	simm.s32 $execute0_lowered;
	[smem:$0x3FD2] =	sst s25  }
0xa6: {  	s4 =	sshll.u32 s26, $0x1;
	_ =	strace $0x80000049;
	[dreg:$0x1] =	wrdreg $0xFFFFFFFF  }
0xa7: {  	s28 =	simm.s32 $_size_execute0_lowered;
	s2 =	sadd.s32 s2, s4;
	[dreg:$0x0] =	wrdreg $0x0  }
0xa8: {  	s4 =	sshll.u32 s28, $0x1;
	[dreg:$0x2] =	wrdreg s2  }
0xa9: {  	[dreg:$0x3] =	wrdreg s4  }
0xaa: {  	[dreg:$0x4] =	wrdreg $0xC0  }
0xab: {  	_ =	task [dreg:s6], $0x5FFFF  }
0xac: {  	[dreg:$0x1] =	wrdreg $0xFFFFFFFF  }
0xad: {  	[dreg:$0x0] =	wrdreg $0x60  }
0xae: {  	[dreg:$0x2] =	wrdreg s24  }
0xaf: {  	[dreg:$0x3] =	wrdreg $0x90000  }
0xb0: {  	[dreg:$0x4] =	wrdreg $0x9  }
0xb1: {  	_ =	task.clear_ibuf [dreg:s6], $0x5FFFF;
	_ =	strace $0x90000049  }
0xb2: {  	s29 =	simm.s32 $0x9;
	_ =	strace $0x8000004B  }
0xb3: {  	_ =	swait.ge [sflag:s29], $0x1  }
0xb4: {  	[sflag:s29] =	ssyncadd.s32 $0xFFFFFFFF  }
0xb5: {  	_ =	strace $0x9000004B  }
0xb6: {  	_ =	sfence  }
0xb7: {  	s30 =	sld [smem:$0x0];
	_ =	sdelay $0x2  }
0xb8: {  	s31 =	sshll.u32 s1, $0xD;
	s1 =	sshrl.u32 s1, $0x2  }
0xb9: {  	s3 =	sand.u32 $0x4000, s31;
	s1 =	sadd.s32 s1, s30  }
0xba: {  	s0 =	sor.u32 s3, s0;
	s1 =	sshll.u32 s1, $0x11  }
0xbb: {  	s0 =	sor.u32 s1, s0  }
0xbc: {  	s0 =	sadd.s32 $0x8F2B, s0  }
0xbd: {  	[sflag:s0] =	ssyncadd.remote.s32 $0x1  }
0xbe: {  	_ =	sfence.sel $0xFFFF  }
0xbf: {  	[dreg:$0x0] =	wrdreg $0xFFFFFFFF;
	(pc) =	sbr.abs _section_cstart, $3  }
0xc0: {  	[dreg:$0x1] =	wrdreg $0xFFFFFFFF  }
0xc1: {  	_ =	task.clear_ibuf [dreg:s6], $0x2FFFF;
	_ =	strace $0x9FFFFFFF  }
0xc2: {  	(tm) =	ssettm $0x7FFFFFFF  }
0xc3: {  	_ =	shalt  }
tec
execute0_lowered:
.L_overlay_start_1:
0x0: {  	(tag) =	ssettag $0x1  }
0x1: {  	s1 =	srdreg.scid  }
0x2: {  	s1 =	sand.u32 $0x1, s1  }
0x3: {  	p0 =	seq.s32 s1, $0x0  }
.Ltmp0:
0x4: {  	_ = 	snop;
	(pc) =	sbr.rel @p0 .LBB2_8-.Ltmp0, $4  }
0x5: {  	s4 =	rddreg [dreg:$0x0]  }
0x6: {  	s2 =	rddreg [dreg:$0x1];
	s3 =	simm.s32 $0x0  }
0x7: {  	[smem:$0x7FF] =	sst s3  }
0x8: {  	s0 =	rddreg [dreg:$0x2];
	_ =	strace $0x8000004A;
	s1 =	stileid.u32  }
0x9: {  	s8 =	smul.u32 $0x50000, s1  }
0xa: {  	s6 =	smul.u32 $0x2800, s1;
	s3 =	sadd.s32 $0x16C00, s4;
	s5 =	sadd.s32 $0xCC00, s4  }
0xb: {  	s7 =	sadd.s32 $0x2600, s4;
	s9 =	simm.s32 $0x0;
	s31 =	sshrl.u32 s8, $0x2  }
0xc: {  	s10 =	simm.s32 $0x200;
	s6 =	sadd.s32 s6, s4;
	s4 =	sadd.s32 s31, s2  }
0xd: {  	s8 =	smul.u32 $0x5000, s1;
	s6 =	sadd.s32 $0x3EC00, s6;
	s14 =	sadd.s32 $0x4000, s4  }
0xe: {  	v0 =	vimm.f32 $0.0e+00;
	s13 =	sadd.s32 $0x8000, s4;
	s12 =	sadd.s32 $0xC000, s4;
	s11 =	sadd.s32 $0x10000, s4  }
.LBB2_2:
0xf: {  	p0 =	sne.s32 s10, $0xFE00;
	[tilespmem:s9+$0x1070] =	vst v0  }
0x10: {  	[tilespmem:s9+$0x1000] =	vst v0  }
0x11: {  	[tilespmem:s9+$0x1010] =	vst v0  }
.Ltmp1:
0x12: {  	[tilespmem:s9+$0x1020] =	vst v0;
	(pc) =	sbr.rel @p0 .LBB2_2-.Ltmp1, $4  }
0x13: {  	[tilespmem:s9+$0x1030] =	vst v0  }
0x14: {  	[tilespmem:s9+$0x1040] =	vst v0  }
0x15: {  	[tilespmem:s9+$0x1050] =	vst v0  }
0x16: {  	[tilespmem:s9+$0x1060] =	vst v0;
	s9 =	sshra.s32 s10, $0x2;
	s10 =	sadd.s32 $0x200, s10  }
0x17: {  	[tilespmem:s9+$0x1070] =	vst v0  }
0x18: {  	[tilespmem:s9+$0x1000] =	vst v0  }
0x19: {  	[tilespmem:s9+$0x1010] =	vst v0  }
0x1a: {  	[tilespmem:s9+$0x1020] =	vst v0  }
0x1b: {  	[tilespmem:s9+$0x1030] =	vst v0  }
0x1c: {  	[tilespmem:s9+$0x1040] =	vst v0  }
0x1d: {  	[tilespmem:s9+$0x1050] =	vst v0  }
0x1e: {  	[tilespmem:s9+$0x1060] =	vst v0;
	s9 =	simm.s32 $0x1000;
	s10 =	simm.s32 $0x3  }
0x1f: {  	[spmem:s4] =	stream.linear.scatter [tilespmem:s9], [sflag:$0x3], $0x4000, $0x38;
	[tilespmem:$0x1D000] =	vst v63  }
0x20: {  	_ =	swait.ge [sflag:s10], $0x4000  }
0x21: {  	[sflag:s10] =	ssyncset.done $0x0  }
0x22: {  	[sflag:s10] =	ssyncadd.s32 $0xFFFFC000  }
0x23: {  	[spmem:s14] =	stream.linear.scatter [tilespmem:s9], [sflag:$0x3], $0x4000, $0x38;
	[tilespmem:$0x1D000] =	vst v63  }
0x24: {  	_ =	swait.ge [sflag:s10], $0x4000  }
0x25: {  	[sflag:s10] =	ssyncset.done $0x0  }
0x26: {  	[sflag:s10] =	ssyncadd.s32 $0xFFFFC000  }
0x27: {  	[spmem:s13] =	stream.linear.scatter [tilespmem:s9], [sflag:$0x3], $0x4000, $0x38;
	[tilespmem:$0x1D000] =	vst v63  }
0x28: {  	_ =	swait.ge [sflag:s10], $0x4000  }
0x29: {  	[sflag:s10] =	ssyncset.done $0x0  }
0x2a: {  	[sflag:s10] =	ssyncadd.s32 $0xFFFFC000  }
0x2b: {  	[spmem:s12] =	stream.linear.scatter [tilespmem:s9], [sflag:$0x3], $0x4000, $0x38;
	[tilespmem:$0x1D000] =	vst v63  }
0x2c: {  	_ =	swait.ge [sflag:s10], $0x4000  }
0x2d: {  	[sflag:s10] =	ssyncset.done $0x0  }
0x2e: {  	[sflag:s10] =	ssyncadd.s32 $0xFFFFC000  }
0x2f: {  	[spmem:s11] =	stream.linear.scatter [tilespmem:s9], [sflag:$0x3], $0x4000, $0x38;
	[tilespmem:$0x1D000] =	vst v63  }
0x30: {  	s15 =	simm.s32 $0x5000;
	s16 =	simm.s32 $0x1;
	_ =	swait.ge [sflag:s10], $0x4000  }
0x31: {  	s17 =	simm.s32 $0x2;
	s18 =	simm.s32 $0x0;
	[sflag:s10] =	ssyncset.done $0x0  }
0x32: {  	s14 =	simm.s32 $0x80;
	s13 =	simm.s32 $0x800;
	[sflag:s10] =	ssyncadd.s32 $0xFFFFC000  }
0x33: {  	s12 =	simm.s32 $0x9E;
	s11 =	simm.s32 $0x0;
	[bflag:$0x0] =	sbarrier.arrive $0xFFFF  }
.LBB2_4:
0x34: {  	s19 =	sshll.u32 s18, $0xB  }
0x35: {  	s19 =	sadd.s32 s8, s19  }
0x36: {  	s19 =	sshrl.u32 s19, $0x3  }
0x37: {  	s20 =	sadd.s32 s5, s19  }
0x38: {  	[tilespmem:s11], [sflag:$0x3] =	stream.linear.gather [hbm4b:s20+s11], $0x800, $0x38;
	[tilespmem:$0x1D000] =	vst v63  }
0x39: {  	_ =	swait.ge [sflag:s10], $0x800  }
0x3a: {  	[sflag:s10] =	ssyncset.done $0x0  }
0x3b: {  	s24 =	sshll.u32 s18, $0x4;
	s19 =	sadd.s32 s7, s19;
	[sflag:s10] =	ssyncadd.s32 $0xFFFFF800  }
0x3c: {  	[tilespmem:s13], [sflag:$0x3] =	stream.linear.gather [hbm4b:s19+s11], $0x800, $0x38;
	[tilespmem:$0x1D000] =	vst v63  }
0x3d: {  	s25 =	ssub.s32 $0x9E, s24;
	_ =	swait.ge [sflag:s10], $0x800  }
0x3e: {  	s19 =	smin.u32 s25, $0x10;
	[sflag:s10] =	ssyncset.done $0x0  }
0x3f: {  	(drf) =	srem.u32 s17, s19;
	[sflag:s10] =	ssyncadd.s32 $0xFFFFF800  }
0x40: {  	[tilespmem:s9], [sflag:$0x1] =	stream.indirect.gather [hbm4b:s3+s14], $0x80, s11, s14, $0xb8;
	[tilespmem:$0x1D000] =	vst v63  }
0x41: {  	_ = 	snop  }
0x42: {  	[tilespmem:s15], [sflag:$0x2] =	stream.indirect.gather [hbm4b:s3+s14], $0x80, s14, s14, $0xb8;
	[tilespmem:$0x1D000] =	vst v63  }
0x43: {  	_ =	swait.ge [sflag:s16], $0x4000  }
0x44: {  	[sflag:s16] =	ssyncset.done $0x0  }
0x45: {  	s26 =	simm.s32 $0x800;
	[sflag:s16] =	ssyncadd.s32 $0xFFFFC000  }
0x46: {  	[spmem:s2] =	stream.indirect.scatter.add.f32 [tilespmem:s9], [sflag:$0x3], $0x80, s26, s14, $0xb8;
	[tilespmem:$0x1D000] =	vst v63  }
0x47: {  	s28 =	simm.s32 $0x3;
	_ =	swait.ge [sflag:s10], $0x4000  }
0x48: {  	s30 =	smin.u32 s12, $0x10;
	s21 =	spop (drf);
	(drf) =	srem.u32 s28, s19  }
0x49: {  	s31 =	sshrl.u32 s30, $0x1;
	[sflag:s10] =	ssyncset.done $0x0  }
0x4a: {  	p0 =	sne.s32 s31, $0x1;
	[sflag:s10] =	ssyncadd.s32 $0xFFFFC000;
	s29 =	sshll.u32 s21, $0x7  }
0x4b: {  	[tilespmem:s9], [sflag:$0x1] =	stream.indirect.gather [hbm4b:s3+s14], $0x80, s29, s14, $0xb8;
	[tilespmem:$0x1D000] =	vst v63  }
.Ltmp2:
0x4c: {  	_ =	swait.ge [sflag:s17], $0x4000;
	(pc) =	sbr.rel @!p0 .LBB2_6-.Ltmp2, $4  }
0x4d: {  	[sflag:s17] =	ssyncset.done $0x0  }
0x4e: {  	s20 =	simm.s32 $0x880;
	[sflag:s17] =	ssyncadd.s32 $0xFFFFC000  }
0x4f: {  	[spmem:s2] =	stream.indirect.scatter.add.f32 [tilespmem:s15], [sflag:$0x3], $0x80, s20, s14, $0xb8;
	[tilespmem:$0x1D000] =	vst v63  }
0x50: {  	s22 =	simm.s32 $0x4;
	s21 =	sadd.s32 $0xFFFFFFFF, s31;
	_ =	swait.ge [sflag:s10], $0x4000  }
.LBB2_5:
0x51: {  	(drf) =	srem.u32 s22, s19;
	[sflag:s10] =	ssyncset.done $0x0;
	s23 =	spop (drf)  }
0x52: {  	p0 =	sne.s32 s21, $0x1;
	[sflag:s10] =	ssyncadd.s32 $0xFFFFC000;
	s23 =	sshll.u32 s23, $0x7  }
0x53: {  	[tilespmem:s15], [sflag:$0x2] =	stream.indirect.gather [hbm4b:s3+s14], $0x80, s23, s14, $0xb8;
	[tilespmem:$0x1D000] =	vst v63  }
0x54: {  	s21 =	sadd.s32 $0xFFFFFFFF, s21;
	_ =	swait.ge [sflag:s16], $0x4000  }
0x55: {  	s20 =	sadd.s32 $0x100, s20;
	[sflag:s16] =	ssyncset.done $0x0  }
0x56: {  	s23 =	sadd.s32 $0xFFFFFF80, s20;
	[sflag:s16] =	ssyncadd.s32 $0xFFFFC000  }
0x57: {  	[spmem:s2] =	stream.indirect.scatter.add.f32 [tilespmem:s9], [sflag:$0x3], $0x80, s23, s14, $0xb8;
	[tilespmem:$0x1D000] =	vst v63  }
0x58: {  	s23 =	sadd.s32 $0x1, s22  }
0x59: {  	_ =	swait.ge [sflag:s10], $0x4000  }
0x5a: {  	(drf) =	srem.u32 s23, s19  }
0x5b: {  	[sflag:s10] =	ssyncset.done $0x0;
	s23 =	spop (drf)  }
0x5c: {  	[sflag:s10] =	ssyncadd.s32 $0xFFFFC000;
	s23 =	sshll.u32 s23, $0x7  }
0x5d: {  	[tilespmem:s9], [sflag:$0x1] =	stream.indirect.gather [hbm4b:s3+s14], $0x80, s23, s14, $0xb8;
	[tilespmem:$0x1D000] =	vst v63  }
.Ltmp3:
0x5e: {  	_ =	swait.ge [sflag:s17], $0x4000;
	(pc) =	sbr.rel @p0 .LBB2_5-.Ltmp3, $4  }
0x5f: {  	[sflag:s17] =	ssyncset.done $0x0  }
0x60: {  	[sflag:s17] =	ssyncadd.s32 $0xFFFFC000  }
0x61: {  	[spmem:s2] =	stream.indirect.scatter.add.f32 [tilespmem:s15], [sflag:$0x3], $0x80, s20, s14, $0xb8;
	[tilespmem:$0x1D000] =	vst v63  }
0x62: {  	s22 =	sadd.s32 $0x2, s22;
	_ =	swait.ge [sflag:s10], $0x4000  }
.LBB2_6:
0x63: {  	[sflag:s10] =	ssyncset.done $0x0;
	s19 =	spop (drf)  }
0x64: {  	s18 =	sadd.s32 $0x1, s18;
	[sflag:s10] =	ssyncadd.s32 $0xFFFFC000;
	s19 =	sshll.u32 s19, $0x7  }
0x65: {  	[tilespmem:s15], [sflag:$0x2] =	stream.indirect.gather [hbm4b:s3+s14], $0x80, s19, s14, $0xb8;
	[tilespmem:$0x1D000] =	vst v63  }
0x66: {  	p0 =	sne.s32 s18, $0xA;
	_ =	swait.ge [sflag:s16], $0x4000  }
.Ltmp4:
0x67: {  	[sflag:s16] =	ssyncset.done $0x0;
	(pc) =	sbr.rel @p0 .LBB2_4-.Ltmp4, $4  }
0x68: {  	[sflag:s16] =	ssyncadd.s32 $0xFFFFC000  }
0x69: {  	_ =	swait.ge [sflag:s17], $0x4000  }
0x6a: {  	[sflag:s17] =	ssyncset.done $0x0  }
0x6b: {  	s12 =	sadd.s32 $0xFFFFFFF0, s12;
	[sflag:s17] =	ssyncadd.s32 $0xFFFFC000  }
0x6c: {  	s2 =	sshll.u32 s1, $0x6;
	[bflag:$0x0] =	sbarrier.arrive $0xFFFF  }
0x6d: {  	s3 =	sshrl.u32 s4, $0x3;
	s31 =	simm.s32 $0x3;
	s2 =	sor.u32 $0x1C03, s2  }
0x6e: {  	[hbm:s6], [sflag:s2] =	dma.local [spmem:s3], $0x2800  }
0x6f: {  	_ =	swait.ge [sflag:s31], $0x2800  }
0x70: {  	[sflag:s31] =	ssyncset.done $0x0  }
0x71: {  	[sflag:s31] =	ssyncadd.s32 $0xFFFFD800  }
.LBB2_8:
0x72: {  	_ =	sfence.sel $0x180000  }
0x73: {  	[bflag:$0x0] =	sbarrier.arrive $0xFFFF  }
0x74: {  	p0 =	sne.s32 s1, $0x0;
	_ =	strace $0x9000004A  }
0x75: {  	s0 =	sadd.s32 @!p0 $0x100000, s0;
	[bflag:$0x2] =	sbarrier.arrive $0xFFFF  }
0x76: {  	[sflag:s0] =	ssyncadd.tile.s32 @!p0 $0x1;
	_ =	shalt  }
.Lfunc_end2:
_tile_overlayer_lowered:
.L_overlay_start_2:
0x77: {  	(tag) =	ssettag $0x2  }
0x78: {  	s0 =	rddreg [dreg:$0x0];
	s2 =	stileid.u32  }
0x79: {  	s1 =	rddreg [dreg:$0x1];
	p0 =	sne.s32 s2, $0x0  }
0x7a: {  	s3 =	rddreg [dreg:$0x2];
	[bflag:$0x3] =	sbarrier.arrive $0xFFFF;
	s2 =	simm.s32 @!p0 $0x1C03  }
0x7b: {  	[timem:s3], [sflag:s2] =	dma.local @!p0 [hbm:s0], s1  }
0x7c: {  	s0 =	simm.s32 @!p0 $0x3  }
0x7d: {  	_ =	swait.ge @!p0 [sflag:s0], s1  }
0x7e: {  	s1 =	ssub.s32 @!p0 $0x0, s1;
	[sflag:s0] =	ssyncset.done @!p0 $0x0  }
0x7f: {  	[sflag:s0] =	ssyncadd.s32 @!p0 s1  }
0x80: {  	[bflag:$0x3] =	sbarrier.arrive $0xFFFF  }
0x81: {  	_ =	shalt  }

// kernel: kernel.14.cloned.1.call-start
scs
__scs_entry_jumppad:
0x0: {  	(pc) =	sbr.rel $0x88, $3  }
0x1: {  	(tag) =	ssettag $0x0;
	lr =	simm.s32 $0x1  }
0x2: {  	[smem:$0x3F98] =	sst lr;
	_ =	strace $0xD0000000  }
0x3: {  	_ = 	snop  }
0x4: {  	_ = 	snop  }
0x5: {  	_ = 	snop  }
0x6: {  	_ = 	snop  }
0x7: {  	_ = 	snop  }
__scs_overlays_trampoline_lowered:
0x8: {  	[smem:$0x3FA7] =	sst s0  }
0x9: {  	[smem:$0x3FA8] =	sst s1  }
0xa: {  	[smem:$0x3FA9] =	sst s2  }
0xb: {  	[smem:$0x3FAA] =	sst s3  }
0xc: {  	[smem:$0x3FAB] =	sst s4  }
0xd: {  	[smem:$0x3FAC] =	sst s5  }
0xe: {  	[smem:$0x3FAD] =	sst s6  }
0xf: {  	[smem:$0x3FAE] =	sst s7  }
0x10: {  	[smem:$0x3FAF] =	sst s8  }
0x11: {  	[smem:$0x3FB0] =	sst s9;
	s0 =	simm.s32 @!p0 $0x0  }
0x12: {  	s1 =	sld [smem:$0x3F96];
	s0 =	simm.s32 @p0 $0x1  }
0x13: {  	[smem:$0x3FB1] =	sst s0;
	s0 =	simm.s32 @!p1 $0x0  }
0x14: {  	s2 =	sld [smem:$0x3F95];
	s0 =	simm.s32 @p1 $0x1  }
0x15: {  	[smem:$0x3FB2] =	sst s0;
	s0 =	simm.s32 @!p2 $0x0  }
0x16: {  	s3 =	sld [smem:$0x3FDB];
	s0 =	simm.s32 @p2 $0x1  }
0x17: {  	s4 =	simm.s32 $0x1BF5;
	[smem:$0x3FB4] =	sst s0  }
0x18: {  	s0 =	sld [smem:$0x3F97];
	_ =	swait.ge [sflag:s4], $0x0  }
0x19: {  	s7 =	sld [smem:$0x3F98]  }
0x1a: {  	s8 =	sadd.s32 $0xFFFFE003, lr  }
0x1b: {  	s9 =	sadd.s32 $0xFFFFFEF7, lr;
	s5 =	simm.s32 $0xFFFFFFFF;
	p2 =	slt.u32 s8, $0xFFFFF086  }
0x1c: {  	p1 =	slt.u32 s9, $0xF7A;
	s5 =	simm.s32 @!p2 $0x0  }
0x1d: {  	s5 =	simm.s32 @p1 $0x1;
	p0 =	seq.s32 s7, s2  }
0x1e: {  	s7 =	smul.u32 @!p0 $0xF7A, s2;
	p2 =	seq.s32 @!p0 s5, $0x0  }
0x1f: {  	s9 =	smul.u32 $0xF7A, s1;
	s8 =	simm.s32 @!p0 $0x1BF5;
	p2 =	por !p2, p0  }
0x20: {  	[sflag:s8] =	ssyncset.s32 @!p0 $0xFFFFF086;
	s6 =	sadd.s32 @!p0 s3, s7;
	s7 =	simm.s32 @!p0 $0x108  }
0x21: {  	s3 =	sadd.s32 s3, s9;
	s6 =	sadd.s32 @!p0 $0x88, s6;
	s7 =	simm.s32 @p2 $0x1082  }
0x22: {  	[simem:s7], [sflag:s8] =	dma.local @!p0 [hbm:s6], $0xF7A  }
0x23: {  	s9 =	sor.u32 $0xD0000000, s2;
	s6 =	simm.s32 $0x108;
	_ =	swait.ge @!p0 [sflag:s8], $0x0  }
0x24: {  	s3 =	sadd.s32 $0x88, s3;
	s6 =	simm.s32 @!p1 $0x1082;
	[sflag:s4] =	ssyncset.s32 $0xFFFFF086  }
0x25: {  	[simem:s6], [sflag:s4] =	dma.local [hbm:s3], $0xF7A  }
0x26: {  	[smem:$0x3F98] =	sst s1;
	(tag) =	ssettag s2;
	_ =	strace s9  }
0x27: {  	s1 =	sld [smem:$0x3FA8]  }
0x28: {  	s2 =	sld [smem:$0x3FA9]  }
0x29: {  	s4 =	sld [smem:$0x3FAB]  }
0x2a: {  	p0 =	seq.s32 s5, $0x0;
	s5 =	sld [smem:$0x3FAC]  }
0x2b: {  	s6 =	sld [smem:$0x3FAD]  }
0x2c: {  	s7 =	sld [smem:$0x3FAE]  }
0x2d: {  	s3 =	simm.s32 $0x108;
	s8 =	sld [smem:$0x3FAF]  }
0x2e: {  	s3 =	simm.s32 @!p0 $0x1082;
	s9 =	sld [smem:$0x3FB0]  }
0x2f: {  	lr =	sadd.s32 s0, s3;
	s0 =	sld [smem:$0x3FA7]  }
0x30: {  	s3 =	sld [smem:$0x3FAA]  }
0x31: {  	[smem:$0x3FB3] =	sst s10  }
0x32: {  	s10 =	sld [smem:$0x3FB1];
	_ =	sdelay $0x3  }
0x33: {  	p0 =	seq.s32 s10, $0x1;
	s10 =	sld [smem:$0x3FB3];
	_ =	sdelay $0x3  }
0x34: {  	[smem:$0x3FB3] =	sst s10  }
0x35: {  	s10 =	sld [smem:$0x3FB2];
	_ =	sdelay $0x3  }
0x36: {  	p1 =	seq.s32 s10, $0x1;
	s10 =	sld [smem:$0x3FB3];
	_ =	sdelay $0x3  }
0x37: {  	[smem:$0x3FB3] =	sst s10  }
0x38: {  	s10 =	sld [smem:$0x3FB4]  }
0x39: {  	_ = 	snop;
	(pc) =	sbr.ind lr, $3  }
0x3a: {  	_ = 	snop  }
0x3b: {  	_ = 	snop  }
0x3c: {  	p2 =	seq.s32 s10, $0x1;
	s10 =	sld [smem:$0x3FB3]  }
0x3d: {  	_ =	shalt  }
0x3e: {  	_ =	shalt  }
0x3f: {  	_ =	shalt  }
0x40: {  	_ =	shalt  }
0x41: {  	_ =	shalt  }
0x42: {  	_ =	shalt  }
0x43: {  	_ =	shalt  }
0x44: {  	_ =	shalt  }
0x45: {  	_ =	shalt  }
0x46: {  	_ =	shalt  }
0x47: {  	_ =	shalt  }
0x48: {  	_ =	shalt  }
0x49: {  	_ =	shalt  }
0x4a: {  	_ =	shalt  }
0x4b: {  	_ =	shalt  }
0x4c: {  	_ =	shalt  }
0x4d: {  	_ =	shalt  }
0x4e: {  	_ =	shalt  }
0x4f: {  	_ =	shalt  }
0x50: {  	_ =	shalt  }
0x51: {  	_ =	shalt  }
0x52: {  	_ =	shalt  }
0x53: {  	_ =	shalt  }
0x54: {  	_ =	shalt  }
0x55: {  	_ =	shalt  }
0x56: {  	_ =	shalt  }
0x57: {  	_ =	shalt  }
0x58: {  	_ =	shalt  }
0x59: {  	_ =	shalt  }
0x5a: {  	_ =	shalt  }
0x5b: {  	_ =	shalt  }
0x5c: {  	_ =	shalt  }
0x5d: {  	_ =	shalt  }
0x5e: {  	_ =	shalt  }
0x5f: {  	_ =	shalt  }
0x60: {  	_ =	shalt  }
0x61: {  	_ =	shalt  }
0x62: {  	_ =	shalt  }
0x63: {  	_ =	shalt  }
0x64: {  	_ =	shalt  }
0x65: {  	_ =	shalt  }
0x66: {  	_ =	shalt  }
0x67: {  	_ =	shalt  }
0x68: {  	_ =	shalt  }
0x69: {  	_ =	shalt  }
0x6a: {  	_ =	shalt  }
0x6b: {  	_ =	shalt  }
0x6c: {  	_ =	shalt  }
0x6d: {  	_ =	shalt  }
0x6e: {  	_ =	shalt  }
0x6f: {  	_ =	shalt  }
0x70: {  	_ =	shalt  }
0x71: {  	_ =	shalt  }
0x72: {  	_ =	shalt  }
0x73: {  	_ =	shalt  }
0x74: {  	_ =	shalt  }
0x75: {  	_ =	shalt  }
0x76: {  	_ =	shalt  }
0x77: {  	_ =	shalt  }
0x78: {  	_ =	shalt  }
0x79: {  	_ =	shalt  }
0x7a: {  	_ =	shalt  }
0x7b: {  	_ =	shalt  }
0x7c: {  	_ =	shalt  }
0x7d: {  	_ =	shalt  }
0x7e: {  	_ =	shalt  }
0x7f: {  	_ =	shalt  }
0x80: {  	_ =	shalt  }
0x81: {  	_ =	shalt  }
0x82: {  	_ =	shalt  }
0x83: {  	_ =	shalt  }
0x84: {  	_ =	shalt  }
0x85: {  	_ =	shalt  }
0x86: {  	_ =	shalt  }
0x87: {  	_ =	shalt  }
.Lfunc_end0:
.L_simem_size_0:
called_computation.2_lowered:
.L_overlay_start_0:
0x88: {  	s2 =	sld [smem:$0x3FD9]  }
0x89: {  	s3 =	sld [smem:$0x3FFE];
	_ =	sdelay $0x1  }
0x8a: {  	s1 =	srdreg.scid  }
0x8b: {  	s0 =	sand.u32 $0x1, s1  }
0x8c: {  	s16 =	sshll.u32 s0, $0xA;
	s2 =	sadd.s32 s3, s2  }
0x8d: {  	s2 =	sadd.s32 s2, s16  }
0x8e: {  	[smem:$0x3FBF] =	sst s2  }
0x8f: {  	_ = 	snop  }
0x90: {  	(tm) =	ssettm $0x1  }
0x91: {  	s17 =	sld [smem:$0x3FFB];
	_ =	sdelay $0x3  }
0x92: {  	_ =	strace s17  }
0x93: {  	s2 =	sld [smem:$0x3FFC];
	_ =	sdelay $0x3  }
0x94: {  	_ =	strace s2  }
0x95: {  	s2 =	sld [smem:$0x3FFD];
	_ =	sdelay $0x3  }
0x96: {  	_ =	strace s2  }
0x97: {  	_ =	strace $0x8FFFFFFF  }
0x98: {  	s18 =	sld [smem:$0x3FDB];
	_ =	sdelay $0x1  }
0x99: {  	s19 =	simm.s32 $_scs_section_size  }
0x9a: {  	s4 =	simm.s32 $_size__tile_overlayer_lowered;
	s5 =	simm.s32 $_tile_overlayer_lowered  }
0x9b: {  	s22 =	simm.s32 $0x1BFF;
	s21 =	sshll.u32 s5, $0x1;
	s2 =	sadd.s32 s19, s18  }
0x9c: {  	s6 =	simm.s32 $0x0;
	s20 =	sshll.u32 s4, $0x1;
	s4 =	sadd.s32 s21, s2  }
0x9d: {  	[timem:s6], [sflag:s22] =	dma.local [hbm:s4], s20  }
0x9e: {  	_ =	swait.ge [sflag:s22], s20  }
0x9f: {  	s3 =	ssub.s32 $0x0, s20;
	[sflag:s22] =	ssyncset.done $0x0  }
0xa0: {  	[sflag:s22] =	ssyncadd.s32 s3;
	_ =	sdelay $0x1  }
0xa1: {  	s23 =	simm.s32 $0x1B8B  }
0xa2: {  	_ =	swait.ge [sflag:s23], $0x1  }
0xa3: {  	[sflag:s23] =	ssyncset.done $0x0  }
0xa4: {  	s25 =	simm.s32 $0x1B8E;
	s24 =	sld [smem:$0x3FFE];
	[sflag:s23] =	ssyncadd.s32 $0xFFFFFFFF  }
0xa5: {  	s26 =	simm.s32 $execute0_lowered;
	[smem:$0x3FD2] =	sst s25  }
0xa6: {  	s4 =	sshll.u32 s26, $0x1;
	_ =	strace $0x8000004C;
	[dreg:$0x1] =	wrdreg $0xFFFFFFFF  }
0xa7: {  	s28 =	simm.s32 $_size_execute0_lowered;
	s2 =	sadd.s32 s2, s4;
	[dreg:$0x0] =	wrdreg $0x0  }
0xa8: {  	s4 =	sshll.u32 s28, $0x1;
	[dreg:$0x2] =	wrdreg s2  }
0xa9: {  	[dreg:$0x3] =	wrdreg s4  }
0xaa: {  	[dreg:$0x4] =	wrdreg $0xC0  }
0xab: {  	_ =	task [dreg:s6], $0x5FFFF  }
0xac: {  	[dreg:$0x1] =	wrdreg $0xFFFFFFFF  }
0xad: {  	[dreg:$0x0] =	wrdreg $0x60  }
0xae: {  	[dreg:$0x2] =	wrdreg s24  }
0xaf: {  	[dreg:$0x3] =	wrdreg $0x90000  }
0xb0: {  	[dreg:$0x4] =	wrdreg $0x9  }
0xb1: {  	_ =	task.clear_ibuf [dreg:s6], $0x5FFFF;
	_ =	strace $0x9000004C  }
0xb2: {  	s29 =	simm.s32 $0x9;
	_ =	strace $0x8000004E  }
0xb3: {  	_ =	swait.ge [sflag:s29], $0x1  }
0xb4: {  	[sflag:s29] =	ssyncadd.s32 $0xFFFFFFFF  }
0xb5: {  	_ =	strace $0x9000004E  }
0xb6: {  	_ =	sfence  }
0xb7: {  	s30 =	sld [smem:$0x0];
	_ =	sdelay $0x2  }
0xb8: {  	s31 =	sshll.u32 s1, $0xD;
	s1 =	sshrl.u32 s1, $0x2  }
0xb9: {  	s3 =	sand.u32 $0x4000, s31;
	s1 =	sadd.s32 s1, s30  }
0xba: {  	s0 =	sor.u32 s3, s0;
	s1 =	sshll.u32 s1, $0x11  }
0xbb: {  	s0 =	sor.u32 s1, s0  }
0xbc: {  	s0 =	sadd.s32 $0x8F2B, s0  }
0xbd: {  	[sflag:s0] =	ssyncadd.remote.s32 $0x1  }
0xbe: {  	_ =	sfence.sel $0xFFFF  }
0xbf: {  	[dreg:$0x0] =	wrdreg $0xFFFFFFFF;
	(pc) =	sbr.abs _section_cstart, $3  }
0xc0: {  	[dreg:$0x1] =	wrdreg $0xFFFFFFFF  }
0xc1: {  	_ =	task.clear_ibuf [dreg:s6], $0x2FFFF;
	_ =	strace $0x9FFFFFFF  }
0xc2: {  	(tm) =	ssettm $0x7FFFFFFF  }
0xc3: {  	_ =	shalt  }
tec
execute0_lowered:
.L_overlay_start_1:
0x0: {  	(tag) =	ssettag $0x1  }
0x1: {  	s1 =	srdreg.scid  }
0x2: {  	s1 =	sand.u32 $0x1, s1  }
0x3: {  	p0 =	seq.s32 s1, $0x0  }
.Ltmp0:
0x4: {  	_ = 	snop;
	(pc) =	sbr.rel @p0 .LBB2_8-.Ltmp0, $4  }
0x5: {  	s4 =	rddreg [dreg:$0x0]  }
0x6: {  	s2 =	rddreg [dreg:$0x1];
	s3 =	simm.s32 $0x0  }
0x7: {  	[smem:$0x7FF] =	sst s3  }
0x8: {  	s0 =	rddreg [dreg:$0x2];
	_ =	strace $0x8000004D;
	s1 =	stileid.u32  }
0x9: {  	s8 =	smul.u32 $0x50000, s1  }
0xa: {  	s6 =	smul.u32 $0x2800, s1;
	s3 =	sadd.s32 $0x16C00, s4;
	s5 =	sadd.s32 $0xCC00, s4  }
0xb: {  	s7 =	sadd.s32 $0x2600, s4;
	s9 =	simm.s32 $0x0;
	s31 =	sshrl.u32 s8, $0x2  }
0xc: {  	s10 =	simm.s32 $0x200;
	s6 =	sadd.s32 s6, s4;
	s4 =	sadd.s32 s31, s2  }
0xd: {  	s8 =	smul.u32 $0x5000, s1;
	s6 =	sadd.s32 $0x3EC00, s6;
	s14 =	sadd.s32 $0x4000, s4  }
0xe: {  	v0 =	vimm.f32 $0.0e+00;
	s13 =	sadd.s32 $0x8000, s4;
	s12 =	sadd.s32 $0xC000, s4;
	s11 =	sadd.s32 $0x10000, s4  }
.LBB2_2:
0xf: {  	p0 =	sne.s32 s10, $0xFE00;
	[tilespmem:s9+$0x1070] =	vst v0  }
0x10: {  	[tilespmem:s9+$0x1000] =	vst v0  }
0x11: {  	[tilespmem:s9+$0x1010] =	vst v0  }
.Ltmp1:
0x12: {  	[tilespmem:s9+$0x1020] =	vst v0;
	(pc) =	sbr.rel @p0 .LBB2_2-.Ltmp1, $4  }
0x13: {  	[tilespmem:s9+$0x1030] =	vst v0  }
0x14: {  	[tilespmem:s9+$0x1040] =	vst v0  }
0x15: {  	[tilespmem:s9+$0x1050] =	vst v0  }
0x16: {  	[tilespmem:s9+$0x1060] =	vst v0;
	s9 =	sshra.s32 s10, $0x2;
	s10 =	sadd.s32 $0x200, s10  }
0x17: {  	[tilespmem:s9+$0x1070] =	vst v0  }
0x18: {  	[tilespmem:s9+$0x1000] =	vst v0  }
0x19: {  	[tilespmem:s9+$0x1010] =	vst v0  }
0x1a: {  	[tilespmem:s9+$0x1020] =	vst v0  }
0x1b: {  	[tilespmem:s9+$0x1030] =	vst v0  }
0x1c: {  	[tilespmem:s9+$0x1040] =	vst v0  }
0x1d: {  	[tilespmem:s9+$0x1050] =	vst v0  }
0x1e: {  	[tilespmem:s9+$0x1060] =	vst v0;
	s9 =	simm.s32 $0x1000;
	s10 =	simm.s32 $0x3  }
0x1f: {  	[spmem:s4] =	stream.linear.scatter [tilespmem:s9], [sflag:$0x3], $0x4000, $0x38;
	[tilespmem:$0x1D000] =	vst v63  }
0x20: {  	_ =	swait.ge [sflag:s10], $0x4000  }
0x21: {  	[sflag:s10] =	ssyncset.done $0x0  }
0x22: {  	[sflag:s10] =	ssyncadd.s32 $0xFFFFC000  }
0x23: {  	[spmem:s14] =	stream.linear.scatter [tilespmem:s9], [sflag:$0x3], $0x4000, $0x38;
	[tilespmem:$0x1D000] =	vst v63  }
0x24: {  	_ =	swait.ge [sflag:s10], $0x4000  }
0x25: {  	[sflag:s10] =	ssyncset.done $0x0  }
0x26: {  	[sflag:s10] =	ssyncadd.s32 $0xFFFFC000  }
0x27: {  	[spmem:s13] =	stream.linear.scatter [tilespmem:s9], [sflag:$0x3], $0x4000, $0x38;
	[tilespmem:$0x1D000] =	vst v63  }
0x28: {  	_ =	swait.ge [sflag:s10], $0x4000  }
0x29: {  	[sflag:s10] =	ssyncset.done $0x0  }
0x2a: {  	[sflag:s10] =	ssyncadd.s32 $0xFFFFC000  }
0x2b: {  	[spmem:s12] =	stream.linear.scatter [tilespmem:s9], [sflag:$0x3], $0x4000, $0x38;
	[tilespmem:$0x1D000] =	vst v63  }
0x2c: {  	_ =	swait.ge [sflag:s10], $0x4000  }
0x2d: {  	[sflag:s10] =	ssyncset.done $0x0  }
0x2e: {  	[sflag:s10] =	ssyncadd.s32 $0xFFFFC000  }
0x2f: {  	[spmem:s11] =	stream.linear.scatter [tilespmem:s9], [sflag:$0x3], $0x4000, $0x38;
	[tilespmem:$0x1D000] =	vst v63  }
0x30: {  	s15 =	simm.s32 $0x5000;
	s16 =	simm.s32 $0x1;
	_ =	swait.ge [sflag:s10], $0x4000  }
0x31: {  	s17 =	simm.s32 $0x2;
	s18 =	simm.s32 $0x0;
	[sflag:s10] =	ssyncset.done $0x0  }
0x32: {  	s14 =	simm.s32 $0x80;
	s13 =	simm.s32 $0x800;
	[sflag:s10] =	ssyncadd.s32 $0xFFFFC000  }
0x33: {  	s12 =	simm.s32 $0x9E;
	s11 =	simm.s32 $0x0;
	[bflag:$0x0] =	sbarrier.arrive $0xFFFF  }
.LBB2_4:
0x34: {  	s19 =	sshll.u32 s18, $0xB  }
0x35: {  	s19 =	sadd.s32 s8, s19  }
0x36: {  	s19 =	sshrl.u32 s19, $0x3  }
0x37: {  	s20 =	sadd.s32 s5, s19  }
0x38: {  	[tilespmem:s11], [sflag:$0x3] =	stream.linear.gather [hbm4b:s20+s11], $0x800, $0x38;
	[tilespmem:$0x1D000] =	vst v63  }
0x39: {  	_ =	swait.ge [sflag:s10], $0x800  }
0x3a: {  	[sflag:s10] =	ssyncset.done $0x0  }
0x3b: {  	s24 =	sshll.u32 s18, $0x4;
	s19 =	sadd.s32 s7, s19;
	[sflag:s10] =	ssyncadd.s32 $0xFFFFF800  }
0x3c: {  	[tilespmem:s13], [sflag:$0x3] =	stream.linear.gather [hbm4b:s19+s11], $0x800, $0x38;
	[tilespmem:$0x1D000] =	vst v63  }
0x3d: {  	s25 =	ssub.s32 $0x9E, s24;
	_ =	swait.ge [sflag:s10], $0x800  }
0x3e: {  	s19 =	smin.u32 s25, $0x10;
	[sflag:s10] =	ssyncset.done $0x0  }
0x3f: {  	(drf) =	srem.u32 s17, s19;
	[sflag:s10] =	ssyncadd.s32 $0xFFFFF800  }
0x40: {  	[tilespmem:s9], [sflag:$0x1] =	stream.indirect.gather [hbm4b:s3+s14], $0x80, s11, s14, $0xb8;
	[tilespmem:$0x1D000] =	vst v63  }
0x41: {  	_ = 	snop  }
0x42: {  	[tilespmem:s15], [sflag:$0x2] =	stream.indirect.gather [hbm4b:s3+s14], $0x80, s14, s14, $0xb8;
	[tilespmem:$0x1D000] =	vst v63  }
0x43: {  	_ =	swait.ge [sflag:s16], $0x4000  }
0x44: {  	[sflag:s16] =	ssyncset.done $0x0  }
0x45: {  	s26 =	simm.s32 $0x800;
	[sflag:s16] =	ssyncadd.s32 $0xFFFFC000  }
0x46: {  	[spmem:s2] =	stream.indirect.scatter.add.f32 [tilespmem:s9], [sflag:$0x3], $0x80, s26, s14, $0xb8;
	[tilespmem:$0x1D000] =	vst v63  }
0x47: {  	s28 =	simm.s32 $0x3;
	_ =	swait.ge [sflag:s10], $0x4000  }
0x48: {  	s30 =	smin.u32 s12, $0x10;
	s21 =	spop (drf);
	(drf) =	srem.u32 s28, s19  }
0x49: {  	s31 =	sshrl.u32 s30, $0x1;
	[sflag:s10] =	ssyncset.done $0x0  }
0x4a: {  	p0 =	sne.s32 s31, $0x1;
	[sflag:s10] =	ssyncadd.s32 $0xFFFFC000;
	s29 =	sshll.u32 s21, $0x7  }
0x4b: {  	[tilespmem:s9], [sflag:$0x1] =	stream.indirect.gather [hbm4b:s3+s14], $0x80, s29, s14, $0xb8;
	[tilespmem:$0x1D000] =	vst v63  }
.Ltmp2:
0x4c: {  	_ =	swait.ge [sflag:s17], $0x4000;
	(pc) =	sbr.rel @!p0 .LBB2_6-.Ltmp2, $4  }
0x4d: {  	[sflag:s17] =	ssyncset.done $0x0  }
0x4e: {  	s20 =	simm.s32 $0x880;
	[sflag:s17] =	ssyncadd.s32 $0xFFFFC000  }
0x4f: {  	[spmem:s2] =	stream.indirect.scatter.add.f32 [tilespmem:s15], [sflag:$0x3], $0x80, s20, s14, $0xb8;
	[tilespmem:$0x1D000] =	vst v63  }
0x50: {  	s22 =	simm.s32 $0x4;
	s21 =	sadd.s32 $0xFFFFFFFF, s31;
	_ =	swait.ge [sflag:s10], $0x4000  }
.LBB2_5:
0x51: {  	(drf) =	srem.u32 s22, s19;
	[sflag:s10] =	ssyncset.done $0x0;
	s23 =	spop (drf)  }
0x52: {  	p0 =	sne.s32 s21, $0x1;
	[sflag:s10] =	ssyncadd.s32 $0xFFFFC000;
	s23 =	sshll.u32 s23, $0x7  }
0x53: {  	[tilespmem:s15], [sflag:$0x2] =	stream.indirect.gather [hbm4b:s3+s14], $0x80, s23, s14, $0xb8;
	[tilespmem:$0x1D000] =	vst v63  }
0x54: {  	s21 =	sadd.s32 $0xFFFFFFFF, s21;
	_ =	swait.ge [sflag:s16], $0x4000  }
0x55: {  	s20 =	sadd.s32 $0x100, s20;
	[sflag:s16] =	ssyncset.done $0x0  }
0x56: {  	s23 =	sadd.s32 $0xFFFFFF80, s20;
	[sflag:s16] =	ssyncadd.s32 $0xFFFFC000  }
0x57: {  	[spmem:s2] =	stream.indirect.scatter.add.f32 [tilespmem:s9], [sflag:$0x3], $0x80, s23, s14, $0xb8;
	[tilespmem:$0x1D000] =	vst v63  }
0x58: {  	s23 =	sadd.s32 $0x1, s22  }
0x59: {  	_ =	swait.ge [sflag:s10], $0x4000  }
0x5a: {  	(drf) =	srem.u32 s23, s19  }
0x5b: {  	[sflag:s10] =	ssyncset.done $0x0;
	s23 =	spop (drf)  }
0x5c: {  	[sflag:s10] =	ssyncadd.s32 $0xFFFFC000;
	s23 =	sshll.u32 s23, $0x7  }
0x5d: {  	[tilespmem:s9], [sflag:$0x1] =	stream.indirect.gather [hbm4b:s3+s14], $0x80, s23, s14, $0xb8;
	[tilespmem:$0x1D000] =	vst v63  }
.Ltmp3:
0x5e: {  	_ =	swait.ge [sflag:s17], $0x4000;
	(pc) =	sbr.rel @p0 .LBB2_5-.Ltmp3, $4  }
0x5f: {  	[sflag:s17] =	ssyncset.done $0x0  }
0x60: {  	[sflag:s17] =	ssyncadd.s32 $0xFFFFC000  }
0x61: {  	[spmem:s2] =	stream.indirect.scatter.add.f32 [tilespmem:s15], [sflag:$0x3], $0x80, s20, s14, $0xb8;
	[tilespmem:$0x1D000] =	vst v63  }
0x62: {  	s22 =	sadd.s32 $0x2, s22;
	_ =	swait.ge [sflag:s10], $0x4000  }
.LBB2_6:
0x63: {  	[sflag:s10] =	ssyncset.done $0x0;
	s19 =	spop (drf)  }
0x64: {  	s18 =	sadd.s32 $0x1, s18;
	[sflag:s10] =	ssyncadd.s32 $0xFFFFC000;
	s19 =	sshll.u32 s19, $0x7  }
0x65: {  	[tilespmem:s15], [sflag:$0x2] =	stream.indirect.gather [hbm4b:s3+s14], $0x80, s19, s14, $0xb8;
	[tilespmem:$0x1D000] =	vst v63  }
0x66: {  	p0 =	sne.s32 s18, $0xA;
	_ =	swait.ge [sflag:s16], $0x4000  }
.Ltmp4:
0x67: {  	[sflag:s16] =	ssyncset.done $0x0;
	(pc) =	sbr.rel @p0 .LBB2_4-.Ltmp4, $4  }
0x68: {  	[sflag:s16] =	ssyncadd.s32 $0xFFFFC000  }
0x69: {  	_ =	swait.ge [sflag:s17], $0x4000  }
0x6a: {  	[sflag:s17] =	ssyncset.done $0x0  }
0x6b: {  	s12 =	sadd.s32 $0xFFFFFFF0, s12;
	[sflag:s17] =	ssyncadd.s32 $0xFFFFC000  }
0x6c: {  	s2 =	sshll.u32 s1, $0x6;
	[bflag:$0x0] =	sbarrier.arrive $0xFFFF  }
0x6d: {  	s3 =	sshrl.u32 s4, $0x3;
	s31 =	simm.s32 $0x3;
	s2 =	sor.u32 $0x1C03, s2  }
0x6e: {  	[hbm:s6], [sflag:s2] =	dma.local [spmem:s3], $0x2800  }
0x6f: {  	_ =	swait.ge [sflag:s31], $0x2800  }
0x70: {  	[sflag:s31] =	ssyncset.done $0x0  }
0x71: {  	[sflag:s31] =	ssyncadd.s32 $0xFFFFD800  }
.LBB2_8:
0x72: {  	_ =	sfence.sel $0x180000  }
0x73: {  	[bflag:$0x0] =	sbarrier.arrive $0xFFFF  }
0x74: {  	p0 =	sne.s32 s1, $0x0;
	_ =	strace $0x9000004D  }
0x75: {  	s0 =	sadd.s32 @!p0 $0x100000, s0;
	[bflag:$0x2] =	sbarrier.arrive $0xFFFF  }
0x76: {  	[sflag:s0] =	ssyncadd.tile.s32 @!p0 $0x1;
	_ =	shalt  }
.Lfunc_end2:
_tile_overlayer_lowered:
.L_overlay_start_2:
0x77: {  	(tag) =	ssettag $0x2  }
0x78: {  	s0 =	rddreg [dreg:$0x0];
	s2 =	stileid.u32  }
0x79: {  	s1 =	rddreg [dreg:$0x1];
	p0 =	sne.s32 s2, $0x0  }
0x7a: {  	s3 =	rddreg [dreg:$0x2];
	[bflag:$0x3] =	sbarrier.arrive $0xFFFF;
	s2 =	simm.s32 @!p0 $0x1C03  }
0x7b: {  	[timem:s3], [sflag:s2] =	dma.local @!p0 [hbm:s0], s1  }
0x7c: {  	s0 =	simm.s32 @!p0 $0x3  }
0x7d: {  	_ =	swait.ge @!p0 [sflag:s0], s1  }
0x7e: {  	s1 =	ssub.s32 @!p0 $0x0, s1;
	[sflag:s0] =	ssyncset.done @!p0 $0x0  }
0x7f: {  	[sflag:s0] =	ssyncadd.s32 @!p0 s1  }
0x80: {  	[bflag:$0x3] =	sbarrier.arrive $0xFFFF  }
0x81: {  	_ =	shalt  }

// kernel: kernel.8.cloned.1.call-start
scs
__scs_entry_jumppad:
0x0: {  	(pc) =	sbr.rel $0x88, $3  }
0x1: {  	(tag) =	ssettag $0x0;
	lr =	simm.s32 $0x1  }
0x2: {  	[smem:$0x3F98] =	sst lr;
	_ =	strace $0xD0000000  }
0x3: {  	_ = 	snop  }
0x4: {  	_ = 	snop  }
0x5: {  	_ = 	snop  }
0x6: {  	_ = 	snop  }
0x7: {  	_ = 	snop  }
__scs_overlays_trampoline_lowered:
0x8: {  	[smem:$0x3FA7] =	sst s0  }
0x9: {  	[smem:$0x3FA8] =	sst s1  }
0xa: {  	[smem:$0x3FA9] =	sst s2  }
0xb: {  	[smem:$0x3FAA] =	sst s3  }
0xc: {  	[smem:$0x3FAB] =	sst s4  }
0xd: {  	[smem:$0x3FAC] =	sst s5  }
0xe: {  	[smem:$0x3FAD] =	sst s6  }
0xf: {  	[smem:$0x3FAE] =	sst s7  }
0x10: {  	[smem:$0x3FAF] =	sst s8  }
0x11: {  	[smem:$0x3FB0] =	sst s9;
	s0 =	simm.s32 @!p0 $0x0  }
0x12: {  	s1 =	sld [smem:$0x3F96];
	s0 =	simm.s32 @p0 $0x1  }
0x13: {  	[smem:$0x3FB1] =	sst s0;
	s0 =	simm.s32 @!p1 $0x0  }
0x14: {  	s2 =	sld [smem:$0x3F95];
	s0 =	simm.s32 @p1 $0x1  }
0x15: {  	[smem:$0x3FB2] =	sst s0;
	s0 =	simm.s32 @!p2 $0x0  }
0x16: {  	s3 =	sld [smem:$0x3FDB];
	s0 =	simm.s32 @p2 $0x1  }
0x17: {  	s4 =	simm.s32 $0x1BF5;
	[smem:$0x3FB4] =	sst s0  }
0x18: {  	s0 =	sld [smem:$0x3F97];
	_ =	swait.ge [sflag:s4], $0x0  }
0x19: {  	s7 =	sld [smem:$0x3F98]  }
0x1a: {  	s8 =	sadd.s32 $0xFFFFE003, lr  }
0x1b: {  	s9 =	sadd.s32 $0xFFFFFEF7, lr;
	s5 =	simm.s32 $0xFFFFFFFF;
	p2 =	slt.u32 s8, $0xFFFFF086  }
0x1c: {  	p1 =	slt.u32 s9, $0xF7A;
	s5 =	simm.s32 @!p2 $0x0  }
0x1d: {  	s5 =	simm.s32 @p1 $0x1;
	p0 =	seq.s32 s7, s2  }
0x1e: {  	s7 =	smul.u32 @!p0 $0xF7A, s2;
	p2 =	seq.s32 @!p0 s5, $0x0  }
0x1f: {  	s9 =	smul.u32 $0xF7A, s1;
	s8 =	simm.s32 @!p0 $0x1BF5;
	p2 =	por !p2, p0  }
0x20: {  	[sflag:s8] =	ssyncset.s32 @!p0 $0xFFFFF086;
	s6 =	sadd.s32 @!p0 s3, s7;
	s7 =	simm.s32 @!p0 $0x108  }
0x21: {  	s3 =	sadd.s32 s3, s9;
	s6 =	sadd.s32 @!p0 $0x88, s6;
	s7 =	simm.s32 @p2 $0x1082  }
0x22: {  	[simem:s7], [sflag:s8] =	dma.local @!p0 [hbm:s6], $0xF7A  }
0x23: {  	s9 =	sor.u32 $0xD0000000, s2;
	s6 =	simm.s32 $0x108;
	_ =	swait.ge @!p0 [sflag:s8], $0x0  }
0x24: {  	s3 =	sadd.s32 $0x88, s3;
	s6 =	simm.s32 @!p1 $0x1082;
	[sflag:s4] =	ssyncset.s32 $0xFFFFF086  }
0x25: {  	[simem:s6], [sflag:s4] =	dma.local [hbm:s3], $0xF7A  }
0x26: {  	[smem:$0x3F98] =	sst s1;
	(tag) =	ssettag s2;
	_ =	strace s9  }
0x27: {  	s1 =	sld [smem:$0x3FA8]  }
0x28: {  	s2 =	sld [smem:$0x3FA9]  }
0x29: {  	s4 =	sld [smem:$0x3FAB]  }
0x2a: {  	p0 =	seq.s32 s5, $0x0;
	s5 =	sld [smem:$0x3FAC]  }
0x2b: {  	s6 =	sld [smem:$0x3FAD]  }
0x2c: {  	s7 =	sld [smem:$0x3FAE]  }
0x2d: {  	s3 =	simm.s32 $0x108;
	s8 =	sld [smem:$0x3FAF]  }
0x2e: {  	s3 =	simm.s32 @!p0 $0x1082;
	s9 =	sld [smem:$0x3FB0]  }
0x2f: {  	lr =	sadd.s32 s0, s3;
	s0 =	sld [smem:$0x3FA7]  }
0x30: {  	s3 =	sld [smem:$0x3FAA]  }
0x31: {  	[smem:$0x3FB3] =	sst s10  }
0x32: {  	s10 =	sld [smem:$0x3FB1];
	_ =	sdelay $0x3  }
0x33: {  	p0 =	seq.s32 s10, $0x1;
	s10 =	sld [smem:$0x3FB3];
	_ =	sdelay $0x3  }
0x34: {  	[smem:$0x3FB3] =	sst s10  }
0x35: {  	s10 =	sld [smem:$0x3FB2];
	_ =	sdelay $0x3  }
0x36: {  	p1 =	seq.s32 s10, $0x1;
	s10 =	sld [smem:$0x3FB3];
	_ =	sdelay $0x3  }
0x37: {  	[smem:$0x3FB3] =	sst s10  }
0x38: {  	s10 =	sld [smem:$0x3FB4]  }
0x39: {  	_ = 	snop;
	(pc) =	sbr.ind lr, $3  }
0x3a: {  	_ = 	snop  }
0x3b: {  	_ = 	snop  }
0x3c: {  	p2 =	seq.s32 s10, $0x1;
	s10 =	sld [smem:$0x3FB3]  }
0x3d: {  	_ =	shalt  }
0x3e: {  	_ =	shalt  }
0x3f: {  	_ =	shalt  }
0x40: {  	_ =	shalt  }
0x41: {  	_ =	shalt  }
0x42: {  	_ =	shalt  }
0x43: {  	_ =	shalt  }
0x44: {  	_ =	shalt  }
0x45: {  	_ =	shalt  }
0x46: {  	_ =	shalt  }
0x47: {  	_ =	shalt  }
0x48: {  	_ =	shalt  }
0x49: {  	_ =	shalt  }
0x4a: {  	_ =	shalt  }
0x4b: {  	_ =	shalt  }
0x4c: {  	_ =	shalt  }
0x4d: {  	_ =	shalt  }
0x4e: {  	_ =	shalt  }
0x4f: {  	_ =	shalt  }
0x50: {  	_ =	shalt  }
0x51: {  	_ =	shalt  }
0x52: {  	_ =	shalt  }
0x53: {  	_ =	shalt  }
0x54: {  	_ =	shalt  }
0x55: {  	_ =	shalt  }
0x56: {  	_ =	shalt  }
0x57: {  	_ =	shalt  }
0x58: {  	_ =	shalt  }
0x59: {  	_ =	shalt  }
0x5a: {  	_ =	shalt  }
0x5b: {  	_ =	shalt  }
0x5c: {  	_ =	shalt  }
0x5d: {  	_ =	shalt  }
0x5e: {  	_ =	shalt  }
0x5f: {  	_ =	shalt  }
0x60: {  	_ =	shalt  }
0x61: {  	_ =	shalt  }
0x62: {  	_ =	shalt  }
0x63: {  	_ =	shalt  }
0x64: {  	_ =	shalt  }
0x65: {  	_ =	shalt  }
0x66: {  	_ =	shalt  }
0x67: {  	_ =	shalt  }
0x68: {  	_ =	shalt  }
0x69: {  	_ =	shalt  }
0x6a: {  	_ =	shalt  }
0x6b: {  	_ =	shalt  }
0x6c: {  	_ =	shalt  }
0x6d: {  	_ =	shalt  }
0x6e: {  	_ =	shalt  }
0x6f: {  	_ =	shalt  }
0x70: {  	_ =	shalt  }
0x71: {  	_ =	shalt  }
0x72: {  	_ =	shalt  }
0x73: {  	_ =	shalt  }
0x74: {  	_ =	shalt  }
0x75: {  	_ =	shalt  }
0x76: {  	_ =	shalt  }
0x77: {  	_ =	shalt  }
0x78: {  	_ =	shalt  }
0x79: {  	_ =	shalt  }
0x7a: {  	_ =	shalt  }
0x7b: {  	_ =	shalt  }
0x7c: {  	_ =	shalt  }
0x7d: {  	_ =	shalt  }
0x7e: {  	_ =	shalt  }
0x7f: {  	_ =	shalt  }
0x80: {  	_ =	shalt  }
0x81: {  	_ =	shalt  }
0x82: {  	_ =	shalt  }
0x83: {  	_ =	shalt  }
0x84: {  	_ =	shalt  }
0x85: {  	_ =	shalt  }
0x86: {  	_ =	shalt  }
0x87: {  	_ =	shalt  }
.Lfunc_end0:
.L_simem_size_0:
called_computation_lowered:
.L_overlay_start_0:
0x88: {  	s2 =	sld [smem:$0x3FD9]  }
0x89: {  	s3 =	sld [smem:$0x3FFE];
	_ =	sdelay $0x1  }
0x8a: {  	s1 =	srdreg.scid  }
0x8b: {  	s0 =	sand.u32 $0x1, s1  }
0x8c: {  	s16 =	sshll.u32 s0, $0xA;
	s2 =	sadd.s32 s3, s2  }
0x8d: {  	s2 =	sadd.s32 s2, s16  }
0x8e: {  	[smem:$0x3FBF] =	sst s2  }
0x8f: {  	_ = 	snop  }
0x90: {  	(tm) =	ssettm $0x1  }
0x91: {  	s17 =	sld [smem:$0x3FFB];
	_ =	sdelay $0x3  }
0x92: {  	_ =	strace s17  }
0x93: {  	s2 =	sld [smem:$0x3FFC];
	_ =	sdelay $0x3  }
0x94: {  	_ =	strace s2  }
0x95: {  	s2 =	sld [smem:$0x3FFD];
	_ =	sdelay $0x3  }
0x96: {  	_ =	strace s2  }
0x97: {  	_ =	strace $0x8FFFFFFF  }
0x98: {  	s18 =	sld [smem:$0x3FDB];
	_ =	sdelay $0x1  }
0x99: {  	s19 =	simm.s32 $_scs_section_size  }
0x9a: {  	s4 =	simm.s32 $_size__tile_overlayer_lowered;
	s5 =	simm.s32 $_tile_overlayer_lowered  }
0x9b: {  	s22 =	simm.s32 $0x1BFF;
	s21 =	sshll.u32 s5, $0x1;
	s2 =	sadd.s32 s19, s18  }
0x9c: {  	s6 =	simm.s32 $0x0;
	s20 =	sshll.u32 s4, $0x1;
	s4 =	sadd.s32 s21, s2  }
0x9d: {  	[timem:s6], [sflag:s22] =	dma.local [hbm:s4], s20  }
0x9e: {  	_ =	swait.ge [sflag:s22], s20  }
0x9f: {  	s3 =	ssub.s32 $0x0, s20;
	[sflag:s22] =	ssyncset.done $0x0  }
0xa0: {  	[sflag:s22] =	ssyncadd.s32 s3;
	_ =	sdelay $0x1  }
0xa1: {  	s23 =	simm.s32 $0x1B8B  }
0xa2: {  	_ =	swait.ge [sflag:s23], $0x1  }
0xa3: {  	[sflag:s23] =	ssyncset.done $0x0  }
0xa4: {  	s25 =	simm.s32 $0x1B8E;
	s24 =	sld [smem:$0x3FFE];
	[sflag:s23] =	ssyncadd.s32 $0xFFFFFFFF  }
0xa5: {  	s26 =	simm.s32 $execute0_lowered;
	[smem:$0x3FD2] =	sst s25  }
0xa6: {  	s4 =	sshll.u32 s26, $0x1;
	_ =	strace $0x80000046;
	[dreg:$0x1] =	wrdreg $0xFFFFFFFF  }
0xa7: {  	s28 =	simm.s32 $_size_execute0_lowered;
	s2 =	sadd.s32 s2, s4;
	[dreg:$0x0] =	wrdreg $0x0  }
0xa8: {  	s4 =	sshll.u32 s28, $0x1;
	[dreg:$0x2] =	wrdreg s2  }
0xa9: {  	[dreg:$0x3] =	wrdreg s4  }
0xaa: {  	[dreg:$0x4] =	wrdreg $0xC0  }
0xab: {  	_ =	task [dreg:s6], $0x5FFFF  }
0xac: {  	[dreg:$0x1] =	wrdreg $0xFFFFFFFF  }
0xad: {  	[dreg:$0x0] =	wrdreg $0x60  }
0xae: {  	[dreg:$0x2] =	wrdreg s24  }
0xaf: {  	[dreg:$0x3] =	wrdreg $0x50800  }
0xb0: {  	[dreg:$0x4] =	wrdreg $0x9  }
0xb1: {  	_ =	task.clear_ibuf [dreg:s6], $0x5FFFF;
	_ =	strace $0x90000046  }
0xb2: {  	s29 =	simm.s32 $0x9;
	_ =	strace $0x80000048  }
0xb3: {  	_ =	swait.ge [sflag:s29], $0x1  }
0xb4: {  	[sflag:s29] =	ssyncadd.s32 $0xFFFFFFFF  }
0xb5: {  	_ =	strace $0x90000048  }
0xb6: {  	_ =	sfence  }
0xb7: {  	s30 =	sld [smem:$0x0];
	_ =	sdelay $0x2  }
0xb8: {  	s31 =	sshll.u32 s1, $0xD;
	s1 =	sshrl.u32 s1, $0x2  }
0xb9: {  	s3 =	sand.u32 $0x4000, s31;
	s1 =	sadd.s32 s1, s30  }
0xba: {  	s0 =	sor.u32 s3, s0;
	s1 =	sshll.u32 s1, $0x11  }
0xbb: {  	s0 =	sor.u32 s1, s0  }
0xbc: {  	s0 =	sadd.s32 $0x8F2B, s0  }
0xbd: {  	[sflag:s0] =	ssyncadd.remote.s32 $0x1  }
0xbe: {  	_ =	sfence.sel $0xFFFF  }
0xbf: {  	[dreg:$0x0] =	wrdreg $0xFFFFFFFF;
	(pc) =	sbr.abs _section_cstart, $3  }
0xc0: {  	[dreg:$0x1] =	wrdreg $0xFFFFFFFF  }
0xc1: {  	_ =	task.clear_ibuf [dreg:s6], $0x2FFFF;
	_ =	strace $0x9FFFFFFF  }
0xc2: {  	(tm) =	ssettm $0x7FFFFFFF  }
0xc3: {  	_ =	shalt  }
tec
execute0_lowered:
.L_overlay_start_1:
0x0: {  	(tag) =	ssettag $0x1  }
0x1: {  	s1 =	srdreg.scid  }
0x2: {  	s1 =	sand.u32 $0x1, s1  }
0x3: {  	p0 =	seq.s32 s1, $0x0  }
.Ltmp0:
0x4: {  	_ = 	snop;
	(pc) =	sbr.rel @p0 .LBB2_4-.Ltmp0, $4  }
0x5: {  	s4 =	rddreg [dreg:$0x0]  }
0x6: {  	s2 =	rddreg [dreg:$0x1];
	s7 =	simm.s32 $0x0  }
0x7: {  	[smem:$0x7FF] =	sst s7  }
0x8: {  	s0 =	rddreg [dreg:$0x2];
	_ =	strace $0x80000047;
	s1 =	stileid.u32  }
0x9: {  	v0 =	vimm.f32 $0.0e+00  }
0xa: {  	[tilespmem:$0x5000] =	vst v0  }
0xb: {  	[tilespmem:$0x5010] =	vst v0  }
0xc: {  	[tilespmem:$0x5020] =	vst v0  }
0xd: {  	[tilespmem:$0x5030] =	vst v0  }
0xe: {  	[tilespmem:$0x5040] =	vst v0  }
0xf: {  	s8 =	smul.u32 $0x280, s1;
	[tilespmem:$0x5050] =	vst v0  }
0x10: {  	[tilespmem:$0x5060] =	vst v0  }
0x11: {  	s5 =	simm.s32 $0x5000;
	s6 =	simm.s32 $0x1;
	[tilespmem:$0x5070] =	vst v0;
	s3 =	sadd.s32 s8, s2  }
0x12: {  	[spmem:s3] =	stream.linear.scatter [tilespmem:s5], [sflag:$0x1], $0x80, $0x38;
	[tilespmem:$0x5300] =	vst v63  }
0x13: {  	_ =	swait.ge [sflag:s6], $0x80  }
0x14: {  	[sflag:s6] =	ssyncset.done $0x0  }
0x15: {  	s9 =	sadd.s32 $0x80, s3;
	[sflag:s6] =	ssyncadd.s32 $0xFFFFFF80  }
0x16: {  	[spmem:s9] =	stream.linear.scatter [tilespmem:s5], [sflag:$0x1], $0x80, $0x38;
	[tilespmem:$0x5300] =	vst v63  }
0x17: {  	_ =	swait.ge [sflag:s6], $0x80  }
0x18: {  	[sflag:s6] =	ssyncset.done $0x0  }
0x19: {  	s25 =	sadd.s32 $0x100, s3;
	[sflag:s6] =	ssyncadd.s32 $0xFFFFFF80  }
0x1a: {  	[spmem:s25] =	stream.linear.scatter [tilespmem:s5], [sflag:$0x1], $0x80, $0x38;
	[tilespmem:$0x5300] =	vst v63  }
0x1b: {  	_ =	swait.ge [sflag:s6], $0x80  }
0x1c: {  	[sflag:s6] =	ssyncset.done $0x0  }
0x1d: {  	s26 =	sadd.s32 $0x180, s3;
	[sflag:s6] =	ssyncadd.s32 $0xFFFFFF80  }
0x1e: {  	[spmem:s26] =	stream.linear.scatter [tilespmem:s5], [sflag:$0x1], $0x80, $0x38;
	[tilespmem:$0x5300] =	vst v63  }
0x1f: {  	_ =	swait.ge [sflag:s6], $0x80  }
0x20: {  	[sflag:s6] =	ssyncset.done $0x0  }
0x21: {  	s28 =	sadd.s32 $0x200, s3;
	[sflag:s6] =	ssyncadd.s32 $0xFFFFFF80  }
0x22: {  	[spmem:s28] =	stream.linear.scatter [tilespmem:s5], [sflag:$0x1], $0x80, $0x38;
	[tilespmem:$0x5300] =	vst v63  }
0x23: {  	_ =	swait.ge [sflag:s6], $0x80  }
0x24: {  	[sflag:s6] =	ssyncset.done $0x0  }
0x25: {  	v63 =	vimm.f32 $1.000000000e+00;
	[sflag:s6] =	ssyncadd.s32 $0xFFFFFF80  }
0x26: {  	[tilespmem:$0x5000] =	vst v63  }
0x27: {  	[tilespmem:$0x5010] =	vst v63  }
0x28: {  	[tilespmem:$0x5020] =	vst v63  }
0x29: {  	[tilespmem:$0x5030] =	vst v63  }
0x2a: {  	[tilespmem:$0x5040] =	vst v63  }
0x2b: {  	s29 =	smul.u32 $0xA00, s1;
	[tilespmem:$0x5050] =	vst v63  }
0x2c: {  	s10 =	sadd.s32 $0x2600, s4;
	[tilespmem:$0x5060] =	vst v63  }
0x2d: {  	s9 =	sadd.s32 s10, s29;
	[tilespmem:$0x5070] =	vst v63  }
0x2e: {  	[tilespmem:s7], [sflag:$0x1] =	stream.linear.gather [hbm4b:s9+s7], $0x5000, $0x38;
	[tilespmem:$0x5300] =	vst v63  }
0x2f: {  	_ =	swait.ge [sflag:s6], $0x5000  }
0x30: {  	[sflag:s6] =	ssyncset.done $0x0  }
0x31: {  	s30 =	simm.s32 $0x0;
	[sflag:s6] =	ssyncadd.s32 $0xFFFFB000  }
0x32: {  	s8 =	sshrl.u32 s8, $0x3;
	s7 =	simm.s32 $0x80;
	[bflag:$0x0] =	sbarrier.arrive $0xFFFF  }
0x33: {  	[spmem:s2] =	stream.indirect.scatter.add.f32 [tilespmem:s5], [sflag:$0x1], $0x1, s30, s7, $0xb8;
	[tilespmem:$0x5300] =	vst v63  }
0x34: {  	s31 =	sadd.s32 s8, s4;
	_ =	swait.ge [sflag:s6], $0x80  }
0x35: {  	s8 =	simm.s32 $0x200;
	s4 =	sadd.s32 $0xC600, s31;
	[sflag:s6] =	ssyncset.done $0x0  }
.LBB2_2:
0x36: {  	s9 =	sshra.s32 s8, $0x2;
	[sflag:s6] =	ssyncadd.s32 $0xFFFFFF80;
	p0 =	sne.s32 s8, $0x13A00  }
0x37: {  	[spmem:s2] =	stream.indirect.scatter.add.f32 [tilespmem:s5], [sflag:$0x1], $0x1, s9, s7, $0xb8;
	[tilespmem:$0x5300] =	vst v63  }
.Ltmp1:
0x38: {  	_ = 	snop;
	(pc) =	sbr.rel @p0 .LBB2_2-.Ltmp1, $4  }
0x39: {  	_ = 	snop  }
0x3a: {  	s8 =	sadd.s32 $0x200, s8  }
0x3b: {  	_ =	swait.ge [sflag:s6], $0x80  }
0x3c: {  	[sflag:s6] =	ssyncset.done $0x0  }
0x3d: {  	[sflag:s6] =	ssyncadd.s32 $0xFFFFFF80;
	s2 =	sshll.u32 s1, $0x6;
	s3 =	sshrl.u32 s3, $0x3  }
0x3e: {  	s31 =	simm.s32 $0x1;
	[bflag:$0x0] =	sbarrier.arrive $0xFFFF;
	s2 =	sor.u32 $0x1C01, s2  }
0x3f: {  	[hbm:s4], [sflag:s2] =	dma.local [spmem:s3], $0x50  }
0x40: {  	_ =	swait.ge [sflag:s31], $0x50  }
0x41: {  	[sflag:s31] =	ssyncset.done $0x0  }
0x42: {  	[sflag:s31] =	ssyncadd.s32 $0xFFFFFFB0  }
.LBB2_4:
0x43: {  	_ =	sfence.sel $0x180000  }
0x44: {  	[bflag:$0x0] =	sbarrier.arrive $0xFFFF  }
0x45: {  	p0 =	sne.s32 s1, $0x0;
	_ =	strace $0x90000047  }
0x46: {  	s0 =	sadd.s32 @!p0 $0x100000, s0;
	[bflag:$0x2] =	sbarrier.arrive $0xFFFF  }
0x47: {  	[sflag:s0] =	ssyncadd.tile.s32 @!p0 $0x1;
	_ =	shalt  }
.Lfunc_end2:
_tile_overlayer_lowered:
.L_overlay_start_2:
0x48: {  	(tag) =	ssettag $0x2  }
0x49: {  	s0 =	rddreg [dreg:$0x0];
	s2 =	stileid.u32  }
0x4a: {  	s1 =	rddreg [dreg:$0x1];
	p0 =	sne.s32 s2, $0x0  }
0x4b: {  	s3 =	rddreg [dreg:$0x2];
	[bflag:$0x3] =	sbarrier.arrive $0xFFFF;
	s2 =	simm.s32 @!p0 $0x1C01  }
0x4c: {  	[timem:s3], [sflag:s2] =	dma.local @!p0 [hbm:s0], s1  }
0x4d: {  	s0 =	simm.s32 @!p0 $0x1  }
0x4e: {  	_ =	swait.ge @!p0 [sflag:s0], s1  }
0x4f: {  	s1 =	ssub.s32 @!p0 $0x0, s1;
	[sflag:s0] =	ssyncset.done @!p0 $0x0  }
0x50: {  	[sflag:s0] =	ssyncadd.s32 @!p0 s1  }
0x51: {  	[bflag:$0x3] =	sbarrier.arrive $0xFFFF  }
0x52: {  	_ =	shalt  }

</sc_bundles>
